<compile_context>
chip_gen: v7x
topology: tpu7x:2x2x1
jax: 0.10.2.dev20260603
libtpu: 0.0.44.dev20260713+nightly
codegen_flags: <defaults>
</compile_context>

<pallas_src>
import functools

import jax
import jax.numpy as jnp
from jax import lax
from jax.experimental import pallas as pl
from jax.experimental.pallas import tpu as pltpu
from jax.experimental.pallas import tpu_sc as plsc

B, F, V, D = 4096, 26, 1000, 16
H1, H2 = 400, 400
NC, NS = 2, 16
NW = NC * NS
BF = B * F
PER_W = BF // NW
ROWS_W = B // NW
NRS = 4


@functools.cache
def _make_sc_gather():
    mesh = plsc.VectorSubcoreMesh(
        core_axis_name="c", subcore_axis_name="s",
        num_cores=NC, num_subcores=NS)

    @functools.partial(
        pl.kernel,
        mesh=mesh,
        out_type=(
            jax.ShapeDtypeStruct((NRS, B, 128), jnp.float32),
            jax.ShapeDtypeStruct((B,), jnp.float32),
        ),
        scratch_types=[
            pltpu.VMEM((ROWS_W * 128,), jnp.int32),
            pltpu.VMEM((PER_W,), jnp.int32),
            pltpu.VMEM((PER_W, D), jnp.float32),
            pltpu.VMEM((ROWS_W,), jnp.float32),
            pltpu.VMEM((F * V,), jnp.float32),
            pltpu.SemaphoreType.DMA,
            pltpu.SemaphoreType.DMA,
            pltpu.SemaphoreType.DMA,
        ],
        compiler_params=pltpu.CompilerParams(
            use_tc_tiling_on_sc=False, needs_layout_passes=False),
    )
    def sc_gather(x_hbm, emb_hbm, fmw_hbm, dense_out, lin_out,
                  xb_v, idx_v, rows_v, lin_v, fmtab_v, sem_e, sem_w, sem_t):
        wid = lax.axis_index("s") * NC + lax.axis_index("c")
        brow = wid * ROWS_W
        cp_t = pltpu.async_copy(fmw_hbm.at[0], fmtab_v, sem_t)
        pltpu.sync_copy(x_hbm.at[pl.ds(brow * 128, ROWS_W * 128)], xb_v)

        lane = lax.broadcasted_iota(jnp.int32, (16,), 0)
        lane128 = lane * 128

        def tr_body(g, _):
            src0 = lane128 + g * (16 * 128)
            for f in range(F):
                ii = plsc.load_gather(xb_v, [src0 + f]) + (f * V)
                idx_v[pl.ds(f * ROWS_W + g * 16, 16)] = ii
            return 0

        lax.fori_loop(0, ROWS_W // 16, tr_body, 0)
        cp_e = pltpu.async_copy(emb_hbm.at[idx_v], rows_v, sem_e)
        cp_t.wait()

        def fm_body(g, _):
            acc = jnp.zeros((16,), jnp.float32)
            for f in range(F):
                ii = idx_v[pl.ds(f * ROWS_W + g * 16, 16)]
                acc = acc + plsc.load_gather(fmtab_v, [ii])
            lin_v[pl.ds(g * 16, 16)] = acc
            return 0

        lax.fori_loop(0, ROWS_W // 16, fm_body, 0)
        cp_e.wait()
        cps = []
        for f in range(F):
            rs, c0 = (f * D) // 128, (f * D) % 128
            cps.append(pltpu.async_copy(
                rows_v.at[pl.ds(f * ROWS_W, ROWS_W)],
                dense_out.at[rs, pl.ds(brow, ROWS_W), pl.ds(c0, D)],
                sem_w))
        for cp in cps:
            cp.wait()
        pltpu.sync_copy(lin_v, lin_out.at[pl.ds(brow, ROWS_W)])

    return sc_gather


BLK = 1024


def _tc_body(dense_ref, lin_ref, w1_ref, b1_ref, w2_ref, b2_ref, wl_ref,
             fmb_ref, out_ref):
    d4 = [dense_ref[rs] for rs in range(NRS)]
    padcol = lax.broadcasted_iota(jnp.int32, (BLK, 128), 1)
    d4[3] = jnp.where(padcol < (F * D - 3 * 128), d4[3], 0.0)
    r = lax.broadcasted_iota(jnp.int32, (128, D), 0)
    c = lax.broadcasted_iota(jnp.int32, (128, D), 1)
    msel = jnp.where((r % D) == c, 1.0, 0.0).astype(jnp.float32)
    dsum = d4[0] + d4[1] + d4[2] + d4[3]
    dsq = d4[0] * d4[0] + d4[1] * d4[1] + d4[2] * d4[2] + d4[3] * d4[3]
    s = jnp.dot(dsum, msel, preferred_element_type=jnp.float32)
    ss = jnp.dot(dsq, msel, preferred_element_type=jnp.float32)
    inter = 0.5 * jnp.sum(s * s - ss, axis=1)
    dn = (((1,), (1,)), ((), ()))
    a1 = b1_ref[...]
    for rs in range(NRS):
        a1 = a1 + lax.dot_general(d4[rs].astype(jnp.bfloat16),
                                  w1_ref[:, pl.ds(rs * 128, 128)
                                         ].astype(jnp.bfloat16),
                                  dn, preferred_element_type=jnp.float32)
    a1 = jnp.maximum(a1, 0.0)
    a2 = lax.dot_general(a1.astype(jnp.bfloat16),
                         w2_ref[...].astype(jnp.bfloat16), dn,
                         preferred_element_type=jnp.float32) + b2_ref[...]
    a2 = jnp.maximum(a2, 0.0)
    y = lax.dot_general(a2, wl_ref[...], dn,
                        preferred_element_type=jnp.float32)
    out_ref[...] = lin_ref[...] + inter + y[:, 0] + fmb_ref[0, 0]


def _tc_forward(dense4, lin, w1, b1, w2, b2, wl, fmb):
    return pl.pallas_call(
        _tc_body,
        grid=(B // BLK,),
        in_specs=[
            pl.BlockSpec((NRS, BLK, 128), lambda i: (0, i, 0)),
            pl.BlockSpec((BLK,), lambda i: (i,)),
            pl.BlockSpec((H1, NRS * 128), lambda i: (0, 0)),
            pl.BlockSpec((1, H1), lambda i: (0, 0)),
            pl.BlockSpec((H2, H1), lambda i: (0, 0)),
            pl.BlockSpec((1, H2), lambda i: (0, 0)),
            pl.BlockSpec((1, H2), lambda i: (0, 0)),
            pl.BlockSpec((1, 1), lambda i: (0, 0)),
        ],
        out_specs=pl.BlockSpec((BLK,), lambda i: (i,)),
        out_shape=jax.ShapeDtypeStruct((B,), jnp.float32),
    )(dense4, lin, w1, b1, w2, b2, wl, fmb)


def kernel(x, emb, fm_w, fm_b, w1, b1, w2, b2, w_last):
    xp = jnp.pad(x, ((0, 0), (0, 128 - F))).reshape(B * 128)
    emb_flat = emb.reshape(F * V, D)
    dense4, lin = _make_sc_gather()(xp, emb_flat, fm_w)
    w1p = jnp.pad(w1, ((0, 0), (0, NRS * 128 - F * D)))
    return _tc_forward(dense4, lin, w1p, b1.reshape(1, H1), w2,
                       b2.reshape(1, H2), w_last, fm_b.reshape(1, 1))

# --- scband reference (transcript-rebuilt; emitter-appended) ---
"""Pipeline reference for scband-deep-fmmodel-33672543600867 (READ-ONLY COPY).

The authoritative reference and input builder live on the scoring server;
editing this copy changes nothing except your own understanding.
"""

import jax, jax.numpy as jnp
import numpy as np

B, F, V, D = 4096, 26, 1000, 16
MLP = (400, 400)

def setup_inputs(seed: int = 0):
    key = jax.random.key(seed)
    ks = jax.random.split(key, 9)
    x = jax.random.randint(ks[0], (B, F), 0, V, dtype=jnp.int32)
    emb = jax.random.normal(ks[1], (F, V, D), dtype=jnp.float32) * 0.05  # per-field embedding tables (xavier-like)
    fm_w = jax.random.uniform(ks[2], (1, F * V), dtype=jnp.float32)      # FM linear: uniform init per torch code
    fm_b = jnp.zeros((1,), dtype=jnp.float32)
    w1 = jax.random.normal(ks[3], (MLP[0], F * D), dtype=jnp.float32) * (1.0 / np.sqrt(F * D))
    b1 = jnp.zeros((MLP[0],), dtype=jnp.float32)
    w2 = jax.random.normal(ks[4], (MLP[1], MLP[0]), dtype=jnp.float32) * (1.0 / np.sqrt(MLP[0]))
    b2 = jnp.zeros((MLP[1],), dtype=jnp.float32)
    w_last = jax.random.normal(ks[5], (1, MLP[1]), dtype=jnp.float32) * (1.0 / np.sqrt(MLP[1]))
    return {"x": x, "emb": emb, "fm_w": fm_w, "fm_b": fm_b, "w1": w1, "b1": b1, "w2": w2, "b2": b2, "w_last": w_last}

def reference(x, emb, fm_w, fm_b, w1, b1, w2, b2, w_last):
    # dense_x[f] = embedding[f](x[:, f]) -> gather, stacked to [B, F, D]
    dense = emb[jnp.arange(F)[None, :], x]
    # offsets (all field_dims == V) and one-hot scatter: sparse_x[b, x[b,f]+offset[f]] = 1.0
    offsets = (jnp.arange(F) * V).astype(x.dtype)
    x_off = x + offsets[None, :]
    sparse_x = jnp.zeros((B, F * V), dtype=jnp.float32).at[jnp.arange(B)[:, None], x_off].set(1.0)
    # FM component
    linear_out = sparse_x @ fm_w.T + fm_b  # [B, 1]
    square_of_sum = jnp.sum(dense, axis=1) ** 2
    sum_of_square = jnp.sum(dense ** 2, axis=1)
    fm_out = 0.5 * jnp.sum(square_of_sum - sum_of_square, axis=1)
    y_fm = linear_out[:, 0] + fm_out
    # DNN component (dropout p=0, no BN)
    h = dense.reshape(B, F * D)
    h = jax.nn.relu(h @ w1.T + b1)
    h = jax.nn.relu(h @ w2.T + b2)
    y_dnn = h @ w_last.T  # [B, 1], no bias
    return y_fm + y_dnn[:, 0]

if __name__ == "__main__":
    import jax
    _d = setup_inputs()
    print(jax.jit(kernel)(*tuple(_d.values())))

</pallas_src>

<mosaic_0001>
#map = affine_map<(d0, d1) -> (0)>
#map1 = affine_map<(d0, d1) -> (0, 0)>
#map2 = affine_map<(d0, d1) -> (0, 0, 0)>
module attributes {stable_mosaic.version = 14 : i64} {
  func.func @sc_gather(%arg0: i32, %arg1: i32, %arg2: memref<524288xi32, #tpu.memory_space<hbm>>, %arg3: memref<26000x16xf32, #tpu.memory_space<hbm>>, %arg4: memref<1x26000xf32, #tpu.memory_space<hbm>>, %arg5: memref<4x4096x128xf32, #tpu.memory_space<hbm>>, %arg6: memref<4096xf32, #tpu.memory_space<hbm>>, %arg7: memref<16384xi32, #tpu.memory_space<vmem>>, %arg8: memref<3328xi32, #tpu.memory_space<vmem>>, %arg9: memref<3328x16xf32, #tpu.memory_space<vmem>>, %arg10: memref<128xf32, #tpu.memory_space<vmem>>, %arg11: memref<26000xf32, #tpu.memory_space<vmem>>, %arg12: memref<!tpu.dma_semaphore, #tpu.memory_space<semaphore_mem>>, %arg13: memref<!tpu.dma_semaphore, #tpu.memory_space<semaphore_mem>>, %arg14: memref<!tpu.dma_semaphore, #tpu.memory_space<semaphore_mem>>) attributes {dimension_semantics = [#tpu.dimension_semantics<core_parallel>, #tpu.dimension_semantics<subcore_parallel>], iteration_bounds = array<i64: 2, 16>, scalar_prefetch = 0 : i64, scratch_operands = 8 : i64, tpu.core_type = #tpu.core_type<sc_vector_subcore>, window_params = [{transform_indices = #map}, {transform_indices = #map1}, {transform_indices = #map1}, {transform_indices = #map2}, {transform_indices = #map}]} {
    %mul3A = arith.constant 2 : i32
    %mul3A_0 = arith.muli %arg1, %mul3A : i32
    %add3A = arith.addi %mul3A_0, %arg0 : i32
    %mul3A_1 = arith.constant 128 : i32
    %mul3A_2 = arith.muli %add3A, %mul3A_1 : i32
    %dma_start3A = arith.constant 0 : i32
    %dma_start3A_3 = arith.constant 0 : i32
    %dma_start3A_4 = tpu.memref_slice %arg4[%dma_start3A, %dma_start3A_3] : memref<1x26000xf32, #tpu.memory_space<hbm>> -> memref<1x26000xf32, #tpu.memory_space<hbm>>
    %dma_start3A_5 = tpu.memref_squeeze %dma_start3A_4 : memref<1x26000xf32, #tpu.memory_space<hbm>> -> memref<26000xf32, #tpu.memory_space<hbm>>
    %dma_start3A_6 = arith.constant 0 : i32
    %dma_start3A_7 = tpu.memref_slice %arg4[%dma_start3A, %dma_start3A_6] : memref<1x26000xf32, #tpu.memory_space<hbm>> -> memref<1x26000xf32, #tpu.memory_space<hbm>>
    %dma_start3A_8 = tpu.memref_squeeze %dma_start3A_7 : memref<1x26000xf32, #tpu.memory_space<hbm>> -> memref<26000xf32, #tpu.memory_space<hbm>>
    tpu.enqueue_dma source(%dma_start3A_8 : memref<26000xf32, #tpu.memory_space<hbm>>) target(%arg11 : memref<26000xf32, #tpu.memory_space<vmem>>) target_semaphore(%arg14 : memref<!tpu.dma_semaphore, #tpu.memory_space<semaphore_mem>>)
    %mul3A_9 = arith.constant 128 : i32
    %mul3A_10 = arith.muli %mul3A_2, %mul3A_9 : i32
    "tpu.region"() ({
      %run_scoped3A = tpu.sem_alloc : memref<!tpu.dma_semaphore, #tpu.memory_space<semaphore_mem>>
      %dma_start3A_715 = tpu.memref_slice %arg2[%mul3A_10] : memref<524288xi32, #tpu.memory_space<hbm>> -> memref<16384xi32, #tpu.memory_space<hbm>>
      %dma_start3A_716 = tpu.memref_slice %arg2[%mul3A_10] : memref<524288xi32, #tpu.memory_space<hbm>> -> memref<16384xi32, #tpu.memory_space<hbm>>
      tpu.enqueue_dma source(%dma_start3A_716 : memref<16384xi32, #tpu.memory_space<hbm>>) target(%arg7 : memref<16384xi32, #tpu.memory_space<vmem>>) target_semaphore(%run_scoped3A : memref<!tpu.dma_semaphore, #tpu.memory_space<semaphore_mem>>)
      %dma_wait3A_717 = tpu.memref_slice %arg2[%mul3A_10] : memref<524288xi32, #tpu.memory_space<hbm>> -> memref<16384xi32, #tpu.memory_space<hbm>>
      %dma_wait3A_718 = tpu.memref_slice %arg2[%mul3A_10] : memref<524288xi32, #tpu.memory_space<hbm>> -> memref<16384xi32, #tpu.memory_space<hbm>>
      tpu.wait_dma2 semaphore(%run_scoped3A : memref<!tpu.dma_semaphore, #tpu.memory_space<semaphore_mem>>) src(%dma_wait3A_718 : memref<16384xi32, #tpu.memory_space<hbm>>) dst(%arg7 : memref<16384xi32, #tpu.memory_space<vmem>>)
      tpu.yield
    }) : () -> ()
    %iota3A = tpu.iota {dimensions = array<i32: 0>} : vector<16xi32>
    %mul3A_11 = arith.constant 128 : i32
    %mul3A_12 = vector.broadcast %mul3A_11 : i32 to vector<16xi32>
    %mul3A_13 = arith.muli %iota3A, %mul3A_12 : vector<16xi32>
    %scan3A = arith.constant 0 : i32
    %scan3A_14 = arith.constant 0 : i32
    %scan3A_15 = arith.constant 8 : i32
    %scan3A_16 = arith.addi %scan3A_14, %scan3A_15 : i32
    %scan3A_17 = arith.constant 1 : i32
    %scan3A_18 = scf.for %scan3A_715 = %scan3A_14 to %scan3A_16 step %scan3A_17 iter_args(%scan3A_716 = %scan3A) -> (i32)  : i32 {
      %mul3A_717 = arith.constant 2048 : i32
      %mul3A_718 = arith.muli %scan3A_715, %mul3A_717 : i32
      %add3A_719 = vector.broadcast %mul3A_718 : i32 to vector<16xi32>
      %add3A_720 = arith.addi %mul3A_13, %add3A_719 : vector<16xi32>
      %add3A_721 = arith.constant 0 : i32
      %add3A_722 = vector.broadcast %add3A_721 : i32 to vector<16xi32>
      %add3A_723 = arith.addi %add3A_720, %add3A_722 : vector<16xi32>
      %gather3A = tpu.vector_load_idx %arg7[%add3A_723] : memref<16384xi32, #tpu.memory_space<vmem>>[vector<16xi32>], vector<16xi32>,
      %add3A_724 = arith.constant 0 : i32
      %add3A_725 = vector.broadcast %add3A_724 : i32 to vector<16xi32>
      %add3A_726 = arith.addi %gather3A, %add3A_725 : vector<16xi32>
      %mul3A_727 = arith.constant 16 : i32
      %mul3A_728 = arith.muli %scan3A_715, %mul3A_727 : i32
      %add3A_729 = arith.constant 0 : i32
      %add3A_730 = arith.addi %add3A_729, %mul3A_728 : i32
      %swap3A = arith.index_cast %add3A_730 : i32 to index
      %swap3A_731 = tpu.vector_load %arg8[%swap3A] {strides = array<i32>} : memref<3328xi32, #tpu.memory_space<vmem>>, vector<16xi32>,
      tpu.vector_store %arg8[%swap3A], %add3A_726 {strides = array<i32>} : memref<3328xi32, #tpu.memory_space<vmem>>, vector<16xi32>,
      %add3A_732 = arith.constant 1 : i32
      %add3A_733 = vector.broadcast %add3A_732 : i32 to vector<16xi32>
      %add3A_734 = arith.addi %add3A_720, %add3A_733 : vector<16xi32>
      %gather3A_735 = tpu.vector_load_idx %arg7[%add3A_734] : memref<16384xi32, #tpu.memory_space<vmem>>[vector<16xi32>], vector<16xi32>,
      %add3A_736 = arith.constant 1000 : i32
      %add3A_737 = vector.broadcast %add3A_736 : i32 to vector<16xi32>
      %add3A_738 = arith.addi %gather3A_735, %add3A_737 : vector<16xi32>
      %mul3A_739 = arith.constant 16 : i32
      %mul3A_740 = arith.muli %scan3A_715, %mul3A_739 : i32
      %add3A_741 = arith.constant 128 : i32
      %add3A_742 = arith.addi %add3A_741, %mul3A_740 : i32
      %swap3A_743 = arith.index_cast %add3A_742 : i32 to index
      %swap3A_744 = tpu.vector_load %arg8[%swap3A_743] {strides = array<i32>} : memref<3328xi32, #tpu.memory_space<vmem>>, vector<16xi32>,
      tpu.vector_store %arg8[%swap3A_743], %add3A_738 {strides = array<i32>} : memref<3328xi32, #tpu.memory_space<vmem>>, vector<16xi32>,
      %add3A_745 = arith.constant 2 : i32
      %add3A_746 = vector.broadcast %add3A_745 : i32 to vector<16xi32>
      %add3A_747 = arith.addi %add3A_720, %add3A_746 : vector<16xi32>
      %gather3A_748 = tpu.vector_load_idx %arg7[%add3A_747] : memref<16384xi32, #tpu.memory_space<vmem>>[vector<16xi32>], vector<16xi32>,
      %add3A_749 = arith.constant 2000 : i32
      %add3A_750 = vector.broadcast %add3A_749 : i32 to vector<16xi32>
      %add3A_751 = arith.addi %gather3A_748, %add3A_750 : vector<16xi32>
      %mul3A_752 = arith.constant 16 : i32
      %mul3A_753 = arith.muli %scan3A_715, %mul3A_752 : i32
      %add3A_754 = arith.constant 256 : i32
      %add3A_755 = arith.addi %add3A_754, %mul3A_753 : i32
      %swap3A_756 = arith.index_cast %add3A_755 : i32 to index
      %swap3A_757 = tpu.vector_load %arg8[%swap3A_756] {strides = array<i32>} : memref<3328xi32, #tpu.memory_space<vmem>>, vector<16xi32>,
      tpu.vector_store %arg8[%swap3A_756], %add3A_751 {strides = array<i32>} : memref<3328xi32, #tpu.memory_space<vmem>>, vector<16xi32>,
      %add3A_758 = arith.constant 3 : i32
      %add3A_759 = vector.broadcast %add3A_758 : i32 to vector<16xi32>
      %add3A_760 = arith.addi %add3A_720, %add3A_759 : vector<16xi32>
      %gather3A_761 = tpu.vector_load_idx %arg7[%add3A_760] : memref<16384xi32, #tpu.memory_space<vmem>>[vector<16xi32>], vector<16xi32>,
      %add3A_762 = arith.constant 3000 : i32
      %add3A_763 = vector.broadcast %add3A_762 : i32 to vector<16xi32>
      %add3A_764 = arith.addi %gather3A_761, %add3A_763 : vector<16xi32>
      %mul3A_765 = arith.constant 16 : i32
      %mul3A_766 = arith.muli %scan3A_715, %mul3A_765 : i32
      %add3A_767 = arith.constant 384 : i32
      %add3A_768 = arith.addi %add3A_767, %mul3A_766 : i32
      %swap3A_769 = arith.index_cast %add3A_768 : i32 to index
      %swap3A_770 = tpu.vector_load %arg8[%swap3A_769] {strides = array<i32>} : memref<3328xi32, #tpu.memory_space<vmem>>, vector<16xi32>,
      tpu.vector_store %arg8[%swap3A_769], %add3A_764 {strides = array<i32>} : memref<3328xi32, #tpu.memory_space<vmem>>, vector<16xi32>,
      %add3A_771 = arith.constant 4 : i32
      %add3A_772 = vector.broadcast %add3A_771 : i32 to vector<16xi32>
      %add3A_773 = arith.addi %add3A_720, %add3A_772 : vector<16xi32>
      %gather3A_774 = tpu.vector_load_idx %arg7[%add3A_773] : memref<16384xi32, #tpu.memory_space<vmem>>[vector<16xi32>], vector<16xi32>,
      %add3A_775 = arith.constant 4000 : i32
      %add3A_776 = vector.broadcast %add3A_775 : i32 to vector<16xi32>
      %add3A_777 = arith.addi %gather3A_774, %add3A_776 : vector<16xi32>
      %mul3A_778 = arith.constant 16 : i32
      %mul3A_779 = arith.muli %scan3A_715, %mul3A_778 : i32
      %add3A_780 = arith.constant 512 : i32
      %add3A_781 = arith.addi %add3A_780, %mul3A_779 : i32
      %swap3A_782 = arith.index_cast %add3A_781 : i32 to index
      %swap3A_783 = tpu.vector_load %arg8[%swap3A_782] {strides = array<i32>} : memref<3328xi32, #tpu.memory_space<vmem>>, vector<16xi32>,
      tpu.vector_store %arg8[%swap3A_782], %add3A_777 {strides = array<i32>} : memref<3328xi32, #tpu.memory_space<vmem>>, vector<16xi32>,
      %add3A_784 = arith.constant 5 : i32
      %add3A_785 = vector.broadcast %add3A_784 : i32 to vector<16xi32>
      %add3A_786 = arith.addi %add3A_720, %add3A_785 : vector<16xi32>
      %gather3A_787 = tpu.vector_load_idx %arg7[%add3A_786] : memref<16384xi32, #tpu.memory_space<vmem>>[vector<16xi32>], vector<16xi32>,
      %add3A_788 = arith.constant 5000 : i32
      %add3A_789 = vector.broadcast %add3A_788 : i32 to vector<16xi32>
      %add3A_790 = arith.addi %gather3A_787, %add3A_789 : vector<16xi32>
      %mul3A_791 = arith.constant 16 : i32
      %mul3A_792 = arith.muli %scan3A_715, %mul3A_791 : i32
      %add3A_793 = arith.constant 640 : i32
      %add3A_794 = arith.addi %add3A_793, %mul3A_792 : i32
      %swap3A_795 = arith.index_cast %add3A_794 : i32 to index
      %swap3A_796 = tpu.vector_load %arg8[%swap3A_795] {strides = array<i32>} : memref<3328xi32, #tpu.memory_space<vmem>>, vector<16xi32>,
      tpu.vector_store %arg8[%swap3A_795], %add3A_790 {strides = array<i32>} : memref<3328xi32, #tpu.memory_space<vmem>>, vector<16xi32>,
      %add3A_797 = arith.constant 6 : i32
      %add3A_798 = vector.broadcast %add3A_797 : i32 to vector<16xi32>
      %add3A_799 = arith.addi %add3A_720, %add3A_798 : vector<16xi32>
      %gather3A_800 = tpu.vector_load_idx %arg7[%add3A_799] : memref<16384xi32, #tpu.memory_space<vmem>>[vector<16xi32>], vector<16xi32>,
      %add3A_801 = arith.constant 6000 : i32
      %add3A_802 = vector.broadcast %add3A_801 : i32 to vector<16xi32>
      %add3A_803 = arith.addi %gather3A_800, %add3A_802 : vector<16xi32>
      %mul3A_804 = arith.constant 16 : i32
      %mul3A_805 = arith.muli %scan3A_715, %mul3A_804 : i32
      %add3A_806 = arith.constant 768 : i32
      %add3A_807 = arith.addi %add3A_806, %mul3A_805 : i32
      %swap3A_808 = arith.index_cast %add3A_807 : i32 to index
      %swap3A_809 = tpu.vector_load %arg8[%swap3A_808] {strides = array<i32>} : memref<3328xi32, #tpu.memory_space<vmem>>, vector<16xi32>,
      tpu.vector_store %arg8[%swap3A_808], %add3A_803 {strides = array<i32>} : memref<3328xi32, #tpu.memory_space<vmem>>, vector<16xi32>,
      %add3A_810 = arith.constant 7 : i32
      %add3A_811 = vector.broadcast %add3A_810 : i32 to vector<16xi32>
      %add3A_812 = arith.addi %add3A_720, %add3A_811 : vector<16xi32>
      %gather3A_813 = tpu.vector_load_idx %arg7[%add3A_812] : memref<16384xi32, #tpu.memory_space<vmem>>[vector<16xi32>], vector<16xi32>,
      %add3A_814 = arith.constant 7000 : i32
      %add3A_815 = vector.broadcast %add3A_814 : i32 to vector<16xi32>
      %add3A_816 = arith.addi %gather3A_813, %add3A_815 : vector<16xi32>
      %mul3A_817 = arith.constant 16 : i32
      %mul3A_818 = arith.muli %scan3A_715, %mul3A_817 : i32
      %add3A_819 = arith.constant 896 : i32
      %add3A_820 = arith.addi %add3A_819, %mul3A_818 : i32
      %swap3A_821 = arith.index_cast %add3A_820 : i32 to index
      %swap3A_822 = tpu.vector_load %arg8[%swap3A_821] {strides = array<i32>} : memref<3328xi32, #tpu.memory_space<vmem>>, vector<16xi32>,
      tpu.vector_store %arg8[%swap3A_821], %add3A_816 {strides = array<i32>} : memref<3328xi32, #tpu.memory_space<vmem>>, vector<16xi32>,
      %add3A_823 = arith.constant 8 : i32
      %add3A_824 = vector.broadcast %add3A_823 : i32 to vector<16xi32>
      %add3A_825 = arith.addi %add3A_720, %add3A_824 : vector<16xi32>
      %gather3A_826 = tpu.vector_load_idx %arg7[%add3A_825] : memref<16384xi32, #tpu.memory_space<vmem>>[vector<16xi32>], vector<16xi32>,
      %add3A_827 = arith.constant 8000 : i32
      %add3A_828 = vector.broadcast %add3A_827 : i32 to vector<16xi32>
      %add3A_829 = arith.addi %gather3A_826, %add3A_828 : vector<16xi32>
      %mul3A_830 = arith.constant 16 : i32
      %mul3A_831 = arith.muli %scan3A_715, %mul3A_830 : i32
      %add3A_832 = arith.constant 1024 : i32
      %add3A_833 = arith.addi %add3A_832, %mul3A_831 : i32
      %swap3A_834 = arith.index_cast %add3A_833 : i32 to index
      %swap3A_835 = tpu.vector_load %arg8[%swap3A_834] {strides = array<i32>} : memref<3328xi32, #tpu.memory_space<vmem>>, vector<16xi32>,
      tpu.vector_store %arg8[%swap3A_834], %add3A_829 {strides = array<i32>} : memref<3328xi32, #tpu.memory_space<vmem>>, vector<16xi32>,
      %add3A_836 = arith.constant 9 : i32
      %add3A_837 = vector.broadcast %add3A_836 : i32 to vector<16xi32>
      %add3A_838 = arith.addi %add3A_720, %add3A_837 : vector<16xi32>
      %gather3A_839 = tpu.vector_load_idx %arg7[%add3A_838] : memref<16384xi32, #tpu.memory_space<vmem>>[vector<16xi32>], vector<16xi32>,
      %add3A_840 = arith.constant 9000 : i32
      %add3A_841 = vector.broadcast %add3A_840 : i32 to vector<16xi32>
      %add3A_842 = arith.addi %gather3A_839, %add3A_841 : vector<16xi32>
      %mul3A_843 = arith.constant 16 : i32
      %mul3A_844 = arith.muli %scan3A_715, %mul3A_843 : i32
      %add3A_845 = arith.constant 1152 : i32
      %add3A_846 = arith.addi %add3A_845, %mul3A_844 : i32
      %swap3A_847 = arith.index_cast %add3A_846 : i32 to index
      %swap3A_848 = tpu.vector_load %arg8[%swap3A_847] {strides = array<i32>} : memref<3328xi32, #tpu.memory_space<vmem>>, vector<16xi32>,
      tpu.vector_store %arg8[%swap3A_847], %add3A_842 {strides = array<i32>} : memref<3328xi32, #tpu.memory_space<vmem>>, vector<16xi32>,
      %add3A_849 = arith.constant 10 : i32
      %add3A_850 = vector.broadcast %add3A_849 : i32 to vector<16xi32>
      %add3A_851 = arith.addi %add3A_720, %add3A_850 : vector<16xi32>
      %gather3A_852 = tpu.vector_load_idx %arg7[%add3A_851] : memref<16384xi32, #tpu.memory_space<vmem>>[vector<16xi32>], vector<16xi32>,
      %add3A_853 = arith.constant 10000 : i32
      %add3A_854 = vector.broadcast %add3A_853 : i32 to vector<16xi32>
      %add3A_855 = arith.addi %gather3A_852, %add3A_854 : vector<16xi32>
      %mul3A_856 = arith.constant 16 : i32
      %mul3A_857 = arith.muli %scan3A_715, %mul3A_856 : i32
      %add3A_858 = arith.constant 1280 : i32
      %add3A_859 = arith.addi %add3A_858, %mul3A_857 : i32
      %swap3A_860 = arith.index_cast %add3A_859 : i32 to index
      %swap3A_861 = tpu.vector_load %arg8[%swap3A_860] {strides = array<i32>} : memref<3328xi32, #tpu.memory_space<vmem>>, vector<16xi32>,
      tpu.vector_store %arg8[%swap3A_860], %add3A_855 {strides = array<i32>} : memref<3328xi32, #tpu.memory_space<vmem>>, vector<16xi32>,
      %add3A_862 = arith.constant 11 : i32
      %add3A_863 = vector.broadcast %add3A_862 : i32 to vector<16xi32>
      %add3A_864 = arith.addi %add3A_720, %add3A_863 : vector<16xi32>
      %gather3A_865 = tpu.vector_load_idx %arg7[%add3A_864] : memref<16384xi32, #tpu.memory_space<vmem>>[vector<16xi32>], vector<16xi32>,
      %add3A_866 = arith.constant 11000 : i32
      %add3A_867 = vector.broadcast %add3A_866 : i32 to vector<16xi32>
      %add3A_868 = arith.addi %gather3A_865, %add3A_867 : vector<16xi32>
      %mul3A_869 = arith.constant 16 : i32
      %mul3A_870 = arith.muli %scan3A_715, %mul3A_869 : i32
      %add3A_871 = arith.constant 1408 : i32
      %add3A_872 = arith.addi %add3A_871, %mul3A_870 : i32
      %swap3A_873 = arith.index_cast %add3A_872 : i32 to index
      %swap3A_874 = tpu.vector_load %arg8[%swap3A_873] {strides = array<i32>} : memref<3328xi32, #tpu.memory_space<vmem>>, vector<16xi32>,
      tpu.vector_store %arg8[%swap3A_873], %add3A_868 {strides = array<i32>} : memref<3328xi32, #tpu.memory_space<vmem>>, vector<16xi32>,
      %add3A_875 = arith.constant 12 : i32
      %add3A_876 = vector.broadcast %add3A_875 : i32 to vector<16xi32>
      %add3A_877 = arith.addi %add3A_720, %add3A_876 : vector<16xi32>
      %gather3A_878 = tpu.vector_load_idx %arg7[%add3A_877] : memref<16384xi32, #tpu.memory_space<vmem>>[vector<16xi32>], vector<16xi32>,
      %add3A_879 = arith.constant 12000 : i32
      %add3A_880 = vector.broadcast %add3A_879 : i32 to vector<16xi32>
      %add3A_881 = arith.addi %gather3A_878, %add3A_880 : vector<16xi32>
      %mul3A_882 = arith.constant 16 : i32
      %mul3A_883 = arith.muli %scan3A_715, %mul3A_882 : i32
      %add3A_884 = arith.constant 1536 : i32
      %add3A_885 = arith.addi %add3A_884, %mul3A_883 : i32
      %swap3A_886 = arith.index_cast %add3A_885 : i32 to index
      %swap3A_887 = tpu.vector_load %arg8[%swap3A_886] {strides = array<i32>} : memref<3328xi32, #tpu.memory_space<vmem>>, vector<16xi32>,
      tpu.vector_store %arg8[%swap3A_886], %add3A_881 {strides = array<i32>} : memref<3328xi32, #tpu.memory_space<vmem>>, vector<16xi32>,
      %add3A_888 = arith.constant 13 : i32
      %add3A_889 = vector.broadcast %add3A_888 : i32 to vector<16xi32>
      %add3A_890 = arith.addi %add3A_720, %add3A_889 : vector<16xi32>
      %gather3A_891 = tpu.vector_load_idx %arg7[%add3A_890] : memref<16384xi32, #tpu.memory_space<vmem>>[vector<16xi32>], vector<16xi32>,
      %add3A_892 = arith.constant 13000 : i32
      %add3A_893 = vector.broadcast %add3A_892 : i32 to vector<16xi32>
      %add3A_894 = arith.addi %gather3A_891, %add3A_893 : vector<16xi32>
      %mul3A_895 = arith.constant 16 : i32
      %mul3A_896 = arith.muli %scan3A_715, %mul3A_895 : i32
      %add3A_897 = arith.constant 1664 : i32
      %add3A_898 = arith.addi %add3A_897, %mul3A_896 : i32
      %swap3A_899 = arith.index_cast %add3A_898 : i32 to index
      %swap3A_900 = tpu.vector_load %arg8[%swap3A_899] {strides = array<i32>} : memref<3328xi32, #tpu.memory_space<vmem>>, vector<16xi32>,
      tpu.vector_store %arg8[%swap3A_899], %add3A_894 {strides = array<i32>} : memref<3328xi32, #tpu.memory_space<vmem>>, vector<16xi32>,
      %add3A_901 = arith.constant 14 : i32
      %add3A_902 = vector.broadcast %add3A_901 : i32 to vector<16xi32>
      %add3A_903 = arith.addi %add3A_720, %add3A_902 : vector<16xi32>
      %gather3A_904 = tpu.vector_load_idx %arg7[%add3A_903] : memref<16384xi32, #tpu.memory_space<vmem>>[vector<16xi32>], vector<16xi32>,
      %add3A_905 = arith.constant 14000 : i32
      %add3A_906 = vector.broadcast %add3A_905 : i32 to vector<16xi32>
      %add3A_907 = arith.addi %gather3A_904, %add3A_906 : vector<16xi32>
      %mul3A_908 = arith.constant 16 : i32
      %mul3A_909 = arith.muli %scan3A_715, %mul3A_908 : i32
      %add3A_910 = arith.constant 1792 : i32
      %add3A_911 = arith.addi %add3A_910, %mul3A_909 : i32
      %swap3A_912 = arith.index_cast %add3A_911 : i32 to index
      %swap3A_913 = tpu.vector_load %arg8[%swap3A_912] {strides = array<i32>} : memref<3328xi32, #tpu.memory_space<vmem>>, vector<16xi32>,
      tpu.vector_store %arg8[%swap3A_912], %add3A_907 {strides = array<i32>} : memref<3328xi32, #tpu.memory_space<vmem>>, vector<16xi32>,
      %add3A_914 = arith.constant 15 : i32
      %add3A_915 = vector.broadcast %add3A_914 : i32 to vector<16xi32>
      %add3A_916 = arith.addi %add3A_720, %add3A_915 : vector<16xi32>
      %gather3A_917 = tpu.vector_load_idx %arg7[%add3A_916] : memref<16384xi32, #tpu.memory_space<vmem>>[vector<16xi32>], vector<16xi32>,
      %add3A_918 = arith.constant 15000 : i32
      %add3A_919 = vector.broadcast %add3A_918 : i32 to vector<16xi32>
      %add3A_920 = arith.addi %gather3A_917, %add3A_919 : vector<16xi32>
      %mul3A_921 = arith.constant 16 : i32
      %mul3A_922 = arith.muli %scan3A_715, %mul3A_921 : i32
      %add3A_923 = arith.constant 1920 : i32
      %add3A_924 = arith.addi %add3A_923, %mul3A_922 : i32
      %swap3A_925 = arith.index_cast %add3A_924 : i32 to index
      %swap3A_926 = tpu.vector_load %arg8[%swap3A_925] {strides = array<i32>} : memref<3328xi32, #tpu.memory_space<vmem>>, vector<16xi32>,
      tpu.vector_store %arg8[%swap3A_925], %add3A_920 {strides = array<i32>} : memref<3328xi32, #tpu.memory_space<vmem>>, vector<16xi32>,
      %add3A_927 = arith.constant 16 : i32
      %add3A_928 = vector.broadcast %add3A_927 : i32 to vector<16xi32>
      %add3A_929 = arith.addi %add3A_720, %add3A_928 : vector<16xi32>
      %gather3A_930 = tpu.vector_load_idx %arg7[%add3A_929] : memref<16384xi32, #tpu.memory_space<vmem>>[vector<16xi32>], vector<16xi32>,
      %add3A_931 = arith.constant 16000 : i32
      %add3A_932 = vector.broadcast %add3A_931 : i32 to vector<16xi32>
      %add3A_933 = arith.addi %gather3A_930, %add3A_932 : vector<16xi32>
      %mul3A_934 = arith.constant 16 : i32
      %mul3A_935 = arith.muli %scan3A_715, %mul3A_934 : i32
      %add3A_936 = arith.constant 2048 : i32
      %add3A_937 = arith.addi %add3A_936, %mul3A_935 : i32
      %swap3A_938 = arith.index_cast %add3A_937 : i32 to index
      %swap3A_939 = tpu.vector_load %arg8[%swap3A_938] {strides = array<i32>} : memref<3328xi32, #tpu.memory_space<vmem>>, vector<16xi32>,
      tpu.vector_store %arg8[%swap3A_938], %add3A_933 {strides = array<i32>} : memref<3328xi32, #tpu.memory_space<vmem>>, vector<16xi32>,
      %add3A_940 = arith.constant 17 : i32
      %add3A_941 = vector.broadcast %add3A_940 : i32 to vector<16xi32>
      %add3A_942 = arith.addi %add3A_720, %add3A_941 : vector<16xi32>
      %gather3A_943 = tpu.vector_load_idx %arg7[%add3A_942] : memref<16384xi32, #tpu.memory_space<vmem>>[vector<16xi32>], vector<16xi32>,
      %add3A_944 = arith.constant 17000 : i32
      %add3A_945 = vector.broadcast %add3A_944 : i32 to vector<16xi32>
      %add3A_946 = arith.addi %gather3A_943, %add3A_945 : vector<16xi32>
      %mul3A_947 = arith.constant 16 : i32
      %mul3A_948 = arith.muli %scan3A_715, %mul3A_947 : i32
      %add3A_949 = arith.constant 2176 : i32
      %add3A_950 = arith.addi %add3A_949, %mul3A_948 : i32
      %swap3A_951 = arith.index_cast %add3A_950 : i32 to index
      %swap3A_952 = tpu.vector_load %arg8[%swap3A_951] {strides = array<i32>} : memref<3328xi32, #tpu.memory_space<vmem>>, vector<16xi32>,
      tpu.vector_store %arg8[%swap3A_951], %add3A_946 {strides = array<i32>} : memref<3328xi32, #tpu.memory_space<vmem>>, vector<16xi32>,
      %add3A_953 = arith.constant 18 : i32
      %add3A_954 = vector.broadcast %add3A_953 : i32 to vector<16xi32>
      %add3A_955 = arith.addi %add3A_720, %add3A_954 : vector<16xi32>
      %gather3A_956 = tpu.vector_load_idx %arg7[%add3A_955] : memref<16384xi32, #tpu.memory_space<vmem>>[vector<16xi32>], vector<16xi32>,
      %add3A_957 = arith.constant 18000 : i32
      %add3A_958 = vector.broadcast %add3A_957 : i32 to vector<16xi32>
      %add3A_959 = arith.addi %gather3A_956, %add3A_958 : vector<16xi32>
      %mul3A_960 = arith.constant 16 : i32
      %mul3A_961 = arith.muli %scan3A_715, %mul3A_960 : i32
      %add3A_962 = arith.constant 2304 : i32
      %add3A_963 = arith.addi %add3A_962, %mul3A_961 : i32
      %swap3A_964 = arith.index_cast %add3A_963 : i32 to index
      %swap3A_965 = tpu.vector_load %arg8[%swap3A_964] {strides = array<i32>} : memref<3328xi32, #tpu.memory_space<vmem>>, vector<16xi32>,
      tpu.vector_store %arg8[%swap3A_964], %add3A_959 {strides = array<i32>} : memref<3328xi32, #tpu.memory_space<vmem>>, vector<16xi32>,
      %add3A_966 = arith.constant 19 : i32
      %add3A_967 = vector.broadcast %add3A_966 : i32 to vector<16xi32>
      %add3A_968 = arith.addi %add3A_720, %add3A_967 : vector<16xi32>
      %gather3A_969 = tpu.vector_load_idx %arg7[%add3A_968] : memref<16384xi32, #tpu.memory_space<vmem>>[vector<16xi32>], vector<16xi32>,
      %add3A_970 = arith.constant 19000 : i32
      %add3A_971 = vector.broadcast %add3A_970 : i32 to vector<16xi32>
      %add3A_972 = arith.addi %gather3A_969, %add3A_971 : vector<16xi32>
      %mul3A_973 = arith.constant 16 : i32
      %mul3A_974 = arith.muli %scan3A_715, %mul3A_973 : i32
      %add3A_975 = arith.constant 2432 : i32
      %add3A_976 = arith.addi %add3A_975, %mul3A_974 : i32
      %swap3A_977 = arith.index_cast %add3A_976 : i32 to index
      %swap3A_978 = tpu.vector_load %arg8[%swap3A_977] {strides = array<i32>} : memref<3328xi32, #tpu.memory_space<vmem>>, vector<16xi32>,
      tpu.vector_store %arg8[%swap3A_977], %add3A_972 {strides = array<i32>} : memref<3328xi32, #tpu.memory_space<vmem>>, vector<16xi32>,
      %add3A_979 = arith.constant 20 : i32
      %add3A_980 = vector.broadcast %add3A_979 : i32 to vector<16xi32>
      %add3A_981 = arith.addi %add3A_720, %add3A_980 : vector<16xi32>
      %gather3A_982 = tpu.vector_load_idx %arg7[%add3A_981] : memref<16384xi32, #tpu.memory_space<vmem>>[vector<16xi32>], vector<16xi32>,
      %add3A_983 = arith.constant 20000 : i32
      %add3A_984 = vector.broadcast %add3A_983 : i32 to vector<16xi32>
      %add3A_985 = arith.addi %gather3A_982, %add3A_984 : vector<16xi32>
      %mul3A_986 = arith.constant 16 : i32
      %mul3A_987 = arith.muli %scan3A_715, %mul3A_986 : i32
      %add3A_988 = arith.constant 2560 : i32
      %add3A_989 = arith.addi %add3A_988, %mul3A_987 : i32
      %swap3A_990 = arith.index_cast %add3A_989 : i32 to index
      %swap3A_991 = tpu.vector_load %arg8[%swap3A_990] {strides = array<i32>} : memref<3328xi32, #tpu.memory_space<vmem>>, vector<16xi32>,
      tpu.vector_store %arg8[%swap3A_990], %add3A_985 {strides = array<i32>} : memref<3328xi32, #tpu.memory_space<vmem>>, vector<16xi32>,
      %add3A_992 = arith.constant 21 : i32
      %add3A_993 = vector.broadcast %add3A_992 : i32 to vector<16xi32>
      %add3A_994 = arith.addi %add3A_720, %add3A_993 : vector<16xi32>
      %gather3A_995 = tpu.vector_load_idx %arg7[%add3A_994] : memref<16384xi32, #tpu.memory_space<vmem>>[vector<16xi32>], vector<16xi32>,
      %add3A_996 = arith.constant 21000 : i32
      %add3A_997 = vector.broadcast %add3A_996 : i32 to vector<16xi32>
      %add3A_998 = arith.addi %gather3A_995, %add3A_997 : vector<16xi32>
      %mul3A_999 = arith.constant 16 : i32
      %mul3A_1000 = arith.muli %scan3A_715, %mul3A_999 : i32
      %add3A_1001 = arith.constant 2688 : i32
      %add3A_1002 = arith.addi %add3A_1001, %mul3A_1000 : i32
      %swap3A_1003 = arith.index_cast %add3A_1002 : i32 to index
      %swap3A_1004 = tpu.vector_load %arg8[%swap3A_1003] {strides = array<i32>} : memref<3328xi32, #tpu.memory_space<vmem>>, vector<16xi32>,
      tpu.vector_store %arg8[%swap3A_1003], %add3A_998 {strides = array<i32>} : memref<3328xi32, #tpu.memory_space<vmem>>, vector<16xi32>,
      %add3A_1005 = arith.constant 22 : i32
      %add3A_1006 = vector.broadcast %add3A_1005 : i32 to vector<16xi32>
      %add3A_1007 = arith.addi %add3A_720, %add3A_1006 : vector<16xi32>
      %gather3A_1008 = tpu.vector_load_idx %arg7[%add3A_1007] : memref<16384xi32, #tpu.memory_space<vmem>>[vector<16xi32>], vector<16xi32>,
      %add3A_1009 = arith.constant 22000 : i32
      %add3A_1010 = vector.broadcast %add3A_1009 : i32 to vector<16xi32>
      %add3A_1011 = arith.addi %gather3A_1008, %add3A_1010 : vector<16xi32>
      %mul3A_1012 = arith.constant 16 : i32
      %mul3A_1013 = arith.muli %scan3A_715, %mul3A_1012 : i32
      %add3A_1014 = arith.constant 2816 : i32
      %add3A_1015 = arith.addi %add3A_1014, %mul3A_1013 : i32
      %swap3A_1016 = arith.index_cast %add3A_1015 : i32 to index
      %swap3A_1017 = tpu.vector_load %arg8[%swap3A_1016] {strides = array<i32>} : memref<3328xi32, #tpu.memory_space<vmem>>, vector<16xi32>,
      tpu.vector_store %arg8[%swap3A_1016], %add3A_1011 {strides = array<i32>} : memref<3328xi32, #tpu.memory_space<vmem>>, vector<16xi32>,
      %add3A_1018 = arith.constant 23 : i32
      %add3A_1019 = vector.broadcast %add3A_1018 : i32 to vector<16xi32>
      %add3A_1020 = arith.addi %add3A_720, %add3A_1019 : vector<16xi32>
      %gather3A_1021 = tpu.vector_load_idx %arg7[%add3A_1020] : memref<16384xi32, #tpu.memory_space<vmem>>[vector<16xi32>], vector<16xi32>,
      %add3A_1022 = arith.constant 23000 : i32
      %add3A_1023 = vector.broadcast %add3A_1022 : i32 to vector<16xi32>
      %add3A_1024 = arith.addi %gather3A_1021, %add3A_1023 : vector<16xi32>
      %mul3A_1025 = arith.constant 16 : i32
      %mul3A_1026 = arith.muli %scan3A_715, %mul3A_1025 : i32
      %add3A_1027 = arith.constant 2944 : i32
      %add3A_1028 = arith.addi %add3A_1027, %mul3A_1026 : i32
      %swap3A_1029 = arith.index_cast %add3A_1028 : i32 to index
      %swap3A_1030 = tpu.vector_load %arg8[%swap3A_1029] {strides = array<i32>} : memref<3328xi32, #tpu.memory_space<vmem>>, vector<16xi32>,
      tpu.vector_store %arg8[%swap3A_1029], %add3A_1024 {strides = array<i32>} : memref<3328xi32, #tpu.memory_space<vmem>>, vector<16xi32>,
      %add3A_1031 = arith.constant 24 : i32
      %add3A_1032 = vector.broadcast %add3A_1031 : i32 to vector<16xi32>
      %add3A_1033 = arith.addi %add3A_720, %add3A_1032 : vector<16xi32>
      %gather3A_1034 = tpu.vector_load_idx %arg7[%add3A_1033] : memref<16384xi32, #tpu.memory_space<vmem>>[vector<16xi32>], vector<16xi32>,
      %add3A_1035 = arith.constant 24000 : i32
      %add3A_1036 = vector.broadcast %add3A_1035 : i32 to vector<16xi32>
      %add3A_1037 = arith.addi %gather3A_1034, %add3A_1036 : vector<16xi32>
      %mul3A_1038 = arith.constant 16 : i32
      %mul3A_1039 = arith.muli %scan3A_715, %mul3A_1038 : i32
      %add3A_1040 = arith.constant 3072 : i32
      %add3A_1041 = arith.addi %add3A_1040, %mul3A_1039 : i32
      %swap3A_1042 = arith.index_cast %add3A_1041 : i32 to index
      %swap3A_1043 = tpu.vector_load %arg8[%swap3A_1042] {strides = array<i32>} : memref<3328xi32, #tpu.memory_space<vmem>>, vector<16xi32>,
      tpu.vector_store %arg8[%swap3A_1042], %add3A_1037 {strides = array<i32>} : memref<3328xi32, #tpu.memory_space<vmem>>, vector<16xi32>,
      %add3A_1044 = arith.constant 25 : i32
      %add3A_1045 = vector.broadcast %add3A_1044 : i32 to vector<16xi32>
      %add3A_1046 = arith.addi %add3A_720, %add3A_1045 : vector<16xi32>
      %gather3A_1047 = tpu.vector_load_idx %arg7[%add3A_1046] : memref<16384xi32, #tpu.memory_space<vmem>>[vector<16xi32>], vector<16xi32>,
      %add3A_1048 = arith.constant 25000 : i32
      %add3A_1049 = vector.broadcast %add3A_1048 : i32 to vector<16xi32>
      %add3A_1050 = arith.addi %gather3A_1047, %add3A_1049 : vector<16xi32>
      %mul3A_1051 = arith.constant 16 : i32
      %mul3A_1052 = arith.muli %scan3A_715, %mul3A_1051 : i32
      %add3A_1053 = arith.constant 3200 : i32
      %add3A_1054 = arith.addi %add3A_1053, %mul3A_1052 : i32
      %swap3A_1055 = arith.index_cast %add3A_1054 : i32 to index
      %swap3A_1056 = tpu.vector_load %arg8[%swap3A_1055] {strides = array<i32>} : memref<3328xi32, #tpu.memory_space<vmem>>, vector<16xi32>,
      tpu.vector_store %arg8[%swap3A_1055], %add3A_1050 {strides = array<i32>} : memref<3328xi32, #tpu.memory_space<vmem>>, vector<16xi32>,
      %scan3A_1057 = arith.constant 0 : i32
      scf.yield %scan3A_1057 : i32
    }
    %scan3A_19 = arith.constant 8 : i32
    %dma_start3A_20 = arith.constant 0 : i32
    %dma_start3A_21 = arith.constant 0 : i32
    %dma_start3A_22 = tpu.memref_slice %arg3[%dma_start3A_20, %dma_start3A_21] : memref<26000x16xf32, #tpu.memory_space<hbm>> -> memref<26000x16xf32, #tpu.memory_space<hbm>>
    tpu.enqueue_indirect_dma source(%dma_start3A_22 : memref<26000x16xf32, #tpu.memory_space<hbm>>) target(%arg9 : memref<3328x16xf32, #tpu.memory_space<vmem>>) offsets(%arg8 : memref<3328xi32, #tpu.memory_space<vmem>>) semaphore(%arg12 : memref<!tpu.dma_semaphore, #tpu.memory_space<semaphore_mem>>)
    %dma_wait3A = arith.constant 0 : i32
    %dma_wait3A_23 = arith.constant 0 : i32
    %dma_wait3A_24 = tpu.memref_slice %arg4[%dma_wait3A, %dma_wait3A_23] : memref<1x26000xf32, #tpu.memory_space<hbm>> -> memref<1x26000xf32, #tpu.memory_space<hbm>>
    %dma_wait3A_25 = tpu.memref_squeeze %dma_wait3A_24 : memref<1x26000xf32, #tpu.memory_space<hbm>> -> memref<26000xf32, #tpu.memory_space<hbm>>
    %dma_wait3A_26 = arith.constant 0 : i32
    %dma_wait3A_27 = tpu.memref_slice %arg4[%dma_wait3A, %dma_wait3A_26] : memref<1x26000xf32, #tpu.memory_space<hbm>> -> memref<1x26000xf32, #tpu.memory_space<hbm>>
    %dma_wait3A_28 = tpu.memref_squeeze %dma_wait3A_27 : memref<1x26000xf32, #tpu.memory_space<hbm>> -> memref<26000xf32, #tpu.memory_space<hbm>>
    tpu.wait_dma2 semaphore(%arg14 : memref<!tpu.dma_semaphore, #tpu.memory_space<semaphore_mem>>) src(%dma_wait3A_28 : memref<26000xf32, #tpu.memory_space<hbm>>) dst(%arg11 : memref<26000xf32, #tpu.memory_space<vmem>>)
    %scan3A_29 = arith.constant 0 : i32
    %scan3A_30 = arith.constant 0 : i32
    %scan3A_31 = arith.constant 8 : i32
    %scan3A_32 = arith.addi %scan3A_30, %scan3A_31 : i32
    %scan3A_33 = arith.constant 1 : i32
    %scan3A_34 = scf.for %scan3A_715 = %scan3A_30 to %scan3A_32 step %scan3A_33 iter_args(%scan3A_716 = %scan3A_29) -> (i32)  : i32 {
      %broadcast_in_dim3A = arith.constant 0.000000e+00 : f32
      %broadcast_in_dim3A_717 = vector.broadcast %broadcast_in_dim3A : f32 to vector<16xf32>
      %mul3A_718 = arith.constant 16 : i32
      %mul3A_719 = arith.muli %scan3A_715, %mul3A_718 : i32
      %add3A_720 = arith.constant 0 : i32
      %add3A_721 = arith.addi %add3A_720, %mul3A_719 : i32
      %get3A = arith.index_cast %add3A_721 : i32 to index
      %get3A_722 = tpu.vector_load %arg8[%get3A] {strides = array<i32>} : memref<3328xi32, #tpu.memory_space<vmem>>, vector<16xi32>,
      %gather3A = tpu.vector_load_idx %arg11[%get3A_722] : memref<26000xf32, #tpu.memory_space<vmem>>[vector<16xi32>], vector<16xf32>,
      %add3A_723 = arith.addf %broadcast_in_dim3A_717, %gather3A : vector<16xf32>
      %mul3A_724 = arith.constant 16 : i32
      %mul3A_725 = arith.muli %scan3A_715, %mul3A_724 : i32
      %add3A_726 = arith.constant 128 : i32
      %add3A_727 = arith.addi %add3A_726, %mul3A_725 : i32
      %get3A_728 = arith.index_cast %add3A_727 : i32 to index
      %get3A_729 = tpu.vector_load %arg8[%get3A_728] {strides = array<i32>} : memref<3328xi32, #tpu.memory_space<vmem>>, vector<16xi32>,
      %gather3A_730 = tpu.vector_load_idx %arg11[%get3A_729] : memref<26000xf32, #tpu.memory_space<vmem>>[vector<16xi32>], vector<16xf32>,
      %add3A_731 = arith.addf %add3A_723, %gather3A_730 : vector<16xf32>
      %mul3A_732 = arith.constant 16 : i32
      %mul3A_733 = arith.muli %scan3A_715, %mul3A_732 : i32
      %add3A_734 = arith.constant 256 : i32
      %add3A_735 = arith.addi %add3A_734, %mul3A_733 : i32
      %get3A_736 = arith.index_cast %add3A_735 : i32 to index
      %get3A_737 = tpu.vector_load %arg8[%get3A_736] {strides = array<i32>} : memref<3328xi32, #tpu.memory_space<vmem>>, vector<16xi32>,
      %gather3A_738 = tpu.vector_load_idx %arg11[%get3A_737] : memref<26000xf32, #tpu.memory_space<vmem>>[vector<16xi32>], vector<16xf32>,
      %add3A_739 = arith.addf %add3A_731, %gather3A_738 : vector<16xf32>
      %mul3A_740 = arith.constant 16 : i32
      %mul3A_741 = arith.muli %scan3A_715, %mul3A_740 : i32
      %add3A_742 = arith.constant 384 : i32
      %add3A_743 = arith.addi %add3A_742, %mul3A_741 : i32
      %get3A_744 = arith.index_cast %add3A_743 : i32 to index
      %get3A_745 = tpu.vector_load %arg8[%get3A_744] {strides = array<i32>} : memref<3328xi32, #tpu.memory_space<vmem>>, vector<16xi32>,
      %gather3A_746 = tpu.vector_load_idx %arg11[%get3A_745] : memref<26000xf32, #tpu.memory_space<vmem>>[vector<16xi32>], vector<16xf32>,
      %add3A_747 = arith.addf %add3A_739, %gather3A_746 : vector<16xf32>
      %mul3A_748 = arith.constant 16 : i32
      %mul3A_749 = arith.muli %scan3A_715, %mul3A_748 : i32
      %add3A_750 = arith.constant 512 : i32
      %add3A_751 = arith.addi %add3A_750, %mul3A_749 : i32
      %get3A_752 = arith.index_cast %add3A_751 : i32 to index
      %get3A_753 = tpu.vector_load %arg8[%get3A_752] {strides = array<i32>} : memref<3328xi32, #tpu.memory_space<vmem>>, vector<16xi32>,
      %gather3A_754 = tpu.vector_load_idx %arg11[%get3A_753] : memref<26000xf32, #tpu.memory_space<vmem>>[vector<16xi32>], vector<16xf32>,
      %add3A_755 = arith.addf %add3A_747, %gather3A_754 : vector<16xf32>
      %mul3A_756 = arith.constant 16 : i32
      %mul3A_757 = arith.muli %scan3A_715, %mul3A_756 : i32
      %add3A_758 = arith.constant 640 : i32
      %add3A_759 = arith.addi %add3A_758, %mul3A_757 : i32
      %get3A_760 = arith.index_cast %add3A_759 : i32 to index
      %get3A_761 = tpu.vector_load %arg8[%get3A_760] {strides = array<i32>} : memref<3328xi32, #tpu.memory_space<vmem>>, vector<16xi32>,
      %gather3A_762 = tpu.vector_load_idx %arg11[%get3A_761] : memref<26000xf32, #tpu.memory_space<vmem>>[vector<16xi32>], vector<16xf32>,
      %add3A_763 = arith.addf %add3A_755, %gather3A_762 : vector<16xf32>
      %mul3A_764 = arith.constant 16 : i32
      %mul3A_765 = arith.muli %scan3A_715, %mul3A_764 : i32
      %add3A_766 = arith.constant 768 : i32
      %add3A_767 = arith.addi %add3A_766, %mul3A_765 : i32
      %get3A_768 = arith.index_cast %add3A_767 : i32 to index
      %get3A_769 = tpu.vector_load %arg8[%get3A_768] {strides = array<i32>} : memref<3328xi32, #tpu.memory_space<vmem>>, vector<16xi32>,
      %gather3A_770 = tpu.vector_load_idx %arg11[%get3A_769] : memref<26000xf32, #tpu.memory_space<vmem>>[vector<16xi32>], vector<16xf32>,
      %add3A_771 = arith.addf %add3A_763, %gather3A_770 : vector<16xf32>
      %mul3A_772 = arith.constant 16 : i32
      %mul3A_773 = arith.muli %scan3A_715, %mul3A_772 : i32
      %add3A_774 = arith.constant 896 : i32
      %add3A_775 = arith.addi %add3A_774, %mul3A_773 : i32
      %get3A_776 = arith.index_cast %add3A_775 : i32 to index
      %get3A_777 = tpu.vector_load %arg8[%get3A_776] {strides = array<i32>} : memref<3328xi32, #tpu.memory_space<vmem>>, vector<16xi32>,
      %gather3A_778 = tpu.vector_load_idx %arg11[%get3A_777] : memref<26000xf32, #tpu.memory_space<vmem>>[vector<16xi32>], vector<16xf32>,
      %add3A_779 = arith.addf %add3A_771, %gather3A_778 : vector<16xf32>
      %mul3A_780 = arith.constant 16 : i32
      %mul3A_781 = arith.muli %scan3A_715, %mul3A_780 : i32
      %add3A_782 = arith.constant 1024 : i32
      %add3A_783 = arith.addi %add3A_782, %mul3A_781 : i32
      %get3A_784 = arith.index_cast %add3A_783 : i32 to index
      %get3A_785 = tpu.vector_load %arg8[%get3A_784] {strides = array<i32>} : memref<3328xi32, #tpu.memory_space<vmem>>, vector<16xi32>,
      %gather3A_786 = tpu.vector_load_idx %arg11[%get3A_785] : memref<26000xf32, #tpu.memory_space<vmem>>[vector<16xi32>], vector<16xf32>,
      %add3A_787 = arith.addf %add3A_779, %gather3A_786 : vector<16xf32>
      %mul3A_788 = arith.constant 16 : i32
      %mul3A_789 = arith.muli %scan3A_715, %mul3A_788 : i32
      %add3A_790 = arith.constant 1152 : i32
      %add3A_791 = arith.addi %add3A_790, %mul3A_789 : i32
      %get3A_792 = arith.index_cast %add3A_791 : i32 to index
      %get3A_793 = tpu.vector_load %arg8[%get3A_792] {strides = array<i32>} : memref<3328xi32, #tpu.memory_space<vmem>>, vector<16xi32>,
      %gather3A_794 = tpu.vector_load_idx %arg11[%get3A_793] : memref<26000xf32, #tpu.memory_space<vmem>>[vector<16xi32>], vector<16xf32>,
      %add3A_795 = arith.addf %add3A_787, %gather3A_794 : vector<16xf32>
      %mul3A_796 = arith.constant 16 : i32
      %mul3A_797 = arith.muli %scan3A_715, %mul3A_796 : i32
      %add3A_798 = arith.constant 1280 : i32
      %add3A_799 = arith.addi %add3A_798, %mul3A_797 : i32
      %get3A_800 = arith.index_cast %add3A_799 : i32 to index
      %get3A_801 = tpu.vector_load %arg8[%get3A_800] {strides = array<i32>} : memref<3328xi32, #tpu.memory_space<vmem>>, vector<16xi32>,
      %gather3A_802 = tpu.vector_load_idx %arg11[%get3A_801] : memref<26000xf32, #tpu.memory_space<vmem>>[vector<16xi32>], vector<16xf32>,
      %add3A_803 = arith.addf %add3A_795, %gather3A_802 : vector<16xf32>
      %mul3A_804 = arith.constant 16 : i32
      %mul3A_805 = arith.muli %scan3A_715, %mul3A_804 : i32
      %add3A_806 = arith.constant 1408 : i32
      %add3A_807 = arith.addi %add3A_806, %mul3A_805 : i32
      %get3A_808 = arith.index_cast %add3A_807 : i32 to index
      %get3A_809 = tpu.vector_load %arg8[%get3A_808] {strides = array<i32>} : memref<3328xi32, #tpu.memory_space<vmem>>, vector<16xi32>,
      %gather3A_810 = tpu.vector_load_idx %arg11[%get3A_809] : memref<26000xf32, #tpu.memory_space<vmem>>[vector<16xi32>], vector<16xf32>,
      %add3A_811 = arith.addf %add3A_803, %gather3A_810 : vector<16xf32>
      %mul3A_812 = arith.constant 16 : i32
      %mul3A_813 = arith.muli %scan3A_715, %mul3A_812 : i32
      %add3A_814 = arith.constant 1536 : i32
      %add3A_815 = arith.addi %add3A_814, %mul3A_813 : i32
      %get3A_816 = arith.index_cast %add3A_815 : i32 to index
      %get3A_817 = tpu.vector_load %arg8[%get3A_816] {strides = array<i32>} : memref<3328xi32, #tpu.memory_space<vmem>>, vector<16xi32>,
      %gather3A_818 = tpu.vector_load_idx %arg11[%get3A_817] : memref<26000xf32, #tpu.memory_space<vmem>>[vector<16xi32>], vector<16xf32>,
      %add3A_819 = arith.addf %add3A_811, %gather3A_818 : vector<16xf32>
      %mul3A_820 = arith.constant 16 : i32
      %mul3A_821 = arith.muli %scan3A_715, %mul3A_820 : i32
      %add3A_822 = arith.constant 1664 : i32
      %add3A_823 = arith.addi %add3A_822, %mul3A_821 : i32
      %get3A_824 = arith.index_cast %add3A_823 : i32 to index
      %get3A_825 = tpu.vector_load %arg8[%get3A_824] {strides = array<i32>} : memref<3328xi32, #tpu.memory_space<vmem>>, vector<16xi32>,
      %gather3A_826 = tpu.vector_load_idx %arg11[%get3A_825] : memref<26000xf32, #tpu.memory_space<vmem>>[vector<16xi32>], vector<16xf32>,
      %add3A_827 = arith.addf %add3A_819, %gather3A_826 : vector<16xf32>
      %mul3A_828 = arith.constant 16 : i32
      %mul3A_829 = arith.muli %scan3A_715, %mul3A_828 : i32
      %add3A_830 = arith.constant 1792 : i32
      %add3A_831 = arith.addi %add3A_830, %mul3A_829 : i32
      %get3A_832 = arith.index_cast %add3A_831 : i32 to index
      %get3A_833 = tpu.vector_load %arg8[%get3A_832] {strides = array<i32>} : memref<3328xi32, #tpu.memory_space<vmem>>, vector<16xi32>,
      %gather3A_834 = tpu.vector_load_idx %arg11[%get3A_833] : memref<26000xf32, #tpu.memory_space<vmem>>[vector<16xi32>], vector<16xf32>,
      %add3A_835 = arith.addf %add3A_827, %gather3A_834 : vector<16xf32>
      %mul3A_836 = arith.constant 16 : i32
      %mul3A_837 = arith.muli %scan3A_715, %mul3A_836 : i32
      %add3A_838 = arith.constant 1920 : i32
      %add3A_839 = arith.addi %add3A_838, %mul3A_837 : i32
      %get3A_840 = arith.index_cast %add3A_839 : i32 to index
      %get3A_841 = tpu.vector_load %arg8[%get3A_840] {strides = array<i32>} : memref<3328xi32, #tpu.memory_space<vmem>>, vector<16xi32>,
      %gather3A_842 = tpu.vector_load_idx %arg11[%get3A_841] : memref<26000xf32, #tpu.memory_space<vmem>>[vector<16xi32>], vector<16xf32>,
      %add3A_843 = arith.addf %add3A_835, %gather3A_842 : vector<16xf32>
      %mul3A_844 = arith.constant 16 : i32
      %mul3A_845 = arith.muli %scan3A_715, %mul3A_844 : i32
      %add3A_846 = arith.constant 2048 : i32
      %add3A_847 = arith.addi %add3A_846, %mul3A_845 : i32
      %get3A_848 = arith.index_cast %add3A_847 : i32 to index
      %get3A_849 = tpu.vector_load %arg8[%get3A_848] {strides = array<i32>} : memref<3328xi32, #tpu.memory_space<vmem>>, vector<16xi32>,
      %gather3A_850 = tpu.vector_load_idx %arg11[%get3A_849] : memref<26000xf32, #tpu.memory_space<vmem>>[vector<16xi32>], vector<16xf32>,
      %add3A_851 = arith.addf %add3A_843, %gather3A_850 : vector<16xf32>
      %mul3A_852 = arith.constant 16 : i32
      %mul3A_853 = arith.muli %scan3A_715, %mul3A_852 : i32
      %add3A_854 = arith.constant 2176 : i32
      %add3A_855 = arith.addi %add3A_854, %mul3A_853 : i32
      %get3A_856 = arith.index_cast %add3A_855 : i32 to index
      %get3A_857 = tpu.vector_load %arg8[%get3A_856] {strides = array<i32>} : memref<3328xi32, #tpu.memory_space<vmem>>, vector<16xi32>,
      %gather3A_858 = tpu.vector_load_idx %arg11[%get3A_857] : memref<26000xf32, #tpu.memory_space<vmem>>[vector<16xi32>], vector<16xf32>,
      %add3A_859 = arith.addf %add3A_851, %gather3A_858 : vector<16xf32>
      %mul3A_860 = arith.constant 16 : i32
      %mul3A_861 = arith.muli %scan3A_715, %mul3A_860 : i32
      %add3A_862 = arith.constant 2304 : i32
      %add3A_863 = arith.addi %add3A_862, %mul3A_861 : i32
      %get3A_864 = arith.index_cast %add3A_863 : i32 to index
      %get3A_865 = tpu.vector_load %arg8[%get3A_864] {strides = array<i32>} : memref<3328xi32, #tpu.memory_space<vmem>>, vector<16xi32>,
      %gather3A_866 = tpu.vector_load_idx %arg11[%get3A_865] : memref<26000xf32, #tpu.memory_space<vmem>>[vector<16xi32>], vector<16xf32>,
      %add3A_867 = arith.addf %add3A_859, %gather3A_866 : vector<16xf32>
      %mul3A_868 = arith.constant 16 : i32
      %mul3A_869 = arith.muli %scan3A_715, %mul3A_868 : i32
      %add3A_870 = arith.constant 2432 : i32
      %add3A_871 = arith.addi %add3A_870, %mul3A_869 : i32
      %get3A_872 = arith.index_cast %add3A_871 : i32 to index
      %get3A_873 = tpu.vector_load %arg8[%get3A_872] {strides = array<i32>} : memref<3328xi32, #tpu.memory_space<vmem>>, vector<16xi32>,
      %gather3A_874 = tpu.vector_load_idx %arg11[%get3A_873] : memref<26000xf32, #tpu.memory_space<vmem>>[vector<16xi32>], vector<16xf32>,
      %add3A_875 = arith.addf %add3A_867, %gather3A_874 : vector<16xf32>
      %mul3A_876 = arith.constant 16 : i32
      %mul3A_877 = arith.muli %scan3A_715, %mul3A_876 : i32
      %add3A_878 = arith.constant 2560 : i32
      %add3A_879 = arith.addi %add3A_878, %mul3A_877 : i32
      %get3A_880 = arith.index_cast %add3A_879 : i32 to index
      %get3A_881 = tpu.vector_load %arg8[%get3A_880] {strides = array<i32>} : memref<3328xi32, #tpu.memory_space<vmem>>, vector<16xi32>,
      %gather3A_882 = tpu.vector_load_idx %arg11[%get3A_881] : memref<26000xf32, #tpu.memory_space<vmem>>[vector<16xi32>], vector<16xf32>,
      %add3A_883 = arith.addf %add3A_875, %gather3A_882 : vector<16xf32>
      %mul3A_884 = arith.constant 16 : i32
      %mul3A_885 = arith.muli %scan3A_715, %mul3A_884 : i32
      %add3A_886 = arith.constant 2688 : i32
      %add3A_887 = arith.addi %add3A_886, %mul3A_885 : i32
      %get3A_888 = arith.index_cast %add3A_887 : i32 to index
      %get3A_889 = tpu.vector_load %arg8[%get3A_888] {strides = array<i32>} : memref<3328xi32, #tpu.memory_space<vmem>>, vector<16xi32>,
      %gather3A_890 = tpu.vector_load_idx %arg11[%get3A_889] : memref<26000xf32, #tpu.memory_space<vmem>>[vector<16xi32>], vector<16xf32>,
      %add3A_891 = arith.addf %add3A_883, %gather3A_890 : vector<16xf32>
      %mul3A_892 = arith.constant 16 : i32
      %mul3A_893 = arith.muli %scan3A_715, %mul3A_892 : i32
      %add3A_894 = arith.constant 2816 : i32
      %add3A_895 = arith.addi %add3A_894, %mul3A_893 : i32
      %get3A_896 = arith.index_cast %add3A_895 : i32 to index
      %get3A_897 = tpu.vector_load %arg8[%get3A_896] {strides = array<i32>} : memref<3328xi32, #tpu.memory_space<vmem>>, vector<16xi32>,
      %gather3A_898 = tpu.vector_load_idx %arg11[%get3A_897] : memref<26000xf32, #tpu.memory_space<vmem>>[vector<16xi32>], vector<16xf32>,
      %add3A_899 = arith.addf %add3A_891, %gather3A_898 : vector<16xf32>
      %mul3A_900 = arith.constant 16 : i32
      %mul3A_901 = arith.muli %scan3A_715, %mul3A_900 : i32
      %add3A_902 = arith.constant 2944 : i32
      %add3A_903 = arith.addi %add3A_902, %mul3A_901 : i32
      %get3A_904 = arith.index_cast %add3A_903 : i32 to index
      %get3A_905 = tpu.vector_load %arg8[%get3A_904] {strides = array<i32>} : memref<3328xi32, #tpu.memory_space<vmem>>, vector<16xi32>,
      %gather3A_906 = tpu.vector_load_idx %arg11[%get3A_905] : memref<26000xf32, #tpu.memory_space<vmem>>[vector<16xi32>], vector<16xf32>,
      %add3A_907 = arith.addf %add3A_899, %gather3A_906 : vector<16xf32>
      %mul3A_908 = arith.constant 16 : i32
      %mul3A_909 = arith.muli %scan3A_715, %mul3A_908 : i32
      %add3A_910 = arith.constant 3072 : i32
      %add3A_911 = arith.addi %add3A_910, %mul3A_909 : i32
      %get3A_912 = arith.index_cast %add3A_911 : i32 to index
      %get3A_913 = tpu.vector_load %arg8[%get3A_912] {strides = array<i32>} : memref<3328xi32, #tpu.memory_space<vmem>>, vector<16xi32>,
      %gather3A_914 = tpu.vector_load_idx %arg11[%get3A_913] : memref<26000xf32, #tpu.memory_space<vmem>>[vector<16xi32>], vector<16xf32>,
      %add3A_915 = arith.addf %add3A_907, %gather3A_914 : vector<16xf32>
      %mul3A_916 = arith.constant 16 : i32
      %mul3A_917 = arith.muli %scan3A_715, %mul3A_916 : i32
      %add3A_918 = arith.constant 3200 : i32
      %add3A_919 = arith.addi %add3A_918, %mul3A_917 : i32
      %get3A_920 = arith.index_cast %add3A_919 : i32 to index
      %get3A_921 = tpu.vector_load %arg8[%get3A_920] {strides = array<i32>} : memref<3328xi32, #tpu.memory_space<vmem>>, vector<16xi32>,
      %gather3A_922 = tpu.vector_load_idx %arg11[%get3A_921] : memref<26000xf32, #tpu.memory_space<vmem>>[vector<16xi32>], vector<16xf32>,
      %add3A_923 = arith.addf %add3A_915, %gather3A_922 : vector<16xf32>
      %mul3A_924 = arith.constant 16 : i32
      %mul3A_925 = arith.muli %scan3A_715, %mul3A_924 : i32
      %swap3A = arith.index_cast %mul3A_925 : i32 to index
      %swap3A_926 = tpu.vector_load %arg10[%swap3A] {strides = array<i32>} : memref<128xf32, #tpu.memory_space<vmem>>, vector<16xf32>,
      tpu.vector_store %arg10[%swap3A], %add3A_923 {strides = array<i32>} : memref<128xf32, #tpu.memory_space<vmem>>, vector<16xf32>,
      %scan3A_927 = arith.constant 0 : i32
      scf.yield %scan3A_927 : i32
    }
    %scan3A_35 = arith.constant 8 : i32
    %dma_wait3A_36 = arith.constant 0 : i32
    %dma_wait3A_37 = arith.constant 0 : i32
    %dma_wait3A_38 = tpu.memref_slice %arg3[%dma_wait3A_36, %dma_wait3A_37] : memref<26000x16xf32, #tpu.memory_space<hbm>> -> memref<26000x16xf32, #tpu.memory_space<hbm>>
    tpu.wait_indirect_dma semaphore(%arg12 : memref<!tpu.dma_semaphore, #tpu.memory_space<semaphore_mem>>) src(%dma_wait3A_38 : memref<26000x16xf32, #tpu.memory_space<hbm>>) dst(%arg9 : memref<3328x16xf32, #tpu.memory_space<vmem>>)
    %dma_start3A_39 = arith.constant 0 : i32
    %dma_start3A_40 = arith.constant 0 : i32
    %dma_start3A_41 = arith.constant 0 : i32
    %dma_start3A_42 = tpu.memref_slice %arg9[%dma_start3A_40, %dma_start3A_41] : memref<3328x16xf32, #tpu.memory_space<vmem>> -> memref<128x16xf32, #tpu.memory_space<vmem>>
    %dma_start3A_43 = arith.constant 0 : i32
    %dma_start3A_44 = tpu.memref_slice %arg5[%dma_start3A_39, %mul3A_2, %dma_start3A_43] : memref<4x4096x128xf32, #tpu.memory_space<hbm>> -> memref<1x128x16xf32, #tpu.memory_space<hbm>>
    %dma_start3A_45 = tpu.memref_squeeze %dma_start3A_44 : memref<1x128x16xf32, #tpu.memory_space<hbm>> -> memref<128x16xf32, #tpu.memory_space<hbm>>
    %dma_start3A_46 = arith.constant 0 : i32
    %dma_start3A_47 = tpu.memref_slice %arg5[%dma_start3A_39, %mul3A_2, %dma_start3A_46] : memref<4x4096x128xf32, #tpu.memory_space<hbm>> -> memref<1x128x16xf32, #tpu.memory_space<hbm>>
    %dma_start3A_48 = tpu.memref_squeeze %dma_start3A_47 : memref<1x128x16xf32, #tpu.memory_space<hbm>> -> memref<128x16xf32, #tpu.memory_space<hbm>>
    %dma_start3A_49 = arith.constant 0 : i32
    %dma_start3A_50 = arith.constant 0 : i32
    %dma_start3A_51 = tpu.memref_slice %arg9[%dma_start3A_49, %dma_start3A_50] : memref<3328x16xf32, #tpu.memory_space<vmem>> -> memref<128x16xf32, #tpu.memory_space<vmem>>
    tpu.enqueue_dma source(%dma_start3A_51 : memref<128x16xf32, #tpu.memory_space<vmem>>) target(%dma_start3A_48 : memref<128x16xf32, #tpu.memory_space<hbm>>) target_semaphore(%arg13 : memref<!tpu.dma_semaphore, #tpu.memory_space<semaphore_mem>>)
    %dma_start3A_52 = arith.constant 0 : i32
    %dma_start3A_53 = arith.constant 128 : i32
    %dma_start3A_54 = arith.constant 0 : i32
    %dma_start3A_55 = tpu.memref_slice %arg9[%dma_start3A_53, %dma_start3A_54] : memref<3328x16xf32, #tpu.memory_space<vmem>> -> memref<128x16xf32, #tpu.memory_space<vmem>>
    %dma_start3A_56 = arith.constant 16 : i32
    %dma_start3A_57 = tpu.memref_slice %arg5[%dma_start3A_52, %mul3A_2, %dma_start3A_56] : memref<4x4096x128xf32, #tpu.memory_space<hbm>> -> memref<1x128x16xf32, #tpu.memory_space<hbm>>
    %dma_start3A_58 = tpu.memref_squeeze %dma_start3A_57 : memref<1x128x16xf32, #tpu.memory_space<hbm>> -> memref<128x16xf32, #tpu.memory_space<hbm>>
    %dma_start3A_59 = arith.constant 16 : i32
    %dma_start3A_60 = tpu.memref_slice %arg5[%dma_start3A_52, %mul3A_2, %dma_start3A_59] : memref<4x4096x128xf32, #tpu.memory_space<hbm>> -> memref<1x128x16xf32, #tpu.memory_space<hbm>>
    %dma_start3A_61 = tpu.memref_squeeze %dma_start3A_60 : memref<1x128x16xf32, #tpu.memory_space<hbm>> -> memref<128x16xf32, #tpu.memory_space<hbm>>
    %dma_start3A_62 = arith.constant 128 : i32
    %dma_start3A_63 = arith.constant 0 : i32
    %dma_start3A_64 = tpu.memref_slice %arg9[%dma_start3A_62, %dma_start3A_63] : memref<3328x16xf32, #tpu.memory_space<vmem>> -> memref<128x16xf32, #tpu.memory_space<vmem>>
    tpu.enqueue_dma source(%dma_start3A_64 : memref<128x16xf32, #tpu.memory_space<vmem>>) target(%dma_start3A_61 : memref<128x16xf32, #tpu.memory_space<hbm>>) target_semaphore(%arg13 : memref<!tpu.dma_semaphore, #tpu.memory_space<semaphore_mem>>)
    %dma_start3A_65 = arith.constant 0 : i32
    %dma_start3A_66 = arith.constant 256 : i32
    %dma_start3A_67 = arith.constant 0 : i32
    %dma_start3A_68 = tpu.memref_slice %arg9[%dma_start3A_66, %dma_start3A_67] : memref<3328x16xf32, #tpu.memory_space<vmem>> -> memref<128x16xf32, #tpu.memory_space<vmem>>
    %dma_start3A_69 = arith.constant 32 : i32
    %dma_start3A_70 = tpu.memref_slice %arg5[%dma_start3A_65, %mul3A_2, %dma_start3A_69] : memref<4x4096x128xf32, #tpu.memory_space<hbm>> -> memref<1x128x16xf32, #tpu.memory_space<hbm>>
    %dma_start3A_71 = tpu.memref_squeeze %dma_start3A_70 : memref<1x128x16xf32, #tpu.memory_space<hbm>> -> memref<128x16xf32, #tpu.memory_space<hbm>>
    %dma_start3A_72 = arith.constant 32 : i32
    %dma_start3A_73 = tpu.memref_slice %arg5[%dma_start3A_65, %mul3A_2, %dma_start3A_72] : memref<4x4096x128xf32, #tpu.memory_space<hbm>> -> memref<1x128x16xf32, #tpu.memory_space<hbm>>
    %dma_start3A_74 = tpu.memref_squeeze %dma_start3A_73 : memref<1x128x16xf32, #tpu.memory_space<hbm>> -> memref<128x16xf32, #tpu.memory_space<hbm>>
    %dma_start3A_75 = arith.constant 256 : i32
    %dma_start3A_76 = arith.constant 0 : i32
    %dma_start3A_77 = tpu.memref_slice %arg9[%dma_start3A_75, %dma_start3A_76] : memref<3328x16xf32, #tpu.memory_space<vmem>> -> memref<128x16xf32, #tpu.memory_space<vmem>>
    tpu.enqueue_dma source(%dma_start3A_77 : memref<128x16xf32, #tpu.memory_space<vmem>>) target(%dma_start3A_74 : memref<128x16xf32, #tpu.memory_space<hbm>>) target_semaphore(%arg13 : memref<!tpu.dma_semaphore, #tpu.memory_space<semaphore_mem>>)
    %dma_start3A_78 = arith.constant 0 : i32
    %dma_start3A_79 = arith.constant 384 : i32
    %dma_start3A_80 = arith.constant 0 : i32
    %dma_start3A_81 = tpu.memref_slice %arg9[%dma_start3A_79, %dma_start3A_80] : memref<3328x16xf32, #tpu.memory_space<vmem>> -> memref<128x16xf32, #tpu.memory_space<vmem>>
    %dma_start3A_82 = arith.constant 48 : i32
    %dma_start3A_83 = tpu.memref_slice %arg5[%dma_start3A_78, %mul3A_2, %dma_start3A_82] : memref<4x4096x128xf32, #tpu.memory_space<hbm>> -> memref<1x128x16xf32, #tpu.memory_space<hbm>>
    %dma_start3A_84 = tpu.memref_squeeze %dma_start3A_83 : memref<1x128x16xf32, #tpu.memory_space<hbm>> -> memref<128x16xf32, #tpu.memory_space<hbm>>
    %dma_start3A_85 = arith.constant 48 : i32
    %dma_start3A_86 = tpu.memref_slice %arg5[%dma_start3A_78, %mul3A_2, %dma_start3A_85] : memref<4x4096x128xf32, #tpu.memory_space<hbm>> -> memref<1x128x16xf32, #tpu.memory_space<hbm>>
    %dma_start3A_87 = tpu.memref_squeeze %dma_start3A_86 : memref<1x128x16xf32, #tpu.memory_space<hbm>> -> memref<128x16xf32, #tpu.memory_space<hbm>>
    %dma_start3A_88 = arith.constant 384 : i32
    %dma_start3A_89 = arith.constant 0 : i32
    %dma_start3A_90 = tpu.memref_slice %arg9[%dma_start3A_88, %dma_start3A_89] : memref<3328x16xf32, #tpu.memory_space<vmem>> -> memref<128x16xf32, #tpu.memory_space<vmem>>
    tpu.enqueue_dma source(%dma_start3A_90 : memref<128x16xf32, #tpu.memory_space<vmem>>) target(%dma_start3A_87 : memref<128x16xf32, #tpu.memory_space<hbm>>) target_semaphore(%arg13 : memref<!tpu.dma_semaphore, #tpu.memory_space<semaphore_mem>>)
    %dma_start3A_91 = arith.constant 0 : i32
    %dma_start3A_92 = arith.constant 512 : i32
    %dma_start3A_93 = arith.constant 0 : i32
    %dma_start3A_94 = tpu.memref_slice %arg9[%dma_start3A_92, %dma_start3A_93] : memref<3328x16xf32, #tpu.memory_space<vmem>> -> memref<128x16xf32, #tpu.memory_space<vmem>>
    %dma_start3A_95 = arith.constant 64 : i32
    %dma_start3A_96 = tpu.memref_slice %arg5[%dma_start3A_91, %mul3A_2, %dma_start3A_95] : memref<4x4096x128xf32, #tpu.memory_space<hbm>> -> memref<1x128x16xf32, #tpu.memory_space<hbm>>
    %dma_start3A_97 = tpu.memref_squeeze %dma_start3A_96 : memref<1x128x16xf32, #tpu.memory_space<hbm>> -> memref<128x16xf32, #tpu.memory_space<hbm>>
    %dma_start3A_98 = arith.constant 64 : i32
    %dma_start3A_99 = tpu.memref_slice %arg5[%dma_start3A_91, %mul3A_2, %dma_start3A_98] : memref<4x4096x128xf32, #tpu.memory_space<hbm>> -> memref<1x128x16xf32, #tpu.memory_space<hbm>>
    %dma_start3A_100 = tpu.memref_squeeze %dma_start3A_99 : memref<1x128x16xf32, #tpu.memory_space<hbm>> -> memref<128x16xf32, #tpu.memory_space<hbm>>
    %dma_start3A_101 = arith.constant 512 : i32
    %dma_start3A_102 = arith.constant 0 : i32
    %dma_start3A_103 = tpu.memref_slice %arg9[%dma_start3A_101, %dma_start3A_102] : memref<3328x16xf32, #tpu.memory_space<vmem>> -> memref<128x16xf32, #tpu.memory_space<vmem>>
    tpu.enqueue_dma source(%dma_start3A_103 : memref<128x16xf32, #tpu.memory_space<vmem>>) target(%dma_start3A_100 : memref<128x16xf32, #tpu.memory_space<hbm>>) target_semaphore(%arg13 : memref<!tpu.dma_semaphore, #tpu.memory_space<semaphore_mem>>)
    %dma_start3A_104 = arith.constant 0 : i32
    %dma_start3A_105 = arith.constant 640 : i32
    %dma_start3A_106 = arith.constant 0 : i32
    %dma_start3A_107 = tpu.memref_slice %arg9[%dma_start3A_105, %dma_start3A_106] : memref<3328x16xf32, #tpu.memory_space<vmem>> -> memref<128x16xf32, #tpu.memory_space<vmem>>
    %dma_start3A_108 = arith.constant 80 : i32
    %dma_start3A_109 = tpu.memref_slice %arg5[%dma_start3A_104, %mul3A_2, %dma_start3A_108] : memref<4x4096x128xf32, #tpu.memory_space<hbm>> -> memref<1x128x16xf32, #tpu.memory_space<hbm>>
    %dma_start3A_110 = tpu.memref_squeeze %dma_start3A_109 : memref<1x128x16xf32, #tpu.memory_space<hbm>> -> memref<128x16xf32, #tpu.memory_space<hbm>>
    %dma_start3A_111 = arith.constant 80 : i32
    %dma_start3A_112 = tpu.memref_slice %arg5[%dma_start3A_104, %mul3A_2, %dma_start3A_111] : memref<4x4096x128xf32, #tpu.memory_space<hbm>> -> memref<1x128x16xf32, #tpu.memory_space<hbm>>
    %dma_start3A_113 = tpu.memref_squeeze %dma_start3A_112 : memref<1x128x16xf32, #tpu.memory_space<hbm>> -> memref<128x16xf32, #tpu.memory_space<hbm>>
    %dma_start3A_114 = arith.constant 640 : i32
    %dma_start3A_115 = arith.constant 0 : i32
    %dma_start3A_116 = tpu.memref_slice %arg9[%dma_start3A_114, %dma_start3A_115] : memref<3328x16xf32, #tpu.memory_space<vmem>> -> memref<128x16xf32, #tpu.memory_space<vmem>>
    tpu.enqueue_dma source(%dma_start3A_116 : memref<128x16xf32, #tpu.memory_space<vmem>>) target(%dma_start3A_113 : memref<128x16xf32, #tpu.memory_space<hbm>>) target_semaphore(%arg13 : memref<!tpu.dma_semaphore, #tpu.memory_space<semaphore_mem>>)
    %dma_start3A_117 = arith.constant 0 : i32
    %dma_start3A_118 = arith.constant 768 : i32
    %dma_start3A_119 = arith.constant 0 : i32
    %dma_start3A_120 = tpu.memref_slice %arg9[%dma_start3A_118, %dma_start3A_119] : memref<3328x16xf32, #tpu.memory_space<vmem>> -> memref<128x16xf32, #tpu.memory_space<vmem>>
    %dma_start3A_121 = arith.constant 96 : i32
    %dma_start3A_122 = tpu.memref_slice %arg5[%dma_start3A_117, %mul3A_2, %dma_start3A_121] : memref<4x4096x128xf32, #tpu.memory_space<hbm>> -> memref<1x128x16xf32, #tpu.memory_space<hbm>>
    %dma_start3A_123 = tpu.memref_squeeze %dma_start3A_122 : memref<1x128x16xf32, #tpu.memory_space<hbm>> -> memref<128x16xf32, #tpu.memory_space<hbm>>
    %dma_start3A_124 = arith.constant 96 : i32
    %dma_start3A_125 = tpu.memref_slice %arg5[%dma_start3A_117, %mul3A_2, %dma_start3A_124] : memref<4x4096x128xf32, #tpu.memory_space<hbm>> -> memref<1x128x16xf32, #tpu.memory_space<hbm>>
    %dma_start3A_126 = tpu.memref_squeeze %dma_start3A_125 : memref<1x128x16xf32, #tpu.memory_space<hbm>> -> memref<128x16xf32, #tpu.memory_space<hbm>>
    %dma_start3A_127 = arith.constant 768 : i32
    %dma_start3A_128 = arith.constant 0 : i32
    %dma_start3A_129 = tpu.memref_slice %arg9[%dma_start3A_127, %dma_start3A_128] : memref<3328x16xf32, #tpu.memory_space<vmem>> -> memref<128x16xf32, #tpu.memory_space<vmem>>
    tpu.enqueue_dma source(%dma_start3A_129 : memref<128x16xf32, #tpu.memory_space<vmem>>) target(%dma_start3A_126 : memref<128x16xf32, #tpu.memory_space<hbm>>) target_semaphore(%arg13 : memref<!tpu.dma_semaphore, #tpu.memory_space<semaphore_mem>>)
    %dma_start3A_130 = arith.constant 0 : i32
    %dma_start3A_131 = arith.constant 896 : i32
    %dma_start3A_132 = arith.constant 0 : i32
    %dma_start3A_133 = tpu.memref_slice %arg9[%dma_start3A_131, %dma_start3A_132] : memref<3328x16xf32, #tpu.memory_space<vmem>> -> memref<128x16xf32, #tpu.memory_space<vmem>>
    %dma_start3A_134 = arith.constant 112 : i32
    %dma_start3A_135 = tpu.memref_slice %arg5[%dma_start3A_130, %mul3A_2, %dma_start3A_134] : memref<4x4096x128xf32, #tpu.memory_space<hbm>> -> memref<1x128x16xf32, #tpu.memory_space<hbm>>
    %dma_start3A_136 = tpu.memref_squeeze %dma_start3A_135 : memref<1x128x16xf32, #tpu.memory_space<hbm>> -> memref<128x16xf32, #tpu.memory_space<hbm>>
    %dma_start3A_137 = arith.constant 112 : i32
    %dma_start3A_138 = tpu.memref_slice %arg5[%dma_start3A_130, %mul3A_2, %dma_start3A_137] : memref<4x4096x128xf32, #tpu.memory_space<hbm>> -> memref<1x128x16xf32, #tpu.memory_space<hbm>>
    %dma_start3A_139 = tpu.memref_squeeze %dma_start3A_138 : memref<1x128x16xf32, #tpu.memory_space<hbm>> -> memref<128x16xf32, #tpu.memory_space<hbm>>
    %dma_start3A_140 = arith.constant 896 : i32
    %dma_start3A_141 = arith.constant 0 : i32
    %dma_start3A_142 = tpu.memref_slice %arg9[%dma_start3A_140, %dma_start3A_141] : memref<3328x16xf32, #tpu.memory_space<vmem>> -> memref<128x16xf32, #tpu.memory_space<vmem>>
    tpu.enqueue_dma source(%dma_start3A_142 : memref<128x16xf32, #tpu.memory_space<vmem>>) target(%dma_start3A_139 : memref<128x16xf32, #tpu.memory_space<hbm>>) target_semaphore(%arg13 : memref<!tpu.dma_semaphore, #tpu.memory_space<semaphore_mem>>)
    %dma_start3A_143 = arith.constant 1 : i32
    %dma_start3A_144 = arith.constant 1024 : i32
    %dma_start3A_145 = arith.constant 0 : i32
    %dma_start3A_146 = tpu.memref_slice %arg9[%dma_start3A_144, %dma_start3A_145] : memref<3328x16xf32, #tpu.memory_space<vmem>> -> memref<128x16xf32, #tpu.memory_space<vmem>>
    %dma_start3A_147 = arith.constant 0 : i32
    %dma_start3A_148 = tpu.memref_slice %arg5[%dma_start3A_143, %mul3A_2, %dma_start3A_147] : memref<4x4096x128xf32, #tpu.memory_space<hbm>> -> memref<1x128x16xf32, #tpu.memory_space<hbm>>
    %dma_start3A_149 = tpu.memref_squeeze %dma_start3A_148 : memref<1x128x16xf32, #tpu.memory_space<hbm>> -> memref<128x16xf32, #tpu.memory_space<hbm>>
    %dma_start3A_150 = arith.constant 0 : i32
    %dma_start3A_151 = tpu.memref_slice %arg5[%dma_start3A_143, %mul3A_2, %dma_start3A_150] : memref<4x4096x128xf32, #tpu.memory_space<hbm>> -> memref<1x128x16xf32, #tpu.memory_space<hbm>>
    %dma_start3A_152 = tpu.memref_squeeze %dma_start3A_151 : memref<1x128x16xf32, #tpu.memory_space<hbm>> -> memref<128x16xf32, #tpu.memory_space<hbm>>
    %dma_start3A_153 = arith.constant 1024 : i32
    %dma_start3A_154 = arith.constant 0 : i32
    %dma_start3A_155 = tpu.memref_slice %arg9[%dma_start3A_153, %dma_start3A_154] : memref<3328x16xf32, #tpu.memory_space<vmem>> -> memref<128x16xf32, #tpu.memory_space<vmem>>
    tpu.enqueue_dma source(%dma_start3A_155 : memref<128x16xf32, #tpu.memory_space<vmem>>) target(%dma_start3A_152 : memref<128x16xf32, #tpu.memory_space<hbm>>) target_semaphore(%arg13 : memref<!tpu.dma_semaphore, #tpu.memory_space<semaphore_mem>>)
    %dma_start3A_156 = arith.constant 1 : i32
    %dma_start3A_157 = arith.constant 1152 : i32
    %dma_start3A_158 = arith.constant 0 : i32
    %dma_start3A_159 = tpu.memref_slice %arg9[%dma_start3A_157, %dma_start3A_158] : memref<3328x16xf32, #tpu.memory_space<vmem>> -> memref<128x16xf32, #tpu.memory_space<vmem>>
    %dma_start3A_160 = arith.constant 16 : i32
    %dma_start3A_161 = tpu.memref_slice %arg5[%dma_start3A_156, %mul3A_2, %dma_start3A_160] : memref<4x4096x128xf32, #tpu.memory_space<hbm>> -> memref<1x128x16xf32, #tpu.memory_space<hbm>>
    %dma_start3A_162 = tpu.memref_squeeze %dma_start3A_161 : memref<1x128x16xf32, #tpu.memory_space<hbm>> -> memref<128x16xf32, #tpu.memory_space<hbm>>
    %dma_start3A_163 = arith.constant 16 : i32
    %dma_start3A_164 = tpu.memref_slice %arg5[%dma_start3A_156, %mul3A_2, %dma_start3A_163] : memref<4x4096x128xf32, #tpu.memory_space<hbm>> -> memref<1x128x16xf32, #tpu.memory_space<hbm>>
    %dma_start3A_165 = tpu.memref_squeeze %dma_start3A_164 : memref<1x128x16xf32, #tpu.memory_space<hbm>> -> memref<128x16xf32, #tpu.memory_space<hbm>>
    %dma_start3A_166 = arith.constant 1152 : i32
    %dma_start3A_167 = arith.constant 0 : i32
    %dma_start3A_168 = tpu.memref_slice %arg9[%dma_start3A_166, %dma_start3A_167] : memref<3328x16xf32, #tpu.memory_space<vmem>> -> memref<128x16xf32, #tpu.memory_space<vmem>>
    tpu.enqueue_dma source(%dma_start3A_168 : memref<128x16xf32, #tpu.memory_space<vmem>>) target(%dma_start3A_165 : memref<128x16xf32, #tpu.memory_space<hbm>>) target_semaphore(%arg13 : memref<!tpu.dma_semaphore, #tpu.memory_space<semaphore_mem>>)
    %dma_start3A_169 = arith.constant 1 : i32
    %dma_start3A_170 = arith.constant 1280 : i32
    %dma_start3A_171 = arith.constant 0 : i32
    %dma_start3A_172 = tpu.memref_slice %arg9[%dma_start3A_170, %dma_start3A_171] : memref<3328x16xf32, #tpu.memory_space<vmem>> -> memref<128x16xf32, #tpu.memory_space<vmem>>
    %dma_start3A_173 = arith.constant 32 : i32
    %dma_start3A_174 = tpu.memref_slice %arg5[%dma_start3A_169, %mul3A_2, %dma_start3A_173] : memref<4x4096x128xf32, #tpu.memory_space<hbm>> -> memref<1x128x16xf32, #tpu.memory_space<hbm>>
    %dma_start3A_175 = tpu.memref_squeeze %dma_start3A_174 : memref<1x128x16xf32, #tpu.memory_space<hbm>> -> memref<128x16xf32, #tpu.memory_space<hbm>>
    %dma_start3A_176 = arith.constant 32 : i32
    %dma_start3A_177 = tpu.memref_slice %arg5[%dma_start3A_169, %mul3A_2, %dma_start3A_176] : memref<4x4096x128xf32, #tpu.memory_space<hbm>> -> memref<1x128x16xf32, #tpu.memory_space<hbm>>
    %dma_start3A_178 = tpu.memref_squeeze %dma_start3A_177 : memref<1x128x16xf32, #tpu.memory_space<hbm>> -> memref<128x16xf32, #tpu.memory_space<hbm>>
    %dma_start3A_179 = arith.constant 1280 : i32
    %dma_start3A_180 = arith.constant 0 : i32
    %dma_start3A_181 = tpu.memref_slice %arg9[%dma_start3A_179, %dma_start3A_180] : memref<3328x16xf32, #tpu.memory_space<vmem>> -> memref<128x16xf32, #tpu.memory_space<vmem>>
    tpu.enqueue_dma source(%dma_start3A_181 : memref<128x16xf32, #tpu.memory_space<vmem>>) target(%dma_start3A_178 : memref<128x16xf32, #tpu.memory_space<hbm>>) target_semaphore(%arg13 : memref<!tpu.dma_semaphore, #tpu.memory_space<semaphore_mem>>)
    %dma_start3A_182 = arith.constant 1 : i32
    %dma_start3A_183 = arith.constant 1408 : i32
    %dma_start3A_184 = arith.constant 0 : i32
    %dma_start3A_185 = tpu.memref_slice %arg9[%dma_start3A_183, %dma_start3A_184] : memref<3328x16xf32, #tpu.memory_space<vmem>> -> memref<128x16xf32, #tpu.memory_space<vmem>>
    %dma_start3A_186 = arith.constant 48 : i32
    %dma_start3A_187 = tpu.memref_slice %arg5[%dma_start3A_182, %mul3A_2, %dma_start3A_186] : memref<4x4096x128xf32, #tpu.memory_space<hbm>> -> memref<1x128x16xf32, #tpu.memory_space<hbm>>
    %dma_start3A_188 = tpu.memref_squeeze %dma_start3A_187 : memref<1x128x16xf32, #tpu.memory_space<hbm>> -> memref<128x16xf32, #tpu.memory_space<hbm>>
    %dma_start3A_189 = arith.constant 48 : i32
    %dma_start3A_190 = tpu.memref_slice %arg5[%dma_start3A_182, %mul3A_2, %dma_start3A_189] : memref<4x4096x128xf32, #tpu.memory_space<hbm>> -> memref<1x128x16xf32, #tpu.memory_space<hbm>>
    %dma_start3A_191 = tpu.memref_squeeze %dma_start3A_190 : memref<1x128x16xf32, #tpu.memory_space<hbm>> -> memref<128x16xf32, #tpu.memory_space<hbm>>
    %dma_start3A_192 = arith.constant 1408 : i32
    %dma_start3A_193 = arith.constant 0 : i32
    %dma_start3A_194 = tpu.memref_slice %arg9[%dma_start3A_192, %dma_start3A_193] : memref<3328x16xf32, #tpu.memory_space<vmem>> -> memref<128x16xf32, #tpu.memory_space<vmem>>
    tpu.enqueue_dma source(%dma_start3A_194 : memref<128x16xf32, #tpu.memory_space<vmem>>) target(%dma_start3A_191 : memref<128x16xf32, #tpu.memory_space<hbm>>) target_semaphore(%arg13 : memref<!tpu.dma_semaphore, #tpu.memory_space<semaphore_mem>>)
    %dma_start3A_195 = arith.constant 1 : i32
    %dma_start3A_196 = arith.constant 1536 : i32
    %dma_start3A_197 = arith.constant 0 : i32
    %dma_start3A_198 = tpu.memref_slice %arg9[%dma_start3A_196, %dma_start3A_197] : memref<3328x16xf32, #tpu.memory_space<vmem>> -> memref<128x16xf32, #tpu.memory_space<vmem>>
    %dma_start3A_199 = arith.constant 64 : i32
    %dma_start3A_200 = tpu.memref_slice %arg5[%dma_start3A_195, %mul3A_2, %dma_start3A_199] : memref<4x4096x128xf32, #tpu.memory_space<hbm>> -> memref<1x128x16xf32, #tpu.memory_space<hbm>>
    %dma_start3A_201 = tpu.memref_squeeze %dma_start3A_200 : memref<1x128x16xf32, #tpu.memory_space<hbm>> -> memref<128x16xf32, #tpu.memory_space<hbm>>
    %dma_start3A_202 = arith.constant 64 : i32
    %dma_start3A_203 = tpu.memref_slice %arg5[%dma_start3A_195, %mul3A_2, %dma_start3A_202] : memref<4x4096x128xf32, #tpu.memory_space<hbm>> -> memref<1x128x16xf32, #tpu.memory_space<hbm>>
    %dma_start3A_204 = tpu.memref_squeeze %dma_start3A_203 : memref<1x128x16xf32, #tpu.memory_space<hbm>> -> memref<128x16xf32, #tpu.memory_space<hbm>>
    %dma_start3A_205 = arith.constant 1536 : i32
    %dma_start3A_206 = arith.constant 0 : i32
    %dma_start3A_207 = tpu.memref_slice %arg9[%dma_start3A_205, %dma_start3A_206] : memref<3328x16xf32, #tpu.memory_space<vmem>> -> memref<128x16xf32, #tpu.memory_space<vmem>>
    tpu.enqueue_dma source(%dma_start3A_207 : memref<128x16xf32, #tpu.memory_space<vmem>>) target(%dma_start3A_204 : memref<128x16xf32, #tpu.memory_space<hbm>>) target_semaphore(%arg13 : memref<!tpu.dma_semaphore, #tpu.memory_space<semaphore_mem>>)
    %dma_start3A_208 = arith.constant 1 : i32
    %dma_start3A_209 = arith.constant 1664 : i32
    %dma_start3A_210 = arith.constant 0 : i32
    %dma_start3A_211 = tpu.memref_slice %arg9[%dma_start3A_209, %dma_start3A_210] : memref<3328x16xf32, #tpu.memory_space<vmem>> -> memref<128x16xf32, #tpu.memory_space<vmem>>
    %dma_start3A_212 = arith.constant 80 : i32
    %dma_start3A_213 = tpu.memref_slice %arg5[%dma_start3A_208, %mul3A_2, %dma_start3A_212] : memref<4x4096x128xf32, #tpu.memory_space<hbm>> -> memref<1x128x16xf32, #tpu.memory_space<hbm>>
    %dma_start3A_214 = tpu.memref_squeeze %dma_start3A_213 : memref<1x128x16xf32, #tpu.memory_space<hbm>> -> memref<128x16xf32, #tpu.memory_space<hbm>>
    %dma_start3A_215 = arith.constant 80 : i32
    %dma_start3A_216 = tpu.memref_slice %arg5[%dma_start3A_208, %mul3A_2, %dma_start3A_215] : memref<4x4096x128xf32, #tpu.memory_space<hbm>> -> memref<1x128x16xf32, #tpu.memory_space<hbm>>
    %dma_start3A_217 = tpu.memref_squeeze %dma_start3A_216 : memref<1x128x16xf32, #tpu.memory_space<hbm>> -> memref<128x16xf32, #tpu.memory_space<hbm>>
    %dma_start3A_218 = arith.constant 1664 : i32
    %dma_start3A_219 = arith.constant 0 : i32
    %dma_start3A_220 = tpu.memref_slice %arg9[%dma_start3A_218, %dma_start3A_219] : memref<3328x16xf32, #tpu.memory_space<vmem>> -> memref<128x16xf32, #tpu.memory_space<vmem>>
    tpu.enqueue_dma source(%dma_start3A_220 : memref<128x16xf32, #tpu.memory_space<vmem>>) target(%dma_start3A_217 : memref<128x16xf32, #tpu.memory_space<hbm>>) target_semaphore(%arg13 : memref<!tpu.dma_semaphore, #tpu.memory_space<semaphore_mem>>)
    %dma_start3A_221 = arith.constant 1 : i32
    %dma_start3A_222 = arith.constant 1792 : i32
    %dma_start3A_223 = arith.constant 0 : i32
    %dma_start3A_224 = tpu.memref_slice %arg9[%dma_start3A_222, %dma_start3A_223] : memref<3328x16xf32, #tpu.memory_space<vmem>> -> memref<128x16xf32, #tpu.memory_space<vmem>>
    %dma_start3A_225 = arith.constant 96 : i32
    %dma_start3A_226 = tpu.memref_slice %arg5[%dma_start3A_221, %mul3A_2, %dma_start3A_225] : memref<4x4096x128xf32, #tpu.memory_space<hbm>> -> memref<1x128x16xf32, #tpu.memory_space<hbm>>
    %dma_start3A_227 = tpu.memref_squeeze %dma_start3A_226 : memref<1x128x16xf32, #tpu.memory_space<hbm>> -> memref<128x16xf32, #tpu.memory_space<hbm>>
    %dma_start3A_228 = arith.constant 96 : i32
    %dma_start3A_229 = tpu.memref_slice %arg5[%dma_start3A_221, %mul3A_2, %dma_start3A_228] : memref<4x4096x128xf32, #tpu.memory_space<hbm>> -> memref<1x128x16xf32, #tpu.memory_space<hbm>>
    %dma_start3A_230 = tpu.memref_squeeze %dma_start3A_229 : memref<1x128x16xf32, #tpu.memory_space<hbm>> -> memref<128x16xf32, #tpu.memory_space<hbm>>
    %dma_start3A_231 = arith.constant 1792 : i32
    %dma_start3A_232 = arith.constant 0 : i32
    %dma_start3A_233 = tpu.memref_slice %arg9[%dma_start3A_231, %dma_start3A_232] : memref<3328x16xf32, #tpu.memory_space<vmem>> -> memref<128x16xf32, #tpu.memory_space<vmem>>
    tpu.enqueue_dma source(%dma_start3A_233 : memref<128x16xf32, #tpu.memory_space<vmem>>) target(%dma_start3A_230 : memref<128x16xf32, #tpu.memory_space<hbm>>) target_semaphore(%arg13 : memref<!tpu.dma_semaphore, #tpu.memory_space<semaphore_mem>>)
    %dma_start3A_234 = arith.constant 1 : i32
    %dma_start3A_235 = arith.constant 1920 : i32
    %dma_start3A_236 = arith.constant 0 : i32
    %dma_start3A_237 = tpu.memref_slice %arg9[%dma_start3A_235, %dma_start3A_236] : memref<3328x16xf32, #tpu.memory_space<vmem>> -> memref<128x16xf32, #tpu.memory_space<vmem>>
    %dma_start3A_238 = arith.constant 112 : i32
    %dma_start3A_239 = tpu.memref_slice %arg5[%dma_start3A_234, %mul3A_2, %dma_start3A_238] : memref<4x4096x128xf32, #tpu.memory_space<hbm>> -> memref<1x128x16xf32, #tpu.memory_space<hbm>>
    %dma_start3A_240 = tpu.memref_squeeze %dma_start3A_239 : memref<1x128x16xf32, #tpu.memory_space<hbm>> -> memref<128x16xf32, #tpu.memory_space<hbm>>
    %dma_start3A_241 = arith.constant 112 : i32
    %dma_start3A_242 = tpu.memref_slice %arg5[%dma_start3A_234, %mul3A_2, %dma_start3A_241] : memref<4x4096x128xf32, #tpu.memory_space<hbm>> -> memref<1x128x16xf32, #tpu.memory_space<hbm>>
    %dma_start3A_243 = tpu.memref_squeeze %dma_start3A_242 : memref<1x128x16xf32, #tpu.memory_space<hbm>> -> memref<128x16xf32, #tpu.memory_space<hbm>>
    %dma_start3A_244 = arith.constant 1920 : i32
    %dma_start3A_245 = arith.constant 0 : i32
    %dma_start3A_246 = tpu.memref_slice %arg9[%dma_start3A_244, %dma_start3A_245] : memref<3328x16xf32, #tpu.memory_space<vmem>> -> memref<128x16xf32, #tpu.memory_space<vmem>>
    tpu.enqueue_dma source(%dma_start3A_246 : memref<128x16xf32, #tpu.memory_space<vmem>>) target(%dma_start3A_243 : memref<128x16xf32, #tpu.memory_space<hbm>>) target_semaphore(%arg13 : memref<!tpu.dma_semaphore, #tpu.memory_space<semaphore_mem>>)
    %dma_start3A_247 = arith.constant 2 : i32
    %dma_start3A_248 = arith.constant 2048 : i32
    %dma_start3A_249 = arith.constant 0 : i32
    %dma_start3A_250 = tpu.memref_slice %arg9[%dma_start3A_248, %dma_start3A_249] : memref<3328x16xf32, #tpu.memory_space<vmem>> -> memref<128x16xf32, #tpu.memory_space<vmem>>
    %dma_start3A_251 = arith.constant 0 : i32
    %dma_start3A_252 = tpu.memref_slice %arg5[%dma_start3A_247, %mul3A_2, %dma_start3A_251] : memref<4x4096x128xf32, #tpu.memory_space<hbm>> -> memref<1x128x16xf32, #tpu.memory_space<hbm>>
    %dma_start3A_253 = tpu.memref_squeeze %dma_start3A_252 : memref<1x128x16xf32, #tpu.memory_space<hbm>> -> memref<128x16xf32, #tpu.memory_space<hbm>>
    %dma_start3A_254 = arith.constant 0 : i32
    %dma_start3A_255 = tpu.memref_slice %arg5[%dma_start3A_247, %mul3A_2, %dma_start3A_254] : memref<4x4096x128xf32, #tpu.memory_space<hbm>> -> memref<1x128x16xf32, #tpu.memory_space<hbm>>
    %dma_start3A_256 = tpu.memref_squeeze %dma_start3A_255 : memref<1x128x16xf32, #tpu.memory_space<hbm>> -> memref<128x16xf32, #tpu.memory_space<hbm>>
    %dma_start3A_257 = arith.constant 2048 : i32
    %dma_start3A_258 = arith.constant 0 : i32
    %dma_start3A_259 = tpu.memref_slice %arg9[%dma_start3A_257, %dma_start3A_258] : memref<3328x16xf32, #tpu.memory_space<vmem>> -> memref<128x16xf32, #tpu.memory_space<vmem>>
    tpu.enqueue_dma source(%dma_start3A_259 : memref<128x16xf32, #tpu.memory_space<vmem>>) target(%dma_start3A_256 : memref<128x16xf32, #tpu.memory_space<hbm>>) target_semaphore(%arg13 : memref<!tpu.dma_semaphore, #tpu.memory_space<semaphore_mem>>)
    %dma_start3A_260 = arith.constant 2 : i32
    %dma_start3A_261 = arith.constant 2176 : i32
    %dma_start3A_262 = arith.constant 0 : i32
    %dma_start3A_263 = tpu.memref_slice %arg9[%dma_start3A_261, %dma_start3A_262] : memref<3328x16xf32, #tpu.memory_space<vmem>> -> memref<128x16xf32, #tpu.memory_space<vmem>>
    %dma_start3A_264 = arith.constant 16 : i32
    %dma_start3A_265 = tpu.memref_slice %arg5[%dma_start3A_260, %mul3A_2, %dma_start3A_264] : memref<4x4096x128xf32, #tpu.memory_space<hbm>> -> memref<1x128x16xf32, #tpu.memory_space<hbm>>
    %dma_start3A_266 = tpu.memref_squeeze %dma_start3A_265 : memref<1x128x16xf32, #tpu.memory_space<hbm>> -> memref<128x16xf32, #tpu.memory_space<hbm>>
    %dma_start3A_267 = arith.constant 16 : i32
    %dma_start3A_268 = tpu.memref_slice %arg5[%dma_start3A_260, %mul3A_2, %dma_start3A_267] : memref<4x4096x128xf32, #tpu.memory_space<hbm>> -> memref<1x128x16xf32, #tpu.memory_space<hbm>>
    %dma_start3A_269 = tpu.memref_squeeze %dma_start3A_268 : memref<1x128x16xf32, #tpu.memory_space<hbm>> -> memref<128x16xf32, #tpu.memory_space<hbm>>
    %dma_start3A_270 = arith.constant 2176 : i32
    %dma_start3A_271 = arith.constant 0 : i32
    %dma_start3A_272 = tpu.memref_slice %arg9[%dma_start3A_270, %dma_start3A_271] : memref<3328x16xf32, #tpu.memory_space<vmem>> -> memref<128x16xf32, #tpu.memory_space<vmem>>
    tpu.enqueue_dma source(%dma_start3A_272 : memref<128x16xf32, #tpu.memory_space<vmem>>) target(%dma_start3A_269 : memref<128x16xf32, #tpu.memory_space<hbm>>) target_semaphore(%arg13 : memref<!tpu.dma_semaphore, #tpu.memory_space<semaphore_mem>>)
    %dma_start3A_273 = arith.constant 2 : i32
    %dma_start3A_274 = arith.constant 2304 : i32
    %dma_start3A_275 = arith.constant 0 : i32
    %dma_start3A_276 = tpu.memref_slice %arg9[%dma_start3A_274, %dma_start3A_275] : memref<3328x16xf32, #tpu.memory_space<vmem>> -> memref<128x16xf32, #tpu.memory_space<vmem>>
    %dma_start3A_277 = arith.constant 32 : i32
    %dma_start3A_278 = tpu.memref_slice %arg5[%dma_start3A_273, %mul3A_2, %dma_start3A_277] : memref<4x4096x128xf32, #tpu.memory_space<hbm>> -> memref<1x128x16xf32, #tpu.memory_space<hbm>>
    %dma_start3A_279 = tpu.memref_squeeze %dma_start3A_278 : memref<1x128x16xf32, #tpu.memory_space<hbm>> -> memref<128x16xf32, #tpu.memory_space<hbm>>
    %dma_start3A_280 = arith.constant 32 : i32
    %dma_start3A_281 = tpu.memref_slice %arg5[%dma_start3A_273, %mul3A_2, %dma_start3A_280] : memref<4x4096x128xf32, #tpu.memory_space<hbm>> -> memref<1x128x16xf32, #tpu.memory_space<hbm>>
    %dma_start3A_282 = tpu.memref_squeeze %dma_start3A_281 : memref<1x128x16xf32, #tpu.memory_space<hbm>> -> memref<128x16xf32, #tpu.memory_space<hbm>>
    %dma_start3A_283 = arith.constant 2304 : i32
    %dma_start3A_284 = arith.constant 0 : i32
    %dma_start3A_285 = tpu.memref_slice %arg9[%dma_start3A_283, %dma_start3A_284] : memref<3328x16xf32, #tpu.memory_space<vmem>> -> memref<128x16xf32, #tpu.memory_space<vmem>>
    tpu.enqueue_dma source(%dma_start3A_285 : memref<128x16xf32, #tpu.memory_space<vmem>>) target(%dma_start3A_282 : memref<128x16xf32, #tpu.memory_space<hbm>>) target_semaphore(%arg13 : memref<!tpu.dma_semaphore, #tpu.memory_space<semaphore_mem>>)
    %dma_start3A_286 = arith.constant 2 : i32
    %dma_start3A_287 = arith.constant 2432 : i32
    %dma_start3A_288 = arith.constant 0 : i32
    %dma_start3A_289 = tpu.memref_slice %arg9[%dma_start3A_287, %dma_start3A_288] : memref<3328x16xf32, #tpu.memory_space<vmem>> -> memref<128x16xf32, #tpu.memory_space<vmem>>
    %dma_start3A_290 = arith.constant 48 : i32
    %dma_start3A_291 = tpu.memref_slice %arg5[%dma_start3A_286, %mul3A_2, %dma_start3A_290] : memref<4x4096x128xf32, #tpu.memory_space<hbm>> -> memref<1x128x16xf32, #tpu.memory_space<hbm>>
    %dma_start3A_292 = tpu.memref_squeeze %dma_start3A_291 : memref<1x128x16xf32, #tpu.memory_space<hbm>> -> memref<128x16xf32, #tpu.memory_space<hbm>>
    %dma_start3A_293 = arith.constant 48 : i32
    %dma_start3A_294 = tpu.memref_slice %arg5[%dma_start3A_286, %mul3A_2, %dma_start3A_293] : memref<4x4096x128xf32, #tpu.memory_space<hbm>> -> memref<1x128x16xf32, #tpu.memory_space<hbm>>
    %dma_start3A_295 = tpu.memref_squeeze %dma_start3A_294 : memref<1x128x16xf32, #tpu.memory_space<hbm>> -> memref<128x16xf32, #tpu.memory_space<hbm>>
    %dma_start3A_296 = arith.constant 2432 : i32
    %dma_start3A_297 = arith.constant 0 : i32
    %dma_start3A_298 = tpu.memref_slice %arg9[%dma_start3A_296, %dma_start3A_297] : memref<3328x16xf32, #tpu.memory_space<vmem>> -> memref<128x16xf32, #tpu.memory_space<vmem>>
    tpu.enqueue_dma source(%dma_start3A_298 : memref<128x16xf32, #tpu.memory_space<vmem>>) target(%dma_start3A_295 : memref<128x16xf32, #tpu.memory_space<hbm>>) target_semaphore(%arg13 : memref<!tpu.dma_semaphore, #tpu.memory_space<semaphore_mem>>)
    %dma_start3A_299 = arith.constant 2 : i32
    %dma_start3A_300 = arith.constant 2560 : i32
    %dma_start3A_301 = arith.constant 0 : i32
    %dma_start3A_302 = tpu.memref_slice %arg9[%dma_start3A_300, %dma_start3A_301] : memref<3328x16xf32, #tpu.memory_space<vmem>> -> memref<128x16xf32, #tpu.memory_space<vmem>>
    %dma_start3A_303 = arith.constant 64 : i32
    %dma_start3A_304 = tpu.memref_slice %arg5[%dma_start3A_299, %mul3A_2, %dma_start3A_303] : memref<4x4096x128xf32, #tpu.memory_space<hbm>> -> memref<1x128x16xf32, #tpu.memory_space<hbm>>
    %dma_start3A_305 = tpu.memref_squeeze %dma_start3A_304 : memref<1x128x16xf32, #tpu.memory_space<hbm>> -> memref<128x16xf32, #tpu.memory_space<hbm>>
    %dma_start3A_306 = arith.constant 64 : i32
    %dma_start3A_307 = tpu.memref_slice %arg5[%dma_start3A_299, %mul3A_2, %dma_start3A_306] : memref<4x4096x128xf32, #tpu.memory_space<hbm>> -> memref<1x128x16xf32, #tpu.memory_space<hbm>>
    %dma_start3A_308 = tpu.memref_squeeze %dma_start3A_307 : memref<1x128x16xf32, #tpu.memory_space<hbm>> -> memref<128x16xf32, #tpu.memory_space<hbm>>
    %dma_start3A_309 = arith.constant 2560 : i32
    %dma_start3A_310 = arith.constant 0 : i32
    %dma_start3A_311 = tpu.memref_slice %arg9[%dma_start3A_309, %dma_start3A_310] : memref<3328x16xf32, #tpu.memory_space<vmem>> -> memref<128x16xf32, #tpu.memory_space<vmem>>
    tpu.enqueue_dma source(%dma_start3A_311 : memref<128x16xf32, #tpu.memory_space<vmem>>) target(%dma_start3A_308 : memref<128x16xf32, #tpu.memory_space<hbm>>) target_semaphore(%arg13 : memref<!tpu.dma_semaphore, #tpu.memory_space<semaphore_mem>>)
    %dma_start3A_312 = arith.constant 2 : i32
    %dma_start3A_313 = arith.constant 2688 : i32
    %dma_start3A_314 = arith.constant 0 : i32
    %dma_start3A_315 = tpu.memref_slice %arg9[%dma_start3A_313, %dma_start3A_314] : memref<3328x16xf32, #tpu.memory_space<vmem>> -> memref<128x16xf32, #tpu.memory_space<vmem>>
    %dma_start3A_316 = arith.constant 80 : i32
    %dma_start3A_317 = tpu.memref_slice %arg5[%dma_start3A_312, %mul3A_2, %dma_start3A_316] : memref<4x4096x128xf32, #tpu.memory_space<hbm>> -> memref<1x128x16xf32, #tpu.memory_space<hbm>>
    %dma_start3A_318 = tpu.memref_squeeze %dma_start3A_317 : memref<1x128x16xf32, #tpu.memory_space<hbm>> -> memref<128x16xf32, #tpu.memory_space<hbm>>
    %dma_start3A_319 = arith.constant 80 : i32
    %dma_start3A_320 = tpu.memref_slice %arg5[%dma_start3A_312, %mul3A_2, %dma_start3A_319] : memref<4x4096x128xf32, #tpu.memory_space<hbm>> -> memref<1x128x16xf32, #tpu.memory_space<hbm>>
    %dma_start3A_321 = tpu.memref_squeeze %dma_start3A_320 : memref<1x128x16xf32, #tpu.memory_space<hbm>> -> memref<128x16xf32, #tpu.memory_space<hbm>>
    %dma_start3A_322 = arith.constant 2688 : i32
    %dma_start3A_323 = arith.constant 0 : i32
    %dma_start3A_324 = tpu.memref_slice %arg9[%dma_start3A_322, %dma_start3A_323] : memref<3328x16xf32, #tpu.memory_space<vmem>> -> memref<128x16xf32, #tpu.memory_space<vmem>>
    tpu.enqueue_dma source(%dma_start3A_324 : memref<128x16xf32, #tpu.memory_space<vmem>>) target(%dma_start3A_321 : memref<128x16xf32, #tpu.memory_space<hbm>>) target_semaphore(%arg13 : memref<!tpu.dma_semaphore, #tpu.memory_space<semaphore_mem>>)
    %dma_start3A_325 = arith.constant 2 : i32
    %dma_start3A_326 = arith.constant 2816 : i32
    %dma_start3A_327 = arith.constant 0 : i32
    %dma_start3A_328 = tpu.memref_slice %arg9[%dma_start3A_326, %dma_start3A_327] : memref<3328x16xf32, #tpu.memory_space<vmem>> -> memref<128x16xf32, #tpu.memory_space<vmem>>
    %dma_start3A_329 = arith.constant 96 : i32
    %dma_start3A_330 = tpu.memref_slice %arg5[%dma_start3A_325, %mul3A_2, %dma_start3A_329] : memref<4x4096x128xf32, #tpu.memory_space<hbm>> -> memref<1x128x16xf32, #tpu.memory_space<hbm>>
    %dma_start3A_331 = tpu.memref_squeeze %dma_start3A_330 : memref<1x128x16xf32, #tpu.memory_space<hbm>> -> memref<128x16xf32, #tpu.memory_space<hbm>>
    %dma_start3A_332 = arith.constant 96 : i32
    %dma_start3A_333 = tpu.memref_slice %arg5[%dma_start3A_325, %mul3A_2, %dma_start3A_332] : memref<4x4096x128xf32, #tpu.memory_space<hbm>> -> memref<1x128x16xf32, #tpu.memory_space<hbm>>
    %dma_start3A_334 = tpu.memref_squeeze %dma_start3A_333 : memref<1x128x16xf32, #tpu.memory_space<hbm>> -> memref<128x16xf32, #tpu.memory_space<hbm>>
    %dma_start3A_335 = arith.constant 2816 : i32
    %dma_start3A_336 = arith.constant 0 : i32
    %dma_start3A_337 = tpu.memref_slice %arg9[%dma_start3A_335, %dma_start3A_336] : memref<3328x16xf32, #tpu.memory_space<vmem>> -> memref<128x16xf32, #tpu.memory_space<vmem>>
    tpu.enqueue_dma source(%dma_start3A_337 : memref<128x16xf32, #tpu.memory_space<vmem>>) target(%dma_start3A_334 : memref<128x16xf32, #tpu.memory_space<hbm>>) target_semaphore(%arg13 : memref<!tpu.dma_semaphore, #tpu.memory_space<semaphore_mem>>)
    %dma_start3A_338 = arith.constant 2 : i32
    %dma_start3A_339 = arith.constant 2944 : i32
    %dma_start3A_340 = arith.constant 0 : i32
    %dma_start3A_341 = tpu.memref_slice %arg9[%dma_start3A_339, %dma_start3A_340] : memref<3328x16xf32, #tpu.memory_space<vmem>> -> memref<128x16xf32, #tpu.memory_space<vmem>>
    %dma_start3A_342 = arith.constant 112 : i32
    %dma_start3A_343 = tpu.memref_slice %arg5[%dma_start3A_338, %mul3A_2, %dma_start3A_342] : memref<4x4096x128xf32, #tpu.memory_space<hbm>> -> memref<1x128x16xf32, #tpu.memory_space<hbm>>
    %dma_start3A_344 = tpu.memref_squeeze %dma_start3A_343 : memref<1x128x16xf32, #tpu.memory_space<hbm>> -> memref<128x16xf32, #tpu.memory_space<hbm>>
    %dma_start3A_345 = arith.constant 112 : i32
    %dma_start3A_346 = tpu.memref_slice %arg5[%dma_start3A_338, %mul3A_2, %dma_start3A_345] : memref<4x4096x128xf32, #tpu.memory_space<hbm>> -> memref<1x128x16xf32, #tpu.memory_space<hbm>>
    %dma_start3A_347 = tpu.memref_squeeze %dma_start3A_346 : memref<1x128x16xf32, #tpu.memory_space<hbm>> -> memref<128x16xf32, #tpu.memory_space<hbm>>
    %dma_start3A_348 = arith.constant 2944 : i32
    %dma_start3A_349 = arith.constant 0 : i32
    %dma_start3A_350 = tpu.memref_slice %arg9[%dma_start3A_348, %dma_start3A_349] : memref<3328x16xf32, #tpu.memory_space<vmem>> -> memref<128x16xf32, #tpu.memory_space<vmem>>
    tpu.enqueue_dma source(%dma_start3A_350 : memref<128x16xf32, #tpu.memory_space<vmem>>) target(%dma_start3A_347 : memref<128x16xf32, #tpu.memory_space<hbm>>) target_semaphore(%arg13 : memref<!tpu.dma_semaphore, #tpu.memory_space<semaphore_mem>>)
    %dma_start3A_351 = arith.constant 3 : i32
    %dma_start3A_352 = arith.constant 3072 : i32
    %dma_start3A_353 = arith.constant 0 : i32
    %dma_start3A_354 = tpu.memref_slice %arg9[%dma_start3A_352, %dma_start3A_353] : memref<3328x16xf32, #tpu.memory_space<vmem>> -> memref<128x16xf32, #tpu.memory_space<vmem>>
    %dma_start3A_355 = arith.constant 0 : i32
    %dma_start3A_356 = tpu.memref_slice %arg5[%dma_start3A_351, %mul3A_2, %dma_start3A_355] : memref<4x4096x128xf32, #tpu.memory_space<hbm>> -> memref<1x128x16xf32, #tpu.memory_space<hbm>>
    %dma_start3A_357 = tpu.memref_squeeze %dma_start3A_356 : memref<1x128x16xf32, #tpu.memory_space<hbm>> -> memref<128x16xf32, #tpu.memory_space<hbm>>
    %dma_start3A_358 = arith.constant 0 : i32
    %dma_start3A_359 = tpu.memref_slice %arg5[%dma_start3A_351, %mul3A_2, %dma_start3A_358] : memref<4x4096x128xf32, #tpu.memory_space<hbm>> -> memref<1x128x16xf32, #tpu.memory_space<hbm>>
    %dma_start3A_360 = tpu.memref_squeeze %dma_start3A_359 : memref<1x128x16xf32, #tpu.memory_space<hbm>> -> memref<128x16xf32, #tpu.memory_space<hbm>>
    %dma_start3A_361 = arith.constant 3072 : i32
    %dma_start3A_362 = arith.constant 0 : i32
    %dma_start3A_363 = tpu.memref_slice %arg9[%dma_start3A_361, %dma_start3A_362] : memref<3328x16xf32, #tpu.memory_space<vmem>> -> memref<128x16xf32, #tpu.memory_space<vmem>>
    tpu.enqueue_dma source(%dma_start3A_363 : memref<128x16xf32, #tpu.memory_space<vmem>>) target(%dma_start3A_360 : memref<128x16xf32, #tpu.memory_space<hbm>>) target_semaphore(%arg13 : memref<!tpu.dma_semaphore, #tpu.memory_space<semaphore_mem>>)
    %dma_start3A_364 = arith.constant 3 : i32
    %dma_start3A_365 = arith.constant 3200 : i32
    %dma_start3A_366 = arith.constant 0 : i32
    %dma_start3A_367 = tpu.memref_slice %arg9[%dma_start3A_365, %dma_start3A_366] : memref<3328x16xf32, #tpu.memory_space<vmem>> -> memref<128x16xf32, #tpu.memory_space<vmem>>
    %dma_start3A_368 = arith.constant 16 : i32
    %dma_start3A_369 = tpu.memref_slice %arg5[%dma_start3A_364, %mul3A_2, %dma_start3A_368] : memref<4x4096x128xf32, #tpu.memory_space<hbm>> -> memref<1x128x16xf32, #tpu.memory_space<hbm>>
    %dma_start3A_370 = tpu.memref_squeeze %dma_start3A_369 : memref<1x128x16xf32, #tpu.memory_space<hbm>> -> memref<128x16xf32, #tpu.memory_space<hbm>>
    %dma_start3A_371 = arith.constant 16 : i32
    %dma_start3A_372 = tpu.memref_slice %arg5[%dma_start3A_364, %mul3A_2, %dma_start3A_371] : memref<4x4096x128xf32, #tpu.memory_space<hbm>> -> memref<1x128x16xf32, #tpu.memory_space<hbm>>
    %dma_start3A_373 = tpu.memref_squeeze %dma_start3A_372 : memref<1x128x16xf32, #tpu.memory_space<hbm>> -> memref<128x16xf32, #tpu.memory_space<hbm>>
    %dma_start3A_374 = arith.constant 3200 : i32
    %dma_start3A_375 = arith.constant 0 : i32
    %dma_start3A_376 = tpu.memref_slice %arg9[%dma_start3A_374, %dma_start3A_375] : memref<3328x16xf32, #tpu.memory_space<vmem>> -> memref<128x16xf32, #tpu.memory_space<vmem>>
    tpu.enqueue_dma source(%dma_start3A_376 : memref<128x16xf32, #tpu.memory_space<vmem>>) target(%dma_start3A_373 : memref<128x16xf32, #tpu.memory_space<hbm>>) target_semaphore(%arg13 : memref<!tpu.dma_semaphore, #tpu.memory_space<semaphore_mem>>)
    %dma_wait3A_377 = arith.constant 0 : i32
    %dma_wait3A_378 = arith.constant 0 : i32
    %dma_wait3A_379 = arith.constant 0 : i32
    %dma_wait3A_380 = tpu.memref_slice %arg9[%dma_wait3A_378, %dma_wait3A_379] : memref<3328x16xf32, #tpu.memory_space<vmem>> -> memref<128x16xf32, #tpu.memory_space<vmem>>
    %dma_wait3A_381 = arith.constant 0 : i32
    %dma_wait3A_382 = tpu.memref_slice %arg5[%dma_wait3A_377, %mul3A_2, %dma_wait3A_381] : memref<4x4096x128xf32, #tpu.memory_space<hbm>> -> memref<1x128x16xf32, #tpu.memory_space<hbm>>
    %dma_wait3A_383 = tpu.memref_squeeze %dma_wait3A_382 : memref<1x128x16xf32, #tpu.memory_space<hbm>> -> memref<128x16xf32, #tpu.memory_space<hbm>>
    %dma_wait3A_384 = arith.constant 0 : i32
    %dma_wait3A_385 = tpu.memref_slice %arg5[%dma_wait3A_377, %mul3A_2, %dma_wait3A_384] : memref<4x4096x128xf32, #tpu.memory_space<hbm>> -> memref<1x128x16xf32, #tpu.memory_space<hbm>>
    %dma_wait3A_386 = tpu.memref_squeeze %dma_wait3A_385 : memref<1x128x16xf32, #tpu.memory_space<hbm>> -> memref<128x16xf32, #tpu.memory_space<hbm>>
    %dma_wait3A_387 = arith.constant 0 : i32
    %dma_wait3A_388 = arith.constant 0 : i32
    %dma_wait3A_389 = tpu.memref_slice %arg9[%dma_wait3A_387, %dma_wait3A_388] : memref<3328x16xf32, #tpu.memory_space<vmem>> -> memref<128x16xf32, #tpu.memory_space<vmem>>
    tpu.wait_dma2 semaphore(%arg13 : memref<!tpu.dma_semaphore, #tpu.memory_space<semaphore_mem>>) src(%dma_wait3A_389 : memref<128x16xf32, #tpu.memory_space<vmem>>) dst(%dma_wait3A_386 : memref<128x16xf32, #tpu.memory_space<hbm>>)
    %dma_wait3A_390 = arith.constant 0 : i32
    %dma_wait3A_391 = arith.constant 128 : i32
    %dma_wait3A_392 = arith.constant 0 : i32
    %dma_wait3A_393 = tpu.memref_slice %arg9[%dma_wait3A_391, %dma_wait3A_392] : memref<3328x16xf32, #tpu.memory_space<vmem>> -> memref<128x16xf32, #tpu.memory_space<vmem>>
    %dma_wait3A_394 = arith.constant 16 : i32
    %dma_wait3A_395 = tpu.memref_slice %arg5[%dma_wait3A_390, %mul3A_2, %dma_wait3A_394] : memref<4x4096x128xf32, #tpu.memory_space<hbm>> -> memref<1x128x16xf32, #tpu.memory_space<hbm>>
    %dma_wait3A_396 = tpu.memref_squeeze %dma_wait3A_395 : memref<1x128x16xf32, #tpu.memory_space<hbm>> -> memref<128x16xf32, #tpu.memory_space<hbm>>
    %dma_wait3A_397 = arith.constant 16 : i32
    %dma_wait3A_398 = tpu.memref_slice %arg5[%dma_wait3A_390, %mul3A_2, %dma_wait3A_397] : memref<4x4096x128xf32, #tpu.memory_space<hbm>> -> memref<1x128x16xf32, #tpu.memory_space<hbm>>
    %dma_wait3A_399 = tpu.memref_squeeze %dma_wait3A_398 : memref<1x128x16xf32, #tpu.memory_space<hbm>> -> memref<128x16xf32, #tpu.memory_space<hbm>>
    %dma_wait3A_400 = arith.constant 128 : i32
    %dma_wait3A_401 = arith.constant 0 : i32
    %dma_wait3A_402 = tpu.memref_slice %arg9[%dma_wait3A_400, %dma_wait3A_401] : memref<3328x16xf32, #tpu.memory_space<vmem>> -> memref<128x16xf32, #tpu.memory_space<vmem>>
    tpu.wait_dma2 semaphore(%arg13 : memref<!tpu.dma_semaphore, #tpu.memory_space<semaphore_mem>>) src(%dma_wait3A_402 : memref<128x16xf32, #tpu.memory_space<vmem>>) dst(%dma_wait3A_399 : memref<128x16xf32, #tpu.memory_space<hbm>>)
    %dma_wait3A_403 = arith.constant 0 : i32
    %dma_wait3A_404 = arith.constant 256 : i32
    %dma_wait3A_405 = arith.constant 0 : i32
    %dma_wait3A_406 = tpu.memref_slice %arg9[%dma_wait3A_404, %dma_wait3A_405] : memref<3328x16xf32, #tpu.memory_space<vmem>> -> memref<128x16xf32, #tpu.memory_space<vmem>>
    %dma_wait3A_407 = arith.constant 32 : i32
    %dma_wait3A_408 = tpu.memref_slice %arg5[%dma_wait3A_403, %mul3A_2, %dma_wait3A_407] : memref<4x4096x128xf32, #tpu.memory_space<hbm>> -> memref<1x128x16xf32, #tpu.memory_space<hbm>>
    %dma_wait3A_409 = tpu.memref_squeeze %dma_wait3A_408 : memref<1x128x16xf32, #tpu.memory_space<hbm>> -> memref<128x16xf32, #tpu.memory_space<hbm>>
    %dma_wait3A_410 = arith.constant 32 : i32
    %dma_wait3A_411 = tpu.memref_slice %arg5[%dma_wait3A_403, %mul3A_2, %dma_wait3A_410] : memref<4x4096x128xf32, #tpu.memory_space<hbm>> -> memref<1x128x16xf32, #tpu.memory_space<hbm>>
    %dma_wait3A_412 = tpu.memref_squeeze %dma_wait3A_411 : memref<1x128x16xf32, #tpu.memory_space<hbm>> -> memref<128x16xf32, #tpu.memory_space<hbm>>
    %dma_wait3A_413 = arith.constant 256 : i32
    %dma_wait3A_414 = arith.constant 0 : i32
    %dma_wait3A_415 = tpu.memref_slice %arg9[%dma_wait3A_413, %dma_wait3A_414] : memref<3328x16xf32, #tpu.memory_space<vmem>> -> memref<128x16xf32, #tpu.memory_space<vmem>>
    tpu.wait_dma2 semaphore(%arg13 : memref<!tpu.dma_semaphore, #tpu.memory_space<semaphore_mem>>) src(%dma_wait3A_415 : memref<128x16xf32, #tpu.memory_space<vmem>>) dst(%dma_wait3A_412 : memref<128x16xf32, #tpu.memory_space<hbm>>)
    %dma_wait3A_416 = arith.constant 0 : i32
    %dma_wait3A_417 = arith.constant 384 : i32
    %dma_wait3A_418 = arith.constant 0 : i32
    %dma_wait3A_419 = tpu.memref_slice %arg9[%dma_wait3A_417, %dma_wait3A_418] : memref<3328x16xf32, #tpu.memory_space<vmem>> -> memref<128x16xf32, #tpu.memory_space<vmem>>
    %dma_wait3A_420 = arith.constant 48 : i32
    %dma_wait3A_421 = tpu.memref_slice %arg5[%dma_wait3A_416, %mul3A_2, %dma_wait3A_420] : memref<4x4096x128xf32, #tpu.memory_space<hbm>> -> memref<1x128x16xf32, #tpu.memory_space<hbm>>
    %dma_wait3A_422 = tpu.memref_squeeze %dma_wait3A_421 : memref<1x128x16xf32, #tpu.memory_space<hbm>> -> memref<128x16xf32, #tpu.memory_space<hbm>>
    %dma_wait3A_423 = arith.constant 48 : i32
    %dma_wait3A_424 = tpu.memref_slice %arg5[%dma_wait3A_416, %mul3A_2, %dma_wait3A_423] : memref<4x4096x128xf32, #tpu.memory_space<hbm>> -> memref<1x128x16xf32, #tpu.memory_space<hbm>>
    %dma_wait3A_425 = tpu.memref_squeeze %dma_wait3A_424 : memref<1x128x16xf32, #tpu.memory_space<hbm>> -> memref<128x16xf32, #tpu.memory_space<hbm>>
    %dma_wait3A_426 = arith.constant 384 : i32
    %dma_wait3A_427 = arith.constant 0 : i32
    %dma_wait3A_428 = tpu.memref_slice %arg9[%dma_wait3A_426, %dma_wait3A_427] : memref<3328x16xf32, #tpu.memory_space<vmem>> -> memref<128x16xf32, #tpu.memory_space<vmem>>
    tpu.wait_dma2 semaphore(%arg13 : memref<!tpu.dma_semaphore, #tpu.memory_space<semaphore_mem>>) src(%dma_wait3A_428 : memref<128x16xf32, #tpu.memory_space<vmem>>) dst(%dma_wait3A_425 : memref<128x16xf32, #tpu.memory_space<hbm>>)
    %dma_wait3A_429 = arith.constant 0 : i32
    %dma_wait3A_430 = arith.constant 512 : i32
    %dma_wait3A_431 = arith.constant 0 : i32
    %dma_wait3A_432 = tpu.memref_slice %arg9[%dma_wait3A_430, %dma_wait3A_431] : memref<3328x16xf32, #tpu.memory_space<vmem>> -> memref<128x16xf32, #tpu.memory_space<vmem>>
    %dma_wait3A_433 = arith.constant 64 : i32
    %dma_wait3A_434 = tpu.memref_slice %arg5[%dma_wait3A_429, %mul3A_2, %dma_wait3A_433] : memref<4x4096x128xf32, #tpu.memory_space<hbm>> -> memref<1x128x16xf32, #tpu.memory_space<hbm>>
    %dma_wait3A_435 = tpu.memref_squeeze %dma_wait3A_434 : memref<1x128x16xf32, #tpu.memory_space<hbm>> -> memref<128x16xf32, #tpu.memory_space<hbm>>
    %dma_wait3A_436 = arith.constant 64 : i32
    %dma_wait3A_437 = tpu.memref_slice %arg5[%dma_wait3A_429, %mul3A_2, %dma_wait3A_436] : memref<4x4096x128xf32, #tpu.memory_space<hbm>> -> memref<1x128x16xf32, #tpu.memory_space<hbm>>
    %dma_wait3A_438 = tpu.memref_squeeze %dma_wait3A_437 : memref<1x128x16xf32, #tpu.memory_space<hbm>> -> memref<128x16xf32, #tpu.memory_space<hbm>>
    %dma_wait3A_439 = arith.constant 512 : i32
    %dma_wait3A_440 = arith.constant 0 : i32
    %dma_wait3A_441 = tpu.memref_slice %arg9[%dma_wait3A_439, %dma_wait3A_440] : memref<3328x16xf32, #tpu.memory_space<vmem>> -> memref<128x16xf32, #tpu.memory_space<vmem>>
    tpu.wait_dma2 semaphore(%arg13 : memref<!tpu.dma_semaphore, #tpu.memory_space<semaphore_mem>>) src(%dma_wait3A_441 : memref<128x16xf32, #tpu.memory_space<vmem>>) dst(%dma_wait3A_438 : memref<128x16xf32, #tpu.memory_space<hbm>>)
    %dma_wait3A_442 = arith.constant 0 : i32
    %dma_wait3A_443 = arith.constant 640 : i32
    %dma_wait3A_444 = arith.constant 0 : i32
    %dma_wait3A_445 = tpu.memref_slice %arg9[%dma_wait3A_443, %dma_wait3A_444] : memref<3328x16xf32, #tpu.memory_space<vmem>> -> memref<128x16xf32, #tpu.memory_space<vmem>>
    %dma_wait3A_446 = arith.constant 80 : i32
    %dma_wait3A_447 = tpu.memref_slice %arg5[%dma_wait3A_442, %mul3A_2, %dma_wait3A_446] : memref<4x4096x128xf32, #tpu.memory_space<hbm>> -> memref<1x128x16xf32, #tpu.memory_space<hbm>>
    %dma_wait3A_448 = tpu.memref_squeeze %dma_wait3A_447 : memref<1x128x16xf32, #tpu.memory_space<hbm>> -> memref<128x16xf32, #tpu.memory_space<hbm>>
    %dma_wait3A_449 = arith.constant 80 : i32
    %dma_wait3A_450 = tpu.memref_slice %arg5[%dma_wait3A_442, %mul3A_2, %dma_wait3A_449] : memref<4x4096x128xf32, #tpu.memory_space<hbm>> -> memref<1x128x16xf32, #tpu.memory_space<hbm>>
    %dma_wait3A_451 = tpu.memref_squeeze %dma_wait3A_450 : memref<1x128x16xf32, #tpu.memory_space<hbm>> -> memref<128x16xf32, #tpu.memory_space<hbm>>
    %dma_wait3A_452 = arith.constant 640 : i32
    %dma_wait3A_453 = arith.constant 0 : i32
    %dma_wait3A_454 = tpu.memref_slice %arg9[%dma_wait3A_452, %dma_wait3A_453] : memref<3328x16xf32, #tpu.memory_space<vmem>> -> memref<128x16xf32, #tpu.memory_space<vmem>>
    tpu.wait_dma2 semaphore(%arg13 : memref<!tpu.dma_semaphore, #tpu.memory_space<semaphore_mem>>) src(%dma_wait3A_454 : memref<128x16xf32, #tpu.memory_space<vmem>>) dst(%dma_wait3A_451 : memref<128x16xf32, #tpu.memory_space<hbm>>)
    %dma_wait3A_455 = arith.constant 0 : i32
    %dma_wait3A_456 = arith.constant 768 : i32
    %dma_wait3A_457 = arith.constant 0 : i32
    %dma_wait3A_458 = tpu.memref_slice %arg9[%dma_wait3A_456, %dma_wait3A_457] : memref<3328x16xf32, #tpu.memory_space<vmem>> -> memref<128x16xf32, #tpu.memory_space<vmem>>
    %dma_wait3A_459 = arith.constant 96 : i32
    %dma_wait3A_460 = tpu.memref_slice %arg5[%dma_wait3A_455, %mul3A_2, %dma_wait3A_459] : memref<4x4096x128xf32, #tpu.memory_space<hbm>> -> memref<1x128x16xf32, #tpu.memory_space<hbm>>
    %dma_wait3A_461 = tpu.memref_squeeze %dma_wait3A_460 : memref<1x128x16xf32, #tpu.memory_space<hbm>> -> memref<128x16xf32, #tpu.memory_space<hbm>>
    %dma_wait3A_462 = arith.constant 96 : i32
    %dma_wait3A_463 = tpu.memref_slice %arg5[%dma_wait3A_455, %mul3A_2, %dma_wait3A_462] : memref<4x4096x128xf32, #tpu.memory_space<hbm>> -> memref<1x128x16xf32, #tpu.memory_space<hbm>>
    %dma_wait3A_464 = tpu.memref_squeeze %dma_wait3A_463 : memref<1x128x16xf32, #tpu.memory_space<hbm>> -> memref<128x16xf32, #tpu.memory_space<hbm>>
    %dma_wait3A_465 = arith.constant 768 : i32
    %dma_wait3A_466 = arith.constant 0 : i32
    %dma_wait3A_467 = tpu.memref_slice %arg9[%dma_wait3A_465, %dma_wait3A_466] : memref<3328x16xf32, #tpu.memory_space<vmem>> -> memref<128x16xf32, #tpu.memory_space<vmem>>
    tpu.wait_dma2 semaphore(%arg13 : memref<!tpu.dma_semaphore, #tpu.memory_space<semaphore_mem>>) src(%dma_wait3A_467 : memref<128x16xf32, #tpu.memory_space<vmem>>) dst(%dma_wait3A_464 : memref<128x16xf32, #tpu.memory_space<hbm>>)
    %dma_wait3A_468 = arith.constant 0 : i32
    %dma_wait3A_469 = arith.constant 896 : i32
    %dma_wait3A_470 = arith.constant 0 : i32
    %dma_wait3A_471 = tpu.memref_slice %arg9[%dma_wait3A_469, %dma_wait3A_470] : memref<3328x16xf32, #tpu.memory_space<vmem>> -> memref<128x16xf32, #tpu.memory_space<vmem>>
    %dma_wait3A_472 = arith.constant 112 : i32
    %dma_wait3A_473 = tpu.memref_slice %arg5[%dma_wait3A_468, %mul3A_2, %dma_wait3A_472] : memref<4x4096x128xf32, #tpu.memory_space<hbm>> -> memref<1x128x16xf32, #tpu.memory_space<hbm>>
    %dma_wait3A_474 = tpu.memref_squeeze %dma_wait3A_473 : memref<1x128x16xf32, #tpu.memory_space<hbm>> -> memref<128x16xf32, #tpu.memory_space<hbm>>
    %dma_wait3A_475 = arith.constant 112 : i32
    %dma_wait3A_476 = tpu.memref_slice %arg5[%dma_wait3A_468, %mul3A_2, %dma_wait3A_475] : memref<4x4096x128xf32, #tpu.memory_space<hbm>> -> memref<1x128x16xf32, #tpu.memory_space<hbm>>
    %dma_wait3A_477 = tpu.memref_squeeze %dma_wait3A_476 : memref<1x128x16xf32, #tpu.memory_space<hbm>> -> memref<128x16xf32, #tpu.memory_space<hbm>>
    %dma_wait3A_478 = arith.constant 896 : i32
    %dma_wait3A_479 = arith.constant 0 : i32
    %dma_wait3A_480 = tpu.memref_slice %arg9[%dma_wait3A_478, %dma_wait3A_479] : memref<3328x16xf32, #tpu.memory_space<vmem>> -> memref<128x16xf32, #tpu.memory_space<vmem>>
    tpu.wait_dma2 semaphore(%arg13 : memref<!tpu.dma_semaphore, #tpu.memory_space<semaphore_mem>>) src(%dma_wait3A_480 : memref<128x16xf32, #tpu.memory_space<vmem>>) dst(%dma_wait3A_477 : memref<128x16xf32, #tpu.memory_space<hbm>>)
    %dma_wait3A_481 = arith.constant 1 : i32
    %dma_wait3A_482 = arith.constant 1024 : i32
    %dma_wait3A_483 = arith.constant 0 : i32
    %dma_wait3A_484 = tpu.memref_slice %arg9[%dma_wait3A_482, %dma_wait3A_483] : memref<3328x16xf32, #tpu.memory_space<vmem>> -> memref<128x16xf32, #tpu.memory_space<vmem>>
    %dma_wait3A_485 = arith.constant 0 : i32
    %dma_wait3A_486 = tpu.memref_slice %arg5[%dma_wait3A_481, %mul3A_2, %dma_wait3A_485] : memref<4x4096x128xf32, #tpu.memory_space<hbm>> -> memref<1x128x16xf32, #tpu.memory_space<hbm>>
    %dma_wait3A_487 = tpu.memref_squeeze %dma_wait3A_486 : memref<1x128x16xf32, #tpu.memory_space<hbm>> -> memref<128x16xf32, #tpu.memory_space<hbm>>
    %dma_wait3A_488 = arith.constant 0 : i32
    %dma_wait3A_489 = tpu.memref_slice %arg5[%dma_wait3A_481, %mul3A_2, %dma_wait3A_488] : memref<4x4096x128xf32, #tpu.memory_space<hbm>> -> memref<1x128x16xf32, #tpu.memory_space<hbm>>
    %dma_wait3A_490 = tpu.memref_squeeze %dma_wait3A_489 : memref<1x128x16xf32, #tpu.memory_space<hbm>> -> memref<128x16xf32, #tpu.memory_space<hbm>>
    %dma_wait3A_491 = arith.constant 1024 : i32
    %dma_wait3A_492 = arith.constant 0 : i32
    %dma_wait3A_493 = tpu.memref_slice %arg9[%dma_wait3A_491, %dma_wait3A_492] : memref<3328x16xf32, #tpu.memory_space<vmem>> -> memref<128x16xf32, #tpu.memory_space<vmem>>
    tpu.wait_dma2 semaphore(%arg13 : memref<!tpu.dma_semaphore, #tpu.memory_space<semaphore_mem>>) src(%dma_wait3A_493 : memref<128x16xf32, #tpu.memory_space<vmem>>) dst(%dma_wait3A_490 : memref<128x16xf32, #tpu.memory_space<hbm>>)
    %dma_wait3A_494 = arith.constant 1 : i32
    %dma_wait3A_495 = arith.constant 1152 : i32
    %dma_wait3A_496 = arith.constant 0 : i32
    %dma_wait3A_497 = tpu.memref_slice %arg9[%dma_wait3A_495, %dma_wait3A_496] : memref<3328x16xf32, #tpu.memory_space<vmem>> -> memref<128x16xf32, #tpu.memory_space<vmem>>
    %dma_wait3A_498 = arith.constant 16 : i32
    %dma_wait3A_499 = tpu.memref_slice %arg5[%dma_wait3A_494, %mul3A_2, %dma_wait3A_498] : memref<4x4096x128xf32, #tpu.memory_space<hbm>> -> memref<1x128x16xf32, #tpu.memory_space<hbm>>
    %dma_wait3A_500 = tpu.memref_squeeze %dma_wait3A_499 : memref<1x128x16xf32, #tpu.memory_space<hbm>> -> memref<128x16xf32, #tpu.memory_space<hbm>>
    %dma_wait3A_501 = arith.constant 16 : i32
    %dma_wait3A_502 = tpu.memref_slice %arg5[%dma_wait3A_494, %mul3A_2, %dma_wait3A_501] : memref<4x4096x128xf32, #tpu.memory_space<hbm>> -> memref<1x128x16xf32, #tpu.memory_space<hbm>>
    %dma_wait3A_503 = tpu.memref_squeeze %dma_wait3A_502 : memref<1x128x16xf32, #tpu.memory_space<hbm>> -> memref<128x16xf32, #tpu.memory_space<hbm>>
    %dma_wait3A_504 = arith.constant 1152 : i32
    %dma_wait3A_505 = arith.constant 0 : i32
    %dma_wait3A_506 = tpu.memref_slice %arg9[%dma_wait3A_504, %dma_wait3A_505] : memref<3328x16xf32, #tpu.memory_space<vmem>> -> memref<128x16xf32, #tpu.memory_space<vmem>>
    tpu.wait_dma2 semaphore(%arg13 : memref<!tpu.dma_semaphore, #tpu.memory_space<semaphore_mem>>) src(%dma_wait3A_506 : memref<128x16xf32, #tpu.memory_space<vmem>>) dst(%dma_wait3A_503 : memref<128x16xf32, #tpu.memory_space<hbm>>)
    %dma_wait3A_507 = arith.constant 1 : i32
    %dma_wait3A_508 = arith.constant 1280 : i32
    %dma_wait3A_509 = arith.constant 0 : i32
    %dma_wait3A_510 = tpu.memref_slice %arg9[%dma_wait3A_508, %dma_wait3A_509] : memref<3328x16xf32, #tpu.memory_space<vmem>> -> memref<128x16xf32, #tpu.memory_space<vmem>>
    %dma_wait3A_511 = arith.constant 32 : i32
    %dma_wait3A_512 = tpu.memref_slice %arg5[%dma_wait3A_507, %mul3A_2, %dma_wait3A_511] : memref<4x4096x128xf32, #tpu.memory_space<hbm>> -> memref<1x128x16xf32, #tpu.memory_space<hbm>>
    %dma_wait3A_513 = tpu.memref_squeeze %dma_wait3A_512 : memref<1x128x16xf32, #tpu.memory_space<hbm>> -> memref<128x16xf32, #tpu.memory_space<hbm>>
    %dma_wait3A_514 = arith.constant 32 : i32
    %dma_wait3A_515 = tpu.memref_slice %arg5[%dma_wait3A_507, %mul3A_2, %dma_wait3A_514] : memref<4x4096x128xf32, #tpu.memory_space<hbm>> -> memref<1x128x16xf32, #tpu.memory_space<hbm>>
    %dma_wait3A_516 = tpu.memref_squeeze %dma_wait3A_515 : memref<1x128x16xf32, #tpu.memory_space<hbm>> -> memref<128x16xf32, #tpu.memory_space<hbm>>
    %dma_wait3A_517 = arith.constant 1280 : i32
    %dma_wait3A_518 = arith.constant 0 : i32
    %dma_wait3A_519 = tpu.memref_slice %arg9[%dma_wait3A_517, %dma_wait3A_518] : memref<3328x16xf32, #tpu.memory_space<vmem>> -> memref<128x16xf32, #tpu.memory_space<vmem>>
    tpu.wait_dma2 semaphore(%arg13 : memref<!tpu.dma_semaphore, #tpu.memory_space<semaphore_mem>>) src(%dma_wait3A_519 : memref<128x16xf32, #tpu.memory_space<vmem>>) dst(%dma_wait3A_516 : memref<128x16xf32, #tpu.memory_space<hbm>>)
    %dma_wait3A_520 = arith.constant 1 : i32
    %dma_wait3A_521 = arith.constant 1408 : i32
    %dma_wait3A_522 = arith.constant 0 : i32
    %dma_wait3A_523 = tpu.memref_slice %arg9[%dma_wait3A_521, %dma_wait3A_522] : memref<3328x16xf32, #tpu.memory_space<vmem>> -> memref<128x16xf32, #tpu.memory_space<vmem>>
    %dma_wait3A_524 = arith.constant 48 : i32
    %dma_wait3A_525 = tpu.memref_slice %arg5[%dma_wait3A_520, %mul3A_2, %dma_wait3A_524] : memref<4x4096x128xf32, #tpu.memory_space<hbm>> -> memref<1x128x16xf32, #tpu.memory_space<hbm>>
    %dma_wait3A_526 = tpu.memref_squeeze %dma_wait3A_525 : memref<1x128x16xf32, #tpu.memory_space<hbm>> -> memref<128x16xf32, #tpu.memory_space<hbm>>
    %dma_wait3A_527 = arith.constant 48 : i32
    %dma_wait3A_528 = tpu.memref_slice %arg5[%dma_wait3A_520, %mul3A_2, %dma_wait3A_527] : memref<4x4096x128xf32, #tpu.memory_space<hbm>> -> memref<1x128x16xf32, #tpu.memory_space<hbm>>
    %dma_wait3A_529 = tpu.memref_squeeze %dma_wait3A_528 : memref<1x128x16xf32, #tpu.memory_space<hbm>> -> memref<128x16xf32, #tpu.memory_space<hbm>>
    %dma_wait3A_530 = arith.constant 1408 : i32
    %dma_wait3A_531 = arith.constant 0 : i32
    %dma_wait3A_532 = tpu.memref_slice %arg9[%dma_wait3A_530, %dma_wait3A_531] : memref<3328x16xf32, #tpu.memory_space<vmem>> -> memref<128x16xf32, #tpu.memory_space<vmem>>
    tpu.wait_dma2 semaphore(%arg13 : memref<!tpu.dma_semaphore, #tpu.memory_space<semaphore_mem>>) src(%dma_wait3A_532 : memref<128x16xf32, #tpu.memory_space<vmem>>) dst(%dma_wait3A_529 : memref<128x16xf32, #tpu.memory_space<hbm>>)
    %dma_wait3A_533 = arith.constant 1 : i32
    %dma_wait3A_534 = arith.constant 1536 : i32
    %dma_wait3A_535 = arith.constant 0 : i32
    %dma_wait3A_536 = tpu.memref_slice %arg9[%dma_wait3A_534, %dma_wait3A_535] : memref<3328x16xf32, #tpu.memory_space<vmem>> -> memref<128x16xf32, #tpu.memory_space<vmem>>
    %dma_wait3A_537 = arith.constant 64 : i32
    %dma_wait3A_538 = tpu.memref_slice %arg5[%dma_wait3A_533, %mul3A_2, %dma_wait3A_537] : memref<4x4096x128xf32, #tpu.memory_space<hbm>> -> memref<1x128x16xf32, #tpu.memory_space<hbm>>
    %dma_wait3A_539 = tpu.memref_squeeze %dma_wait3A_538 : memref<1x128x16xf32, #tpu.memory_space<hbm>> -> memref<128x16xf32, #tpu.memory_space<hbm>>
    %dma_wait3A_540 = arith.constant 64 : i32
    %dma_wait3A_541 = tpu.memref_slice %arg5[%dma_wait3A_533, %mul3A_2, %dma_wait3A_540] : memref<4x4096x128xf32, #tpu.memory_space<hbm>> -> memref<1x128x16xf32, #tpu.memory_space<hbm>>
    %dma_wait3A_542 = tpu.memref_squeeze %dma_wait3A_541 : memref<1x128x16xf32, #tpu.memory_space<hbm>> -> memref<128x16xf32, #tpu.memory_space<hbm>>
    %dma_wait3A_543 = arith.constant 1536 : i32
    %dma_wait3A_544 = arith.constant 0 : i32
    %dma_wait3A_545 = tpu.memref_slice %arg9[%dma_wait3A_543, %dma_wait3A_544] : memref<3328x16xf32, #tpu.memory_space<vmem>> -> memref<128x16xf32, #tpu.memory_space<vmem>>
    tpu.wait_dma2 semaphore(%arg13 : memref<!tpu.dma_semaphore, #tpu.memory_space<semaphore_mem>>) src(%dma_wait3A_545 : memref<128x16xf32, #tpu.memory_space<vmem>>) dst(%dma_wait3A_542 : memref<128x16xf32, #tpu.memory_space<hbm>>)
    %dma_wait3A_546 = arith.constant 1 : i32
    %dma_wait3A_547 = arith.constant 1664 : i32
    %dma_wait3A_548 = arith.constant 0 : i32
    %dma_wait3A_549 = tpu.memref_slice %arg9[%dma_wait3A_547, %dma_wait3A_548] : memref<3328x16xf32, #tpu.memory_space<vmem>> -> memref<128x16xf32, #tpu.memory_space<vmem>>
    %dma_wait3A_550 = arith.constant 80 : i32
    %dma_wait3A_551 = tpu.memref_slice %arg5[%dma_wait3A_546, %mul3A_2, %dma_wait3A_550] : memref<4x4096x128xf32, #tpu.memory_space<hbm>> -> memref<1x128x16xf32, #tpu.memory_space<hbm>>
    %dma_wait3A_552 = tpu.memref_squeeze %dma_wait3A_551 : memref<1x128x16xf32, #tpu.memory_space<hbm>> -> memref<128x16xf32, #tpu.memory_space<hbm>>
    %dma_wait3A_553 = arith.constant 80 : i32
    %dma_wait3A_554 = tpu.memref_slice %arg5[%dma_wait3A_546, %mul3A_2, %dma_wait3A_553] : memref<4x4096x128xf32, #tpu.memory_space<hbm>> -> memref<1x128x16xf32, #tpu.memory_space<hbm>>
    %dma_wait3A_555 = tpu.memref_squeeze %dma_wait3A_554 : memref<1x128x16xf32, #tpu.memory_space<hbm>> -> memref<128x16xf32, #tpu.memory_space<hbm>>
    %dma_wait3A_556 = arith.constant 1664 : i32
    %dma_wait3A_557 = arith.constant 0 : i32
    %dma_wait3A_558 = tpu.memref_slice %arg9[%dma_wait3A_556, %dma_wait3A_557] : memref<3328x16xf32, #tpu.memory_space<vmem>> -> memref<128x16xf32, #tpu.memory_space<vmem>>
    tpu.wait_dma2 semaphore(%arg13 : memref<!tpu.dma_semaphore, #tpu.memory_space<semaphore_mem>>) src(%dma_wait3A_558 : memref<128x16xf32, #tpu.memory_space<vmem>>) dst(%dma_wait3A_555 : memref<128x16xf32, #tpu.memory_space<hbm>>)
    %dma_wait3A_559 = arith.constant 1 : i32
    %dma_wait3A_560 = arith.constant 1792 : i32
    %dma_wait3A_561 = arith.constant 0 : i32
    %dma_wait3A_562 = tpu.memref_slice %arg9[%dma_wait3A_560, %dma_wait3A_561] : memref<3328x16xf32, #tpu.memory_space<vmem>> -> memref<128x16xf32, #tpu.memory_space<vmem>>
    %dma_wait3A_563 = arith.constant 96 : i32
    %dma_wait3A_564 = tpu.memref_slice %arg5[%dma_wait3A_559, %mul3A_2, %dma_wait3A_563] : memref<4x4096x128xf32, #tpu.memory_space<hbm>> -> memref<1x128x16xf32, #tpu.memory_space<hbm>>
    %dma_wait3A_565 = tpu.memref_squeeze %dma_wait3A_564 : memref<1x128x16xf32, #tpu.memory_space<hbm>> -> memref<128x16xf32, #tpu.memory_space<hbm>>
    %dma_wait3A_566 = arith.constant 96 : i32
    %dma_wait3A_567 = tpu.memref_slice %arg5[%dma_wait3A_559, %mul3A_2, %dma_wait3A_566] : memref<4x4096x128xf32, #tpu.memory_space<hbm>> -> memref<1x128x16xf32, #tpu.memory_space<hbm>>
    %dma_wait3A_568 = tpu.memref_squeeze %dma_wait3A_567 : memref<1x128x16xf32, #tpu.memory_space<hbm>> -> memref<128x16xf32, #tpu.memory_space<hbm>>
    %dma_wait3A_569 = arith.constant 1792 : i32
    %dma_wait3A_570 = arith.constant 0 : i32
    %dma_wait3A_571 = tpu.memref_slice %arg9[%dma_wait3A_569, %dma_wait3A_570] : memref<3328x16xf32, #tpu.memory_space<vmem>> -> memref<128x16xf32, #tpu.memory_space<vmem>>
    tpu.wait_dma2 semaphore(%arg13 : memref<!tpu.dma_semaphore, #tpu.memory_space<semaphore_mem>>) src(%dma_wait3A_571 : memref<128x16xf32, #tpu.memory_space<vmem>>) dst(%dma_wait3A_568 : memref<128x16xf32, #tpu.memory_space<hbm>>)
    %dma_wait3A_572 = arith.constant 1 : i32
    %dma_wait3A_573 = arith.constant 1920 : i32
    %dma_wait3A_574 = arith.constant 0 : i32
    %dma_wait3A_575 = tpu.memref_slice %arg9[%dma_wait3A_573, %dma_wait3A_574] : memref<3328x16xf32, #tpu.memory_space<vmem>> -> memref<128x16xf32, #tpu.memory_space<vmem>>
    %dma_wait3A_576 = arith.constant 112 : i32
    %dma_wait3A_577 = tpu.memref_slice %arg5[%dma_wait3A_572, %mul3A_2, %dma_wait3A_576] : memref<4x4096x128xf32, #tpu.memory_space<hbm>> -> memref<1x128x16xf32, #tpu.memory_space<hbm>>
    %dma_wait3A_578 = tpu.memref_squeeze %dma_wait3A_577 : memref<1x128x16xf32, #tpu.memory_space<hbm>> -> memref<128x16xf32, #tpu.memory_space<hbm>>
    %dma_wait3A_579 = arith.constant 112 : i32
    %dma_wait3A_580 = tpu.memref_slice %arg5[%dma_wait3A_572, %mul3A_2, %dma_wait3A_579] : memref<4x4096x128xf32, #tpu.memory_space<hbm>> -> memref<1x128x16xf32, #tpu.memory_space<hbm>>
    %dma_wait3A_581 = tpu.memref_squeeze %dma_wait3A_580 : memref<1x128x16xf32, #tpu.memory_space<hbm>> -> memref<128x16xf32, #tpu.memory_space<hbm>>
    %dma_wait3A_582 = arith.constant 1920 : i32
    %dma_wait3A_583 = arith.constant 0 : i32
    %dma_wait3A_584 = tpu.memref_slice %arg9[%dma_wait3A_582, %dma_wait3A_583] : memref<3328x16xf32, #tpu.memory_space<vmem>> -> memref<128x16xf32, #tpu.memory_space<vmem>>
    tpu.wait_dma2 semaphore(%arg13 : memref<!tpu.dma_semaphore, #tpu.memory_space<semaphore_mem>>) src(%dma_wait3A_584 : memref<128x16xf32, #tpu.memory_space<vmem>>) dst(%dma_wait3A_581 : memref<128x16xf32, #tpu.memory_space<hbm>>)
    %dma_wait3A_585 = arith.constant 2 : i32
    %dma_wait3A_586 = arith.constant 2048 : i32
    %dma_wait3A_587 = arith.constant 0 : i32
    %dma_wait3A_588 = tpu.memref_slice %arg9[%dma_wait3A_586, %dma_wait3A_587] : memref<3328x16xf32, #tpu.memory_space<vmem>> -> memref<128x16xf32, #tpu.memory_space<vmem>>
    %dma_wait3A_589 = arith.constant 0 : i32
    %dma_wait3A_590 = tpu.memref_slice %arg5[%dma_wait3A_585, %mul3A_2, %dma_wait3A_589] : memref<4x4096x128xf32, #tpu.memory_space<hbm>> -> memref<1x128x16xf32, #tpu.memory_space<hbm>>
    %dma_wait3A_591 = tpu.memref_squeeze %dma_wait3A_590 : memref<1x128x16xf32, #tpu.memory_space<hbm>> -> memref<128x16xf32, #tpu.memory_space<hbm>>
    %dma_wait3A_592 = arith.constant 0 : i32
    %dma_wait3A_593 = tpu.memref_slice %arg5[%dma_wait3A_585, %mul3A_2, %dma_wait3A_592] : memref<4x4096x128xf32, #tpu.memory_space<hbm>> -> memref<1x128x16xf32, #tpu.memory_space<hbm>>
    %dma_wait3A_594 = tpu.memref_squeeze %dma_wait3A_593 : memref<1x128x16xf32, #tpu.memory_space<hbm>> -> memref<128x16xf32, #tpu.memory_space<hbm>>
    %dma_wait3A_595 = arith.constant 2048 : i32
    %dma_wait3A_596 = arith.constant 0 : i32
    %dma_wait3A_597 = tpu.memref_slice %arg9[%dma_wait3A_595, %dma_wait3A_596] : memref<3328x16xf32, #tpu.memory_space<vmem>> -> memref<128x16xf32, #tpu.memory_space<vmem>>
    tpu.wait_dma2 semaphore(%arg13 : memref<!tpu.dma_semaphore, #tpu.memory_space<semaphore_mem>>) src(%dma_wait3A_597 : memref<128x16xf32, #tpu.memory_space<vmem>>) dst(%dma_wait3A_594 : memref<128x16xf32, #tpu.memory_space<hbm>>)
    %dma_wait3A_598 = arith.constant 2 : i32
    %dma_wait3A_599 = arith.constant 2176 : i32
    %dma_wait3A_600 = arith.constant 0 : i32
    %dma_wait3A_601 = tpu.memref_slice %arg9[%dma_wait3A_599, %dma_wait3A_600] : memref<3328x16xf32, #tpu.memory_space<vmem>> -> memref<128x16xf32, #tpu.memory_space<vmem>>
    %dma_wait3A_602 = arith.constant 16 : i32
    %dma_wait3A_603 = tpu.memref_slice %arg5[%dma_wait3A_598, %mul3A_2, %dma_wait3A_602] : memref<4x4096x128xf32, #tpu.memory_space<hbm>> -> memref<1x128x16xf32, #tpu.memory_space<hbm>>
    %dma_wait3A_604 = tpu.memref_squeeze %dma_wait3A_603 : memref<1x128x16xf32, #tpu.memory_space<hbm>> -> memref<128x16xf32, #tpu.memory_space<hbm>>
    %dma_wait3A_605 = arith.constant 16 : i32
    %dma_wait3A_606 = tpu.memref_slice %arg5[%dma_wait3A_598, %mul3A_2, %dma_wait3A_605] : memref<4x4096x128xf32, #tpu.memory_space<hbm>> -> memref<1x128x16xf32, #tpu.memory_space<hbm>>
    %dma_wait3A_607 = tpu.memref_squeeze %dma_wait3A_606 : memref<1x128x16xf32, #tpu.memory_space<hbm>> -> memref<128x16xf32, #tpu.memory_space<hbm>>
    %dma_wait3A_608 = arith.constant 2176 : i32
    %dma_wait3A_609 = arith.constant 0 : i32
    %dma_wait3A_610 = tpu.memref_slice %arg9[%dma_wait3A_608, %dma_wait3A_609] : memref<3328x16xf32, #tpu.memory_space<vmem>> -> memref<128x16xf32, #tpu.memory_space<vmem>>
    tpu.wait_dma2 semaphore(%arg13 : memref<!tpu.dma_semaphore, #tpu.memory_space<semaphore_mem>>) src(%dma_wait3A_610 : memref<128x16xf32, #tpu.memory_space<vmem>>) dst(%dma_wait3A_607 : memref<128x16xf32, #tpu.memory_space<hbm>>)
    %dma_wait3A_611 = arith.constant 2 : i32
    %dma_wait3A_612 = arith.constant 2304 : i32
    %dma_wait3A_613 = arith.constant 0 : i32
    %dma_wait3A_614 = tpu.memref_slice %arg9[%dma_wait3A_612, %dma_wait3A_613] : memref<3328x16xf32, #tpu.memory_space<vmem>> -> memref<128x16xf32, #tpu.memory_space<vmem>>
    %dma_wait3A_615 = arith.constant 32 : i32
    %dma_wait3A_616 = tpu.memref_slice %arg5[%dma_wait3A_611, %mul3A_2, %dma_wait3A_615] : memref<4x4096x128xf32, #tpu.memory_space<hbm>> -> memref<1x128x16xf32, #tpu.memory_space<hbm>>
    %dma_wait3A_617 = tpu.memref_squeeze %dma_wait3A_616 : memref<1x128x16xf32, #tpu.memory_space<hbm>> -> memref<128x16xf32, #tpu.memory_space<hbm>>
    %dma_wait3A_618 = arith.constant 32 : i32
    %dma_wait3A_619 = tpu.memref_slice %arg5[%dma_wait3A_611, %mul3A_2, %dma_wait3A_618] : memref<4x4096x128xf32, #tpu.memory_space<hbm>> -> memref<1x128x16xf32, #tpu.memory_space<hbm>>
    %dma_wait3A_620 = tpu.memref_squeeze %dma_wait3A_619 : memref<1x128x16xf32, #tpu.memory_space<hbm>> -> memref<128x16xf32, #tpu.memory_space<hbm>>
    %dma_wait3A_621 = arith.constant 2304 : i32
    %dma_wait3A_622 = arith.constant 0 : i32
    %dma_wait3A_623 = tpu.memref_slice %arg9[%dma_wait3A_621, %dma_wait3A_622] : memref<3328x16xf32, #tpu.memory_space<vmem>> -> memref<128x16xf32, #tpu.memory_space<vmem>>
    tpu.wait_dma2 semaphore(%arg13 : memref<!tpu.dma_semaphore, #tpu.memory_space<semaphore_mem>>) src(%dma_wait3A_623 : memref<128x16xf32, #tpu.memory_space<vmem>>) dst(%dma_wait3A_620 : memref<128x16xf32, #tpu.memory_space<hbm>>)
    %dma_wait3A_624 = arith.constant 2 : i32
    %dma_wait3A_625 = arith.constant 2432 : i32
    %dma_wait3A_626 = arith.constant 0 : i32
    %dma_wait3A_627 = tpu.memref_slice %arg9[%dma_wait3A_625, %dma_wait3A_626] : memref<3328x16xf32, #tpu.memory_space<vmem>> -> memref<128x16xf32, #tpu.memory_space<vmem>>
    %dma_wait3A_628 = arith.constant 48 : i32
    %dma_wait3A_629 = tpu.memref_slice %arg5[%dma_wait3A_624, %mul3A_2, %dma_wait3A_628] : memref<4x4096x128xf32, #tpu.memory_space<hbm>> -> memref<1x128x16xf32, #tpu.memory_space<hbm>>
    %dma_wait3A_630 = tpu.memref_squeeze %dma_wait3A_629 : memref<1x128x16xf32, #tpu.memory_space<hbm>> -> memref<128x16xf32, #tpu.memory_space<hbm>>
    %dma_wait3A_631 = arith.constant 48 : i32
    %dma_wait3A_632 = tpu.memref_slice %arg5[%dma_wait3A_624, %mul3A_2, %dma_wait3A_631] : memref<4x4096x128xf32, #tpu.memory_space<hbm>> -> memref<1x128x16xf32, #tpu.memory_space<hbm>>
    %dma_wait3A_633 = tpu.memref_squeeze %dma_wait3A_632 : memref<1x128x16xf32, #tpu.memory_space<hbm>> -> memref<128x16xf32, #tpu.memory_space<hbm>>
    %dma_wait3A_634 = arith.constant 2432 : i32
    %dma_wait3A_635 = arith.constant 0 : i32
    %dma_wait3A_636 = tpu.memref_slice %arg9[%dma_wait3A_634, %dma_wait3A_635] : memref<3328x16xf32, #tpu.memory_space<vmem>> -> memref<128x16xf32, #tpu.memory_space<vmem>>
    tpu.wait_dma2 semaphore(%arg13 : memref<!tpu.dma_semaphore, #tpu.memory_space<semaphore_mem>>) src(%dma_wait3A_636 : memref<128x16xf32, #tpu.memory_space<vmem>>) dst(%dma_wait3A_633 : memref<128x16xf32, #tpu.memory_space<hbm>>)
    %dma_wait3A_637 = arith.constant 2 : i32
    %dma_wait3A_638 = arith.constant 2560 : i32
    %dma_wait3A_639 = arith.constant 0 : i32
    %dma_wait3A_640 = tpu.memref_slice %arg9[%dma_wait3A_638, %dma_wait3A_639] : memref<3328x16xf32, #tpu.memory_space<vmem>> -> memref<128x16xf32, #tpu.memory_space<vmem>>
    %dma_wait3A_641 = arith.constant 64 : i32
    %dma_wait3A_642 = tpu.memref_slice %arg5[%dma_wait3A_637, %mul3A_2, %dma_wait3A_641] : memref<4x4096x128xf32, #tpu.memory_space<hbm>> -> memref<1x128x16xf32, #tpu.memory_space<hbm>>
    %dma_wait3A_643 = tpu.memref_squeeze %dma_wait3A_642 : memref<1x128x16xf32, #tpu.memory_space<hbm>> -> memref<128x16xf32, #tpu.memory_space<hbm>>
    %dma_wait3A_644 = arith.constant 64 : i32
    %dma_wait3A_645 = tpu.memref_slice %arg5[%dma_wait3A_637, %mul3A_2, %dma_wait3A_644] : memref<4x4096x128xf32, #tpu.memory_space<hbm>> -> memref<1x128x16xf32, #tpu.memory_space<hbm>>
    %dma_wait3A_646 = tpu.memref_squeeze %dma_wait3A_645 : memref<1x128x16xf32, #tpu.memory_space<hbm>> -> memref<128x16xf32, #tpu.memory_space<hbm>>
    %dma_wait3A_647 = arith.constant 2560 : i32
    %dma_wait3A_648 = arith.constant 0 : i32
    %dma_wait3A_649 = tpu.memref_slice %arg9[%dma_wait3A_647, %dma_wait3A_648] : memref<3328x16xf32, #tpu.memory_space<vmem>> -> memref<128x16xf32, #tpu.memory_space<vmem>>
    tpu.wait_dma2 semaphore(%arg13 : memref<!tpu.dma_semaphore, #tpu.memory_space<semaphore_mem>>) src(%dma_wait3A_649 : memref<128x16xf32, #tpu.memory_space<vmem>>) dst(%dma_wait3A_646 : memref<128x16xf32, #tpu.memory_space<hbm>>)
    %dma_wait3A_650 = arith.constant 2 : i32
    %dma_wait3A_651 = arith.constant 2688 : i32
    %dma_wait3A_652 = arith.constant 0 : i32
    %dma_wait3A_653 = tpu.memref_slice %arg9[%dma_wait3A_651, %dma_wait3A_652] : memref<3328x16xf32, #tpu.memory_space<vmem>> -> memref<128x16xf32, #tpu.memory_space<vmem>>
    %dma_wait3A_654 = arith.constant 80 : i32
    %dma_wait3A_655 = tpu.memref_slice %arg5[%dma_wait3A_650, %mul3A_2, %dma_wait3A_654] : memref<4x4096x128xf32, #tpu.memory_space<hbm>> -> memref<1x128x16xf32, #tpu.memory_space<hbm>>
    %dma_wait3A_656 = tpu.memref_squeeze %dma_wait3A_655 : memref<1x128x16xf32, #tpu.memory_space<hbm>> -> memref<128x16xf32, #tpu.memory_space<hbm>>
    %dma_wait3A_657 = arith.constant 80 : i32
    %dma_wait3A_658 = tpu.memref_slice %arg5[%dma_wait3A_650, %mul3A_2, %dma_wait3A_657] : memref<4x4096x128xf32, #tpu.memory_space<hbm>> -> memref<1x128x16xf32, #tpu.memory_space<hbm>>
    %dma_wait3A_659 = tpu.memref_squeeze %dma_wait3A_658 : memref<1x128x16xf32, #tpu.memory_space<hbm>> -> memref<128x16xf32, #tpu.memory_space<hbm>>
    %dma_wait3A_660 = arith.constant 2688 : i32
    %dma_wait3A_661 = arith.constant 0 : i32
    %dma_wait3A_662 = tpu.memref_slice %arg9[%dma_wait3A_660, %dma_wait3A_661] : memref<3328x16xf32, #tpu.memory_space<vmem>> -> memref<128x16xf32, #tpu.memory_space<vmem>>
    tpu.wait_dma2 semaphore(%arg13 : memref<!tpu.dma_semaphore, #tpu.memory_space<semaphore_mem>>) src(%dma_wait3A_662 : memref<128x16xf32, #tpu.memory_space<vmem>>) dst(%dma_wait3A_659 : memref<128x16xf32, #tpu.memory_space<hbm>>)
    %dma_wait3A_663 = arith.constant 2 : i32
    %dma_wait3A_664 = arith.constant 2816 : i32
    %dma_wait3A_665 = arith.constant 0 : i32
    %dma_wait3A_666 = tpu.memref_slice %arg9[%dma_wait3A_664, %dma_wait3A_665] : memref<3328x16xf32, #tpu.memory_space<vmem>> -> memref<128x16xf32, #tpu.memory_space<vmem>>
    %dma_wait3A_667 = arith.constant 96 : i32
    %dma_wait3A_668 = tpu.memref_slice %arg5[%dma_wait3A_663, %mul3A_2, %dma_wait3A_667] : memref<4x4096x128xf32, #tpu.memory_space<hbm>> -> memref<1x128x16xf32, #tpu.memory_space<hbm>>
    %dma_wait3A_669 = tpu.memref_squeeze %dma_wait3A_668 : memref<1x128x16xf32, #tpu.memory_space<hbm>> -> memref<128x16xf32, #tpu.memory_space<hbm>>
    %dma_wait3A_670 = arith.constant 96 : i32
    %dma_wait3A_671 = tpu.memref_slice %arg5[%dma_wait3A_663, %mul3A_2, %dma_wait3A_670] : memref<4x4096x128xf32, #tpu.memory_space<hbm>> -> memref<1x128x16xf32, #tpu.memory_space<hbm>>
    %dma_wait3A_672 = tpu.memref_squeeze %dma_wait3A_671 : memref<1x128x16xf32, #tpu.memory_space<hbm>> -> memref<128x16xf32, #tpu.memory_space<hbm>>
    %dma_wait3A_673 = arith.constant 2816 : i32
    %dma_wait3A_674 = arith.constant 0 : i32
    %dma_wait3A_675 = tpu.memref_slice %arg9[%dma_wait3A_673, %dma_wait3A_674] : memref<3328x16xf32, #tpu.memory_space<vmem>> -> memref<128x16xf32, #tpu.memory_space<vmem>>
    tpu.wait_dma2 semaphore(%arg13 : memref<!tpu.dma_semaphore, #tpu.memory_space<semaphore_mem>>) src(%dma_wait3A_675 : memref<128x16xf32, #tpu.memory_space<vmem>>) dst(%dma_wait3A_672 : memref<128x16xf32, #tpu.memory_space<hbm>>)
    %dma_wait3A_676 = arith.constant 2 : i32
    %dma_wait3A_677 = arith.constant 2944 : i32
    %dma_wait3A_678 = arith.constant 0 : i32
    %dma_wait3A_679 = tpu.memref_slice %arg9[%dma_wait3A_677, %dma_wait3A_678] : memref<3328x16xf32, #tpu.memory_space<vmem>> -> memref<128x16xf32, #tpu.memory_space<vmem>>
    %dma_wait3A_680 = arith.constant 112 : i32
    %dma_wait3A_681 = tpu.memref_slice %arg5[%dma_wait3A_676, %mul3A_2, %dma_wait3A_680] : memref<4x4096x128xf32, #tpu.memory_space<hbm>> -> memref<1x128x16xf32, #tpu.memory_space<hbm>>
    %dma_wait3A_682 = tpu.memref_squeeze %dma_wait3A_681 : memref<1x128x16xf32, #tpu.memory_space<hbm>> -> memref<128x16xf32, #tpu.memory_space<hbm>>
    %dma_wait3A_683 = arith.constant 112 : i32
    %dma_wait3A_684 = tpu.memref_slice %arg5[%dma_wait3A_676, %mul3A_2, %dma_wait3A_683] : memref<4x4096x128xf32, #tpu.memory_space<hbm>> -> memref<1x128x16xf32, #tpu.memory_space<hbm>>
    %dma_wait3A_685 = tpu.memref_squeeze %dma_wait3A_684 : memref<1x128x16xf32, #tpu.memory_space<hbm>> -> memref<128x16xf32, #tpu.memory_space<hbm>>
    %dma_wait3A_686 = arith.constant 2944 : i32
    %dma_wait3A_687 = arith.constant 0 : i32
    %dma_wait3A_688 = tpu.memref_slice %arg9[%dma_wait3A_686, %dma_wait3A_687] : memref<3328x16xf32, #tpu.memory_space<vmem>> -> memref<128x16xf32, #tpu.memory_space<vmem>>
    tpu.wait_dma2 semaphore(%arg13 : memref<!tpu.dma_semaphore, #tpu.memory_space<semaphore_mem>>) src(%dma_wait3A_688 : memref<128x16xf32, #tpu.memory_space<vmem>>) dst(%dma_wait3A_685 : memref<128x16xf32, #tpu.memory_space<hbm>>)
    %dma_wait3A_689 = arith.constant 3 : i32
    %dma_wait3A_690 = arith.constant 3072 : i32
    %dma_wait3A_691 = arith.constant 0 : i32
    %dma_wait3A_692 = tpu.memref_slice %arg9[%dma_wait3A_690, %dma_wait3A_691] : memref<3328x16xf32, #tpu.memory_space<vmem>> -> memref<128x16xf32, #tpu.memory_space<vmem>>
    %dma_wait3A_693 = arith.constant 0 : i32
    %dma_wait3A_694 = tpu.memref_slice %arg5[%dma_wait3A_689, %mul3A_2, %dma_wait3A_693] : memref<4x4096x128xf32, #tpu.memory_space<hbm>> -> memref<1x128x16xf32, #tpu.memory_space<hbm>>
    %dma_wait3A_695 = tpu.memref_squeeze %dma_wait3A_694 : memref<1x128x16xf32, #tpu.memory_space<hbm>> -> memref<128x16xf32, #tpu.memory_space<hbm>>
    %dma_wait3A_696 = arith.constant 0 : i32
    %dma_wait3A_697 = tpu.memref_slice %arg5[%dma_wait3A_689, %mul3A_2, %dma_wait3A_696] : memref<4x4096x128xf32, #tpu.memory_space<hbm>> -> memref<1x128x16xf32, #tpu.memory_space<hbm>>
    %dma_wait3A_698 = tpu.memref_squeeze %dma_wait3A_697 : memref<1x128x16xf32, #tpu.memory_space<hbm>> -> memref<128x16xf32, #tpu.memory_space<hbm>>
    %dma_wait3A_699 = arith.constant 3072 : i32
    %dma_wait3A_700 = arith.constant 0 : i32
    %dma_wait3A_701 = tpu.memref_slice %arg9[%dma_wait3A_699, %dma_wait3A_700] : memref<3328x16xf32, #tpu.memory_space<vmem>> -> memref<128x16xf32, #tpu.memory_space<vmem>>
    tpu.wait_dma2 semaphore(%arg13 : memref<!tpu.dma_semaphore, #tpu.memory_space<semaphore_mem>>) src(%dma_wait3A_701 : memref<128x16xf32, #tpu.memory_space<vmem>>) dst(%dma_wait3A_698 : memref<128x16xf32, #tpu.memory_space<hbm>>)
    %dma_wait3A_702 = arith.constant 3 : i32
    %dma_wait3A_703 = arith.constant 3200 : i32
    %dma_wait3A_704 = arith.constant 0 : i32
    %dma_wait3A_705 = tpu.memref_slice %arg9[%dma_wait3A_703, %dma_wait3A_704] : memref<3328x16xf32, #tpu.memory_space<vmem>> -> memref<128x16xf32, #tpu.memory_space<vmem>>
    %dma_wait3A_706 = arith.constant 16 : i32
    %dma_wait3A_707 = tpu.memref_slice %arg5[%dma_wait3A_702, %mul3A_2, %dma_wait3A_706] : memref<4x4096x128xf32, #tpu.memory_space<hbm>> -> memref<1x128x16xf32, #tpu.memory_space<hbm>>
    %dma_wait3A_708 = tpu.memref_squeeze %dma_wait3A_707 : memref<1x128x16xf32, #tpu.memory_space<hbm>> -> memref<128x16xf32, #tpu.memory_space<hbm>>
    %dma_wait3A_709 = arith.constant 16 : i32
    %dma_wait3A_710 = tpu.memref_slice %arg5[%dma_wait3A_702, %mul3A_2, %dma_wait3A_709] : memref<4x4096x128xf32, #tpu.memory_space<hbm>> -> memref<1x128x16xf32, #tpu.memory_space<hbm>>
    %dma_wait3A_711 = tpu.memref_squeeze %dma_wait3A_710 : memref<1x128x16xf32, #tpu.memory_space<hbm>> -> memref<128x16xf32, #tpu.memory_space<hbm>>
    %dma_wait3A_712 = arith.constant 3200 : i32
    %dma_wait3A_713 = arith.constant 0 : i32
    %dma_wait3A_714 = tpu.memref_slice %arg9[%dma_wait3A_712, %dma_wait3A_713] : memref<3328x16xf32, #tpu.memory_space<vmem>> -> memref<128x16xf32, #tpu.memory_space<vmem>>
    tpu.wait_dma2 semaphore(%arg13 : memref<!tpu.dma_semaphore, #tpu.memory_space<semaphore_mem>>) src(%dma_wait3A_714 : memref<128x16xf32, #tpu.memory_space<vmem>>) dst(%dma_wait3A_711 : memref<128x16xf32, #tpu.memory_space<hbm>>)
    "tpu.region"() ({
      %run_scoped3A = tpu.sem_alloc : memref<!tpu.dma_semaphore, #tpu.memory_space<semaphore_mem>>
      %dma_start3A_715 = tpu.memref_slice %arg6[%mul3A_2] : memref<4096xf32, #tpu.memory_space<hbm>> -> memref<128xf32, #tpu.memory_space<hbm>>
      %dma_start3A_716 = tpu.memref_slice %arg6[%mul3A_2] : memref<4096xf32, #tpu.memory_space<hbm>> -> memref<128xf32, #tpu.memory_space<hbm>>
      tpu.enqueue_dma source(%arg10 : memref<128xf32, #tpu.memory_space<vmem>>) target(%dma_start3A_716 : memref<128xf32, #tpu.memory_space<hbm>>) target_semaphore(%run_scoped3A : memref<!tpu.dma_semaphore, #tpu.memory_space<semaphore_mem>>)
      %dma_wait3A_717 = tpu.memref_slice %arg6[%mul3A_2] : memref<4096xf32, #tpu.memory_space<hbm>> -> memref<128xf32, #tpu.memory_space<hbm>>
      %dma_wait3A_718 = tpu.memref_slice %arg6[%mul3A_2] : memref<4096xf32, #tpu.memory_space<hbm>> -> memref<128xf32, #tpu.memory_space<hbm>>
      tpu.wait_dma2 semaphore(%run_scoped3A : memref<!tpu.dma_semaphore, #tpu.memory_space<semaphore_mem>>) src(%arg10 : memref<128xf32, #tpu.memory_space<vmem>>) dst(%dma_wait3A_718 : memref<128xf32, #tpu.memory_space<hbm>>)
      tpu.yield
    }) : () -> ()
    return
  }
}

module attributes {stable_mosaic.version = 14 : i64} {
  func.func @_tc_body(%arg0: i32, %arg1: memref<4x1024x128xf32, #tpu.memory_space<vmem>>, %arg2: memref<1024xf32, #tpu.memory_space<vmem>>, %arg3: memref<400x512xf32, #tpu.memory_space<vmem>>, %arg4: memref<1x400xf32, #tpu.memory_space<vmem>>, %arg5: memref<400x400xf32, #tpu.memory_space<vmem>>, %arg6: memref<1x400xf32, #tpu.memory_space<vmem>>, %arg7: memref<1x400xf32, #tpu.memory_space<vmem>>, %arg8: memref<1x1xf32, #tpu.memory_space<vmem>>, %arg9: memref<1024xf32, #tpu.memory_space<vmem>>) attributes {dimension_semantics = [#tpu.dimension_semantics<arbitrary>], iteration_bounds = array<i64: 4>, scalar_prefetch = 0 : i64, scratch_operands = 0 : i64, tpu.core_type = #tpu.core_type<tc>, window_params = [{transform_indices = @transform_0, window_bounds = array<i64: 4, 1024, 128>}, {transform_indices = @transform_1, window_bounds = array<i64: 1024>}, {pipeline_mode = #tpu.pipeline_mode<synchronous>, transform_indices = @transform_2, window_bounds = array<i64: 400, 512>}, {pipeline_mode = #tpu.pipeline_mode<synchronous>, transform_indices = @transform_3, window_bounds = array<i64: 1, 400>}, {pipeline_mode = #tpu.pipeline_mode<synchronous>, transform_indices = @transform_4, window_bounds = array<i64: 400, 400>}, {pipeline_mode = #tpu.pipeline_mode<synchronous>, transform_indices = @transform_5, window_bounds = array<i64: 1, 400>}, {pipeline_mode = #tpu.pipeline_mode<synchronous>, transform_indices = @transform_6, window_bounds = array<i64: 1, 400>}, {pipeline_mode = #tpu.pipeline_mode<synchronous>, transform_indices = @transform_7, window_bounds = array<i64: 1, 1>}, {transform_indices = @transform_8, window_bounds = array<i64: 1024>}]} {
    %get3A = arith.constant 0 : index
    %get3A_0 = arith.constant 0 : index
    %get3A_1 = arith.constant 0 : index
    %get3A_2 = vector.load %arg1[%get3A, %get3A_0, %get3A_1] : memref<4x1024x128xf32, #tpu.memory_space<vmem>>, vector<1x1024x128xf32>
    %get3A_3 = vector.shape_cast %get3A_2 : vector<1x1024x128xf32> to vector<1024x128xf32>
    %get3A_4 = arith.constant 1 : index
    %get3A_5 = arith.constant 0 : index
    %get3A_6 = arith.constant 0 : index
    %get3A_7 = vector.load %arg1[%get3A_4, %get3A_5, %get3A_6] : memref<4x1024x128xf32, #tpu.memory_space<vmem>>, vector<1x1024x128xf32>
    %get3A_8 = vector.shape_cast %get3A_7 : vector<1x1024x128xf32> to vector<1024x128xf32>
    %get3A_9 = arith.constant 2 : index
    %get3A_10 = arith.constant 0 : index
    %get3A_11 = arith.constant 0 : index
    %get3A_12 = vector.load %arg1[%get3A_9, %get3A_10, %get3A_11] : memref<4x1024x128xf32, #tpu.memory_space<vmem>>, vector<1x1024x128xf32>
    %get3A_13 = vector.shape_cast %get3A_12 : vector<1x1024x128xf32> to vector<1024x128xf32>
    %get3A_14 = arith.constant 3 : index
    %get3A_15 = arith.constant 0 : index
    %get3A_16 = arith.constant 0 : index
    %get3A_17 = vector.load %arg1[%get3A_14, %get3A_15, %get3A_16] : memref<4x1024x128xf32, #tpu.memory_space<vmem>>, vector<1x1024x128xf32>
    %get3A_18 = vector.shape_cast %get3A_17 : vector<1x1024x128xf32> to vector<1024x128xf32>
    %iota3A = tpu.iota {dimensions = array<i32: 1>} : vector<1024x128xi32>
    %lt3A = arith.constant 32 : i32
    %lt3A_19 = vector.broadcast %lt3A : i32 to vector<1024x128xi32>
    %lt3A_20 = arith.cmpi slt, %iota3A, %lt3A_19 : vector<1024x128xi32>
    %jit3A = arith.constant 0.000000e+00 : f32
    %broadcast_in_dim3A = vector.broadcast %jit3A : f32 to vector<1024x128xf32>
    %select_n3A = arith.select %lt3A_20, %get3A_18, %broadcast_in_dim3A : vector<1024x128xi1>, vector<1024x128xf32>
    %iota3A_21 = tpu.iota {dimensions = array<i32: 0>} : vector<128x16xi32>
    %iota3A_22 = tpu.iota {dimensions = array<i32: 1>} : vector<128x16xi32>
    %jit3A_23 = arith.constant 16 : i32
    %eq3A = arith.constant 0 : i32
    %eq3A_24 = arith.cmpi eq, %jit3A_23, %eq3A : i32
    %jit3A_25 = arith.constant 1 : i32
    %select_n3A_26 = arith.select %eq3A_24, %jit3A_25, %jit3A_23 : i32
    %rem3A = vector.broadcast %select_n3A_26 : i32 to vector<128x16xi32>
    %rem3A_27 = arith.remsi %iota3A_21, %rem3A : vector<128x16xi32>
    %ne3A = arith.constant 0 : i32
    %ne3A_28 = vector.broadcast %ne3A : i32 to vector<128x16xi32>
    %ne3A_29 = arith.cmpi ne, %rem3A_27, %ne3A_28 : vector<128x16xi32>
    %lt3A_30 = arith.constant 0 : i32
    %lt3A_31 = vector.broadcast %lt3A_30 : i32 to vector<128x16xi32>
    %lt3A_32 = arith.cmpi slt, %rem3A_27, %lt3A_31 : vector<128x16xi32>
    %lt3A_33 = arith.constant 0 : i32
    %lt3A_34 = arith.cmpi slt, %select_n3A_26, %lt3A_33 : i32
    %ne3A_35 = vector.broadcast %lt3A_34 : i1 to vector<128x16xi1>
    %ne3A_36 = vector.broadcast %ne3A_35 : vector<128x16xi1> to vector<128x16xi1>
    %ne3A_37 = arith.xori %lt3A_32, %ne3A_36 : vector<128x16xi1>
    %and3A = arith.andi %ne3A_37, %ne3A_29 : vector<128x16xi1>
    %add3A = vector.broadcast %select_n3A_26 : i32 to vector<128x16xi32>
    %add3A_38 = arith.addi %rem3A_27, %add3A : vector<128x16xi32>
    %select_n3A_39 = arith.select %and3A, %add3A_38, %rem3A_27 : vector<128x16xi1>, vector<128x16xi32>
    %eq3A_40 = arith.cmpi eq, %select_n3A_39, %iota3A_22 : vector<128x16xi32>
    %jit3A_41 = arith.constant 1.000000e+00 : f32
    %jit3A_42 = arith.constant 0.000000e+00 : f32
    %broadcast_in_dim3A_43 = vector.broadcast %jit3A_41 : f32 to vector<128x16xf32>
    %broadcast_in_dim3A_44 = vector.broadcast %jit3A_42 : f32 to vector<128x16xf32>
    %select_n3A_45 = arith.select %eq3A_40, %broadcast_in_dim3A_43, %broadcast_in_dim3A_44 : vector<128x16xi1>, vector<128x16xf32>
    %add3A_46 = arith.addf %get3A_3, %get3A_8 : vector<1024x128xf32>
    %add3A_47 = arith.addf %add3A_46, %get3A_13 : vector<1024x128xf32>
    %add3A_48 = arith.addf %add3A_47, %select_n3A : vector<1024x128xf32>
    %mul3A = arith.mulf %get3A_3, %get3A_3 : vector<1024x128xf32>
    %mul3A_49 = arith.mulf %get3A_8, %get3A_8 : vector<1024x128xf32>
    %add3A_50 = arith.addf %mul3A, %mul3A_49 : vector<1024x128xf32>
    %mul3A_51 = arith.mulf %get3A_13, %get3A_13 : vector<1024x128xf32>
    %add3A_52 = arith.addf %add3A_50, %mul3A_51 : vector<1024x128xf32>
    %mul3A_53 = arith.mulf %select_n3A, %select_n3A : vector<1024x128xf32>
    %add3A_54 = arith.addf %add3A_52, %mul3A_53 : vector<1024x128xf32>
    %dot_general3A = arith.constant dense<0.000000e+00> : vector<1024x16xf32>
    %dot_general3A_55 = tpu.matmul %add3A_48, %select_n3A_45, %dot_general3A {dimension_numbers = #tpu.dot_dimension_numbers<[1], [0], [0], [1], [0, 0, 1, 1], [], []>, transpose_lhs_hint = false} : vector<1024x128xf32>, vector<128x16xf32>, vector<1024x16xf32> -> vector<1024x16xf32>
    %dot_general3A_56 = arith.constant dense<0.000000e+00> : vector<1024x16xf32>
    %dot_general3A_57 = tpu.matmul %add3A_54, %select_n3A_45, %dot_general3A_56 {dimension_numbers = #tpu.dot_dimension_numbers<[1], [0], [0], [1], [0, 0, 1, 1], [], []>, transpose_lhs_hint = false} : vector<1024x128xf32>, vector<128x16xf32>, vector<1024x16xf32> -> vector<1024x16xf32>
    %mul3A_58 = arith.mulf %dot_general3A_55, %dot_general3A_55 : vector<1024x16xf32>
    %sub3A = arith.subf %mul3A_58, %dot_general3A_57 : vector<1024x16xf32>
    %reduce_sum3A = arith.constant dense<0.000000e+00> : vector<1024xf32>
    %reduce_sum3A_59 = vector.multi_reduction <add>, %sub3A, %reduce_sum3A [1] : vector<1024x16xf32> to vector<1024xf32>
    %mul3A_60 = arith.constant 5.000000e-01 : f32
    %mul3A_61 = vector.broadcast %mul3A_60 : f32 to vector<1024xf32>
    %mul3A_62 = arith.mulf %mul3A_61, %reduce_sum3A_59 : vector<1024xf32>
    %get3A_63 = arith.constant 0 : index
    %get3A_64 = arith.constant 0 : index
    %get3A_65 = vector.load %arg4[%get3A_63, %get3A_64] : memref<1x400xf32, #tpu.memory_space<vmem>>, vector<1x400xf32>
    %convert_element_type3A = arith.truncf %get3A_3 : vector<1024x128xf32> to vector<1024x128xbf16>
    %get3A_66 = arith.constant 0 : index
    %get3A_67 = arith.constant 0 : index
    %get3A_68 = vector.load %arg3[%get3A_66, %get3A_67] : memref<400x512xf32, #tpu.memory_space<vmem>>, vector<400x128xf32>
    %convert_element_type3A_69 = arith.truncf %get3A_68 : vector<400x128xf32> to vector<400x128xbf16>
    %dot_general3A_70 = arith.constant dense<0.000000e+00> : vector<1024x400xf32>
    %dot_general3A_71 = tpu.matmul %convert_element_type3A, %convert_element_type3A_69, %dot_general3A_70 {dimension_numbers = #tpu.dot_dimension_numbers<[1], [1], [0], [0], [0, 0, 1, 0], [], []>, transpose_lhs_hint = false} : vector<1024x128xbf16>, vector<400x128xbf16>, vector<1024x400xf32> -> vector<1024x400xf32>
    %add3A_72 = vector.broadcast %get3A_65 : vector<1x400xf32> to vector<1024x400xf32>
    %add3A_73 = arith.addf %add3A_72, %dot_general3A_71 : vector<1024x400xf32>
    %convert_element_type3A_74 = arith.truncf %get3A_8 : vector<1024x128xf32> to vector<1024x128xbf16>
    %get3A_75 = arith.constant 0 : index
    %get3A_76 = arith.constant 128 : index
    %get3A_77 = vector.load %arg3[%get3A_75, %get3A_76] : memref<400x512xf32, #tpu.memory_space<vmem>>, vector<400x128xf32>
    %convert_element_type3A_78 = arith.truncf %get3A_77 : vector<400x128xf32> to vector<400x128xbf16>
    %dot_general3A_79 = arith.constant dense<0.000000e+00> : vector<1024x400xf32>
    %dot_general3A_80 = tpu.matmul %convert_element_type3A_74, %convert_element_type3A_78, %dot_general3A_79 {dimension_numbers = #tpu.dot_dimension_numbers<[1], [1], [0], [0], [0, 0, 1, 0], [], []>, transpose_lhs_hint = false} : vector<1024x128xbf16>, vector<400x128xbf16>, vector<1024x400xf32> -> vector<1024x400xf32>
    %add3A_81 = arith.addf %add3A_73, %dot_general3A_80 : vector<1024x400xf32>
    %convert_element_type3A_82 = arith.truncf %get3A_13 : vector<1024x128xf32> to vector<1024x128xbf16>
    %get3A_83 = arith.constant 0 : index
    %get3A_84 = arith.constant 256 : index
    %get3A_85 = vector.load %arg3[%get3A_83, %get3A_84] : memref<400x512xf32, #tpu.memory_space<vmem>>, vector<400x128xf32>
    %convert_element_type3A_86 = arith.truncf %get3A_85 : vector<400x128xf32> to vector<400x128xbf16>
    %dot_general3A_87 = arith.constant dense<0.000000e+00> : vector<1024x400xf32>
    %dot_general3A_88 = tpu.matmul %convert_element_type3A_82, %convert_element_type3A_86, %dot_general3A_87 {dimension_numbers = #tpu.dot_dimension_numbers<[1], [1], [0], [0], [0, 0, 1, 0], [], []>, transpose_lhs_hint = false} : vector<1024x128xbf16>, vector<400x128xbf16>, vector<1024x400xf32> -> vector<1024x400xf32>
    %add3A_89 = arith.addf %add3A_81, %dot_general3A_88 : vector<1024x400xf32>
    %convert_element_type3A_90 = arith.truncf %select_n3A : vector<1024x128xf32> to vector<1024x128xbf16>
    %get3A_91 = arith.constant 0 : index
    %get3A_92 = arith.constant 384 : index
    %get3A_93 = vector.load %arg3[%get3A_91, %get3A_92] : memref<400x512xf32, #tpu.memory_space<vmem>>, vector<400x128xf32>
    %convert_element_type3A_94 = arith.truncf %get3A_93 : vector<400x128xf32> to vector<400x128xbf16>
    %dot_general3A_95 = arith.constant dense<0.000000e+00> : vector<1024x400xf32>
    %dot_general3A_96 = tpu.matmul %convert_element_type3A_90, %convert_element_type3A_94, %dot_general3A_95 {dimension_numbers = #tpu.dot_dimension_numbers<[1], [1], [0], [0], [0, 0, 1, 0], [], []>, transpose_lhs_hint = false} : vector<1024x128xbf16>, vector<400x128xbf16>, vector<1024x400xf32> -> vector<1024x400xf32>
    %add3A_97 = arith.addf %add3A_89, %dot_general3A_96 : vector<1024x400xf32>
    %max3A = arith.constant 0.000000e+00 : f32
    %max3A_98 = vector.broadcast %max3A : f32 to vector<1024x400xf32>
    %max3A_99 = arith.maximumf %add3A_97, %max3A_98 : vector<1024x400xf32>
    %convert_element_type3A_100 = arith.truncf %max3A_99 : vector<1024x400xf32> to vector<1024x400xbf16>
    %get3A_101 = arith.constant 0 : index
    %get3A_102 = arith.constant 0 : index
    %get3A_103 = vector.load %arg5[%get3A_101, %get3A_102] : memref<400x400xf32, #tpu.memory_space<vmem>>, vector<400x400xf32>
    %convert_element_type3A_104 = arith.truncf %get3A_103 : vector<400x400xf32> to vector<400x400xbf16>
    %dot_general3A_105 = arith.constant dense<0.000000e+00> : vector<1024x400xf32>
    %dot_general3A_106 = tpu.matmul %convert_element_type3A_100, %convert_element_type3A_104, %dot_general3A_105 {dimension_numbers = #tpu.dot_dimension_numbers<[1], [1], [0], [0], [0, 0, 1, 0], [], []>, transpose_lhs_hint = false} : vector<1024x400xbf16>, vector<400x400xbf16>, vector<1024x400xf32> -> vector<1024x400xf32>
    %get3A_107 = arith.constant 0 : index
    %get3A_108 = arith.constant 0 : index
    %get3A_109 = vector.load %arg6[%get3A_107, %get3A_108] : memref<1x400xf32, #tpu.memory_space<vmem>>, vector<1x400xf32>
    %add3A_110 = vector.broadcast %get3A_109 : vector<1x400xf32> to vector<1024x400xf32>
    %add3A_111 = arith.addf %dot_general3A_106, %add3A_110 : vector<1024x400xf32>
    %max3A_112 = arith.constant 0.000000e+00 : f32
    %max3A_113 = vector.broadcast %max3A_112 : f32 to vector<1024x400xf32>
    %max3A_114 = arith.maximumf %add3A_111, %max3A_113 : vector<1024x400xf32>
    %get3A_115 = arith.constant 0 : index
    %get3A_116 = arith.constant 0 : index
    %get3A_117 = vector.load %arg7[%get3A_115, %get3A_116] : memref<1x400xf32, #tpu.memory_space<vmem>>, vector<1x400xf32>
    %dot_general3A_118 = arith.constant dense<0.000000e+00> : vector<1024x1xf32>
    %dot_general3A_119 = tpu.matmul %max3A_114, %get3A_117, %dot_general3A_118 {dimension_numbers = #tpu.dot_dimension_numbers<[1], [1], [0], [0], [0, 0, 1, 0], [], []>, transpose_lhs_hint = false} : vector<1024x400xf32>, vector<1x400xf32>, vector<1024x1xf32> -> vector<1024x1xf32>
    %get3A_120 = arith.constant 0 : index
    %get3A_121 = vector.load %arg2[%get3A_120] : memref<1024xf32, #tpu.memory_space<vmem>>, vector<1024xf32>
    %add3A_122 = arith.addf %get3A_121, %mul3A_62 : vector<1024xf32>
    %squeeze3A = vector.shape_cast %dot_general3A_119 : vector<1024x1xf32> to vector<1024xf32>
    %add3A_123 = arith.addf %add3A_122, %squeeze3A : vector<1024xf32>
    %get3A_124 = arith.constant 0 : index
    %get3A_125 = arith.constant 0 : index
    %get3A_126 = vector.load %arg8[%get3A_124, %get3A_125] : memref<1x1xf32, #tpu.memory_space<vmem>>, vector<1x1xf32>
    %get3A_127 = vector.extract %get3A_126[0, 0] : f32 from vector<1x1xf32>
    %add3A_128 = vector.broadcast %get3A_127 : f32 to vector<1024xf32>
    %add3A_129 = arith.addf %add3A_123, %add3A_128 : vector<1024xf32>
    %swap3A = arith.constant 0 : index
    %swap3A_130 = vector.load %arg9[%swap3A] : memref<1024xf32, #tpu.memory_space<vmem>>, vector<1024xf32>
    tpu.vector_store %arg9[%swap3A], %add3A_129 {strides = array<i32>} : memref<1024xf32, #tpu.memory_space<vmem>>, vector<1024xf32>,
    return
  }
  func.func @transform_0(%arg0: i32) -> (i32, i32, i32) {
    %c0_i32 = arith.constant 0 : i32
    %c0_i32_0 = arith.constant 0 : i32
    %c0_i32_1 = arith.constant 0 : i32
    return %c0_i32, %arg0, %c0_i32_0 : i32, i32, i32
  }
  func.func @transform_1(%arg0: i32) -> i32 {
    %c0_i32 = arith.constant 0 : i32
    return %arg0 : i32
  }
  func.func @transform_2(%arg0: i32) -> (i32, i32) {
    %c0_i32 = arith.constant 0 : i32
    %c0_i32_0 = arith.constant 0 : i32
    %c0_i32_1 = arith.constant 0 : i32
    return %c0_i32, %c0_i32_0 : i32, i32
  }
  func.func @transform_3(%arg0: i32) -> (i32, i32) {
    %c0_i32 = arith.constant 0 : i32
    %c0_i32_0 = arith.constant 0 : i32
    %c0_i32_1 = arith.constant 0 : i32
    return %c0_i32, %c0_i32_0 : i32, i32
  }
  func.func @transform_4(%arg0: i32) -> (i32, i32) {
    %c0_i32 = arith.constant 0 : i32
    %c0_i32_0 = arith.constant 0 : i32
    %c0_i32_1 = arith.constant 0 : i32
    return %c0_i32, %c0_i32_0 : i32, i32
  }
  func.func @transform_5(%arg0: i32) -> (i32, i32) {
    %c0_i32 = arith.constant 0 : i32
    %c0_i32_0 = arith.constant 0 : i32
    %c0_i32_1 = arith.constant 0 : i32
    return %c0_i32, %c0_i32_0 : i32, i32
  }
  func.func @transform_6(%arg0: i32) -> (i32, i32) {
    %c0_i32 = arith.constant 0 : i32
    %c0_i32_0 = arith.constant 0 : i32
    %c0_i32_1 = arith.constant 0 : i32
    return %c0_i32, %c0_i32_0 : i32, i32
  }
  func.func @transform_7(%arg0: i32) -> (i32, i32) {
    %c0_i32 = arith.constant 0 : i32
    %c0_i32_0 = arith.constant 0 : i32
    %c0_i32_1 = arith.constant 0 : i32
    return %c0_i32, %c0_i32_0 : i32, i32
  }
  func.func @transform_8(%arg0: i32) -> i32 {
    %c0_i32 = arith.constant 0 : i32
    return %arg0 : i32
  }
}

</mosaic_0001>

<sc_bundles>
// kernel: kernel.4.cloned.1.call-start
scs
__scs_entry_jumppad:
0x0: {  	(pc) =	sbr.rel $0x88, $3  }
0x1: {  	(tag) =	ssettag $0x0;
	lr =	simm.s32 $0x1  }
0x2: {  	[smem:$0x3F98] =	sst lr;
	_ =	strace $0xD0000000  }
0x3: {  	_ = 	snop  }
0x4: {  	_ = 	snop  }
0x5: {  	_ = 	snop  }
0x6: {  	_ = 	snop  }
0x7: {  	_ = 	snop  }
__scs_overlays_trampoline_lowered:
0x8: {  	[smem:$0x3FA7] =	sst s0  }
0x9: {  	[smem:$0x3FA8] =	sst s1  }
0xa: {  	[smem:$0x3FA9] =	sst s2  }
0xb: {  	[smem:$0x3FAA] =	sst s3  }
0xc: {  	[smem:$0x3FAB] =	sst s4  }
0xd: {  	[smem:$0x3FAC] =	sst s5  }
0xe: {  	[smem:$0x3FAD] =	sst s6  }
0xf: {  	[smem:$0x3FAE] =	sst s7  }
0x10: {  	[smem:$0x3FAF] =	sst s8  }
0x11: {  	[smem:$0x3FB0] =	sst s9;
	s0 =	simm.s32 @!p0 $0x0  }
0x12: {  	s1 =	sld [smem:$0x3F96];
	s0 =	simm.s32 @p0 $0x1  }
0x13: {  	[smem:$0x3FB1] =	sst s0;
	s0 =	simm.s32 @!p1 $0x0  }
0x14: {  	s2 =	sld [smem:$0x3F95];
	s0 =	simm.s32 @p1 $0x1  }
0x15: {  	[smem:$0x3FB2] =	sst s0;
	s0 =	simm.s32 @!p2 $0x0  }
0x16: {  	s3 =	sld [smem:$0x3FDB];
	s0 =	simm.s32 @p2 $0x1  }
0x17: {  	s4 =	simm.s32 $0x1BF5;
	[smem:$0x3FB4] =	sst s0  }
0x18: {  	s0 =	sld [smem:$0x3F97];
	_ =	swait.ge [sflag:s4], $0x0  }
0x19: {  	s7 =	sld [smem:$0x3F98]  }
0x1a: {  	s8 =	sadd.s32 $0xFFFFE003, lr  }
0x1b: {  	s9 =	sadd.s32 $0xFFFFFEF7, lr;
	s5 =	simm.s32 $0xFFFFFFFF;
	p2 =	slt.u32 s8, $0xFFFFF086  }
0x1c: {  	p1 =	slt.u32 s9, $0xF7A;
	s5 =	simm.s32 @!p2 $0x0  }
0x1d: {  	s5 =	simm.s32 @p1 $0x1;
	p0 =	seq.s32 s7, s2  }
0x1e: {  	s7 =	smul.u32 @!p0 $0xF7A, s2;
	p2 =	seq.s32 @!p0 s5, $0x0  }
0x1f: {  	s9 =	smul.u32 $0xF7A, s1;
	s8 =	simm.s32 @!p0 $0x1BF5;
	p2 =	por !p2, p0  }
0x20: {  	[sflag:s8] =	ssyncset.s32 @!p0 $0xFFFFF086;
	s6 =	sadd.s32 @!p0 s3, s7;
	s7 =	simm.s32 @!p0 $0x108  }
0x21: {  	s3 =	sadd.s32 s3, s9;
	s6 =	sadd.s32 @!p0 $0x88, s6;
	s7 =	simm.s32 @p2 $0x1082  }
0x22: {  	[simem:s7], [sflag:s8] =	dma.local @!p0 [hbm:s6], $0xF7A  }
0x23: {  	s9 =	sor.u32 $0xD0000000, s2;
	s6 =	simm.s32 $0x108;
	_ =	swait.ge @!p0 [sflag:s8], $0x0  }
0x24: {  	s3 =	sadd.s32 $0x88, s3;
	s6 =	simm.s32 @!p1 $0x1082;
	[sflag:s4] =	ssyncset.s32 $0xFFFFF086  }
0x25: {  	[simem:s6], [sflag:s4] =	dma.local [hbm:s3], $0xF7A  }
0x26: {  	[smem:$0x3F98] =	sst s1;
	(tag) =	ssettag s2;
	_ =	strace s9  }
0x27: {  	s1 =	sld [smem:$0x3FA8]  }
0x28: {  	s2 =	sld [smem:$0x3FA9]  }
0x29: {  	s4 =	sld [smem:$0x3FAB]  }
0x2a: {  	p0 =	seq.s32 s5, $0x0;
	s5 =	sld [smem:$0x3FAC]  }
0x2b: {  	s6 =	sld [smem:$0x3FAD]  }
0x2c: {  	s7 =	sld [smem:$0x3FAE]  }
0x2d: {  	s3 =	simm.s32 $0x108;
	s8 =	sld [smem:$0x3FAF]  }
0x2e: {  	s3 =	simm.s32 @!p0 $0x1082;
	s9 =	sld [smem:$0x3FB0]  }
0x2f: {  	lr =	sadd.s32 s0, s3;
	s0 =	sld [smem:$0x3FA7]  }
0x30: {  	s3 =	sld [smem:$0x3FAA]  }
0x31: {  	[smem:$0x3FB3] =	sst s10  }
0x32: {  	s10 =	sld [smem:$0x3FB1];
	_ =	sdelay $0x3  }
0x33: {  	p0 =	seq.s32 s10, $0x1;
	s10 =	sld [smem:$0x3FB3];
	_ =	sdelay $0x3  }
0x34: {  	[smem:$0x3FB3] =	sst s10  }
0x35: {  	s10 =	sld [smem:$0x3FB2];
	_ =	sdelay $0x3  }
0x36: {  	p1 =	seq.s32 s10, $0x1;
	s10 =	sld [smem:$0x3FB3];
	_ =	sdelay $0x3  }
0x37: {  	[smem:$0x3FB3] =	sst s10  }
0x38: {  	s10 =	sld [smem:$0x3FB4]  }
0x39: {  	_ = 	snop;
	(pc) =	sbr.ind lr, $3  }
0x3a: {  	_ = 	snop  }
0x3b: {  	_ = 	snop  }
0x3c: {  	p2 =	seq.s32 s10, $0x1;
	s10 =	sld [smem:$0x3FB3]  }
0x3d: {  	_ =	shalt  }
0x3e: {  	_ =	shalt  }
0x3f: {  	_ =	shalt  }
0x40: {  	_ =	shalt  }
0x41: {  	_ =	shalt  }
0x42: {  	_ =	shalt  }
0x43: {  	_ =	shalt  }
0x44: {  	_ =	shalt  }
0x45: {  	_ =	shalt  }
0x46: {  	_ =	shalt  }
0x47: {  	_ =	shalt  }
0x48: {  	_ =	shalt  }
0x49: {  	_ =	shalt  }
0x4a: {  	_ =	shalt  }
0x4b: {  	_ =	shalt  }
0x4c: {  	_ =	shalt  }
0x4d: {  	_ =	shalt  }
0x4e: {  	_ =	shalt  }
0x4f: {  	_ =	shalt  }
0x50: {  	_ =	shalt  }
0x51: {  	_ =	shalt  }
0x52: {  	_ =	shalt  }
0x53: {  	_ =	shalt  }
0x54: {  	_ =	shalt  }
0x55: {  	_ =	shalt  }
0x56: {  	_ =	shalt  }
0x57: {  	_ =	shalt  }
0x58: {  	_ =	shalt  }
0x59: {  	_ =	shalt  }
0x5a: {  	_ =	shalt  }
0x5b: {  	_ =	shalt  }
0x5c: {  	_ =	shalt  }
0x5d: {  	_ =	shalt  }
0x5e: {  	_ =	shalt  }
0x5f: {  	_ =	shalt  }
0x60: {  	_ =	shalt  }
0x61: {  	_ =	shalt  }
0x62: {  	_ =	shalt  }
0x63: {  	_ =	shalt  }
0x64: {  	_ =	shalt  }
0x65: {  	_ =	shalt  }
0x66: {  	_ =	shalt  }
0x67: {  	_ =	shalt  }
0x68: {  	_ =	shalt  }
0x69: {  	_ =	shalt  }
0x6a: {  	_ =	shalt  }
0x6b: {  	_ =	shalt  }
0x6c: {  	_ =	shalt  }
0x6d: {  	_ =	shalt  }
0x6e: {  	_ =	shalt  }
0x6f: {  	_ =	shalt  }
0x70: {  	_ =	shalt  }
0x71: {  	_ =	shalt  }
0x72: {  	_ =	shalt  }
0x73: {  	_ =	shalt  }
0x74: {  	_ =	shalt  }
0x75: {  	_ =	shalt  }
0x76: {  	_ =	shalt  }
0x77: {  	_ =	shalt  }
0x78: {  	_ =	shalt  }
0x79: {  	_ =	shalt  }
0x7a: {  	_ =	shalt  }
0x7b: {  	_ =	shalt  }
0x7c: {  	_ =	shalt  }
0x7d: {  	_ =	shalt  }
0x7e: {  	_ =	shalt  }
0x7f: {  	_ =	shalt  }
0x80: {  	_ =	shalt  }
0x81: {  	_ =	shalt  }
0x82: {  	_ =	shalt  }
0x83: {  	_ =	shalt  }
0x84: {  	_ =	shalt  }
0x85: {  	_ =	shalt  }
0x86: {  	_ =	shalt  }
0x87: {  	_ =	shalt  }
.Lfunc_end0:
.L_simem_size_0:
called_computation_lowered:
.L_overlay_start_0:
0x88: {  	s2 =	sld [smem:$0x3FD9]  }
0x89: {  	s3 =	sld [smem:$0x3FFE];
	_ =	sdelay $0x1  }
0x8a: {  	s1 =	srdreg.scid  }
0x8b: {  	s0 =	sand.u32 $0x1, s1  }
0x8c: {  	s17 =	sshll.u32 s0, $0xA;
	s2 =	sadd.s32 s3, s2  }
0x8d: {  	s2 =	sadd.s32 s2, s17  }
0x8e: {  	[smem:$0x3FBF] =	sst s2  }
0x8f: {  	_ = 	snop  }
0x90: {  	s2 =	sld [smem:$0x3FD0];
	(tm) =	ssettm $0x1  }
0x91: {  	s18 =	sld [smem:$0x3FFB];
	_ =	sdelay $0x3  }
0x92: {  	_ =	strace s18  }
0x93: {  	s3 =	sld [smem:$0x3FFC];
	_ =	sdelay $0x3  }
0x94: {  	_ =	strace s3  }
0x95: {  	s3 =	sld [smem:$0x3FFD];
	_ =	sdelay $0x3  }
0x96: {  	_ =	strace s3  }
0x97: {  	_ =	strace $0x8FFFFFFF  }
0x98: {  	s19 =	sld [smem:$0x3FDB];
	_ =	sdelay $0x1  }
0x99: {  	s4 =	simm.s32 $_scs_section_size  }
0x9a: {  	s5 =	simm.s32 $_size__tile_overlayer_lowered;
	s6 =	simm.s32 $_tile_overlayer_lowered  }
0x9b: {  	s22 =	simm.s32 $0x1BFF;
	s21 =	sshll.u32 s6, $0x1;
	s3 =	sadd.s32 s4, s19  }
0x9c: {  	s7 =	simm.s32 $0x0;
	s20 =	sshll.u32 s5, $0x1;
	s5 =	sadd.s32 s21, s3  }
0x9d: {  	[timem:s7], [sflag:s22] =	dma.local [hbm:s5], s20  }
0x9e: {  	_ =	swait.ge [sflag:s22], s20  }
0x9f: {  	s4 =	ssub.s32 $0x0, s20;
	[sflag:s22] =	ssyncset.done $0x0  }
0xa0: {  	[sflag:s22] =	ssyncadd.s32 s4;
	_ =	sdelay $0x1  }
0xa1: {  	s23 =	simm.s32 $0x1B8B  }
0xa2: {  	_ =	swait.ge [sflag:s23], $0x1  }
0xa3: {  	[sflag:s23] =	ssyncset.done $0x0  }
0xa4: {  	s25 =	simm.s32 $0x1B8E;
	s24 =	sld [smem:$0x3FFE];
	[sflag:s23] =	ssyncadd.s32 $0xFFFFFFFF  }
0xa5: {  	s26 =	simm.s32 $execute0_lowered;
	[smem:$0x3FD2] =	sst s25  }
0xa6: {  	s5 =	sshll.u32 s26, $0x1;
	_ =	strace $0x80000046;
	[dreg:$0x1] =	wrdreg $0xFFFFFFFF  }
0xa7: {  	s28 =	simm.s32 $_size_execute0_lowered;
	s3 =	sadd.s32 s3, s5;
	[dreg:$0x0] =	wrdreg $0x0  }
0xa8: {  	s5 =	sshll.u32 s28, $0x1;
	[dreg:$0x2] =	wrdreg s3  }
0xa9: {  	[dreg:$0x3] =	wrdreg s5  }
0xaa: {  	[dreg:$0x4] =	wrdreg $0xC0  }
0xab: {  	_ =	task [dreg:s7], $0x5FFFF  }
0xac: {  	[dreg:$0x1] =	wrdreg $0xFFFFFFFF  }
0xad: {  	[dreg:$0x0] =	wrdreg $0x60  }
0xae: {  	[dreg:$0x2] =	wrdreg s24  }
0xaf: {  	[dreg:$0x3] =	wrdreg s2  }
0xb0: {  	[dreg:$0x4] =	wrdreg $0x9  }
0xb1: {  	_ =	task.clear_ibuf [dreg:s7], $0x5FFFF;
	_ =	strace $0x90000046  }
0xb2: {  	s29 =	simm.s32 $0x9;
	_ =	strace $0x80000048  }
0xb3: {  	_ =	swait.ge [sflag:s29], $0x1  }
0xb4: {  	[sflag:s29] =	ssyncadd.s32 $0xFFFFFFFF  }
0xb5: {  	_ =	strace $0x90000048  }
0xb6: {  	_ =	sfence  }
0xb7: {  	s30 =	sld [smem:$0x0];
	_ =	sdelay $0x2  }
0xb8: {  	s31 =	sshll.u32 s1, $0xD;
	s1 =	sshrl.u32 s1, $0x2  }
0xb9: {  	s3 =	sand.u32 $0x4000, s31;
	s1 =	sadd.s32 s1, s30  }
0xba: {  	s0 =	sor.u32 s3, s0;
	s1 =	sshll.u32 s1, $0x11  }
0xbb: {  	s0 =	sor.u32 s1, s0  }
0xbc: {  	s0 =	sadd.s32 $0x8F2B, s0  }
0xbd: {  	[sflag:s0] =	ssyncadd.remote.s32 $0x1  }
0xbe: {  	_ =	sfence.sel $0xFFFF  }
0xbf: {  	[dreg:$0x0] =	wrdreg $0xFFFFFFFF;
	(pc) =	sbr.abs _section_cstart, $3  }
0xc0: {  	[dreg:$0x1] =	wrdreg $0xFFFFFFFF  }
0xc1: {  	_ =	task.clear_ibuf [dreg:s7], $0x2FFFF;
	_ =	strace $0x9FFFFFFF  }
0xc2: {  	(tm) =	ssettm $0x7FFFFFFF  }
0xc3: {  	_ =	shalt  }
tec
execute0_lowered:
.L_overlay_start_1:
0x0: {  	(tag) =	ssettag $0x1  }
0x1: {  	s0 =	rddreg [dreg:$0x0]  }
0x2: {  	s1 =	rddreg [dreg:$0x1];
	s3 =	srdreg.scid  }
0x3: {  	s4 =	stileid.u32;
	s2 =	simm.s32 $0x0;
	s7 =	simm.s32 $0x3  }
0x4: {  	s8 =	simm.s32 $0x1;
	s9 =	simm.s32 $0x10;
	s10 =	simm.s32 $0x80  }
0x5: {  	s11 =	simm.s32 $0x2;
	s3 =	sand.u32 $0x1, s3;
	s4 =	sshll.u32 s4, $0x1  }
0x6: {  	s12 =	simm.s32 $0x0;
	[smem:$0x7FF] =	sst s2;
	s4 =	sor.u32 s3, s4  }
0x7: {  	s6 =	sadd.s32 $0x1600, s0;
	_ =	strace $0x80000047;
	s5 =	sshll.u32 s4, $0xB  }
0x8: {  	[dreg:$0x3] =	wrdreg s6;
	s5 =	sadd.s32 s5, s0;
	s0 =	sadd.s32 $0x1E200, s0  }
0x9: {  	s3 =	ssub.s32 $0x2, s3;
	[dreg:$0x4] =	wrdreg s0;
	s15 =	sadd.s32 $0xE200, s5  }
0xa: {  	s6 =	simm.s32 $0x4D00;
	s16 =	sadd.s32 $0x1F000, s5;
	[dreg:$0x5] =	wrdreg s15  }
0xb: {  	s14 =	sshrl.u32 s3, $0x1;
	s17 =	sadd.s32 $0x1F002, s5;
	[dreg:$0x6] =	wrdreg s16  }
0xc: {  	s26 =	sshll.u32 s4, $0x4;
	s18 =	sadd.s32 $0x1F004, s5;
	[dreg:$0x7] =	wrdreg s17  }
0xd: {  	v0 =	vlaneseq.u32;
	s4 =	simm.s32 $0x11D80;
	s19 =	sadd.s32 $0x1F006, s5;
	[dreg:$0x8] =	wrdreg s18  }
0xe: {  	v0 =	vmul.u32 $0x80, v0;
	s3 =	ssub.s32 s3, s14;
	s20 =	sadd.s32 $0x1F008, s5;
	[dreg:$0x9] =	wrdreg s19  }
0xf: {  	s21 =	sadd.s32 $0x1F00A, s5;
	s22 =	sadd.s32 $0x1F00C, s5;
	[dreg:$0xa] =	wrdreg s20  }
0x10: {  	v1 =	vor.u32 $0x1, v0;
	s23 =	sadd.s32 $0x1F00E, s5;
	s24 =	sadd.s32 $0x2F000, s5;
	[dreg:$0xb] =	wrdreg s21  }
0x11: {  	v2 =	vor.u32 $0x2, v0;
	v3 =	vor.u32 $0x3, v0;
	v4 =	vor.u32 $0x4, v0;
	s25 =	sadd.s32 $0x2F002, s5;
	s28 =	sadd.s32 $0x3F008, s5;
	[dreg:$0xc] =	wrdreg s22  }
0x12: {  	v5 =	vor.u32 $0x5, v0;
	v6 =	vor.u32 $0x6, v0;
	v7 =	vor.u32 $0x7, v0;
	s29 =	sadd.s32 $0x3F00A, s5;
	s30 =	sadd.s32 $0x3F00C, s5;
	[dreg:$0xd] =	wrdreg s23  }
0x13: {  	v8 =	vor.u32 $0x8, v0;
	v9 =	vor.u32 $0x9, v0;
	v10 =	vor.u32 $0xA, v0;
	s31 =	sadd.s32 $0x3F00E, s5;
	s0 =	sadd.s32 $0x4F000, s5;
	[dreg:$0xe] =	wrdreg s24  }
0x14: {  	v11 =	vor.u32 $0xB, v0;
	v12 =	vor.u32 $0xC, v0;
	v13 =	vor.u32 $0xD, v0;
	s3 =	smax.u32 s3, $0x1;
	[dreg:$0xf] =	wrdreg s25;
	s16 =	sadd.s32 $0x2F004, s5  }
0x15: {  	v14 =	vor.u32 $0xE, v0;
	v15 =	vor.u32 $0xF, v0;
	v16 =	vor.u32 $0x10, v0;
	s17 =	sadd.s32 $0x2F006, s5;
	s18 =	sadd.s32 $0x2F008, s5;
	s19 =	sadd.s32 $0x2F00A, s5  }
0x16: {  	v17 =	vor.u32 $0x11, v0;
	v18 =	vor.u32 $0x12, v0;
	v19 =	vor.u32 $0x13, v0;
	s20 =	sadd.s32 $0x2F00C, s5;
	s21 =	sadd.s32 $0x2F00E, s5;
	s22 =	sadd.s32 s1, s26  }
0x17: {  	v20 =	vor.u32 $0x14, v0;
	v21 =	vor.u32 $0x15, v0;
	v22 =	vor.u32 $0x16, v0;
	s23 =	sadd.s32 $0x3F000, s5;
	s24 =	sadd.s32 $0x3F002, s5;
	s25 =	sadd.s32 $0x3F004, s5  }
0x18: {  	v23 =	vor.u32 $0x17, v0;
	v24 =	vor.u32 $0x18, v0;
	v25 =	vor.u32 $0x19, v0;
	s26 =	sadd.s32 $0x3F006, s5;
	s1 =	sadd.s32 $0x4F002, s5;
	s5 =	simm.s32 $0x4  }
.LBB2_1:
0x19: {  	s13 =	rddreg [dreg:$0x4]  }
0x1a: {  	[tilespmem:s4], [sflag:$0x3] =	stream.linear.gather [hbm4b:s13+s2], $0x6590, $0x38;
	[tilespmem:$0x18310] =	vst v63  }
0x1b: {  	v26 =	vor.u32 s2, v0;
	s15 =	rddreg [dreg:$0x5]  }
0x1c: {  	[tilespmem:s2], [sflag:$0x4] =	stream.linear.gather [hbm4b:s15+s2], $0x4000, $0x38;
	[tilespmem:$0x18310] =	vst v63  }
0x1d: {  	_ =	swait.ge [sflag:s5], $0x4000  }
0x1e: {  	[sflag:s5] =	ssyncset.done $0x0  }
0x1f: {  	[sflag:s5] =	ssyncadd.s32 $0xFFFFC000  }
0x20: {  	v26 =	vld.idx.msk [tilespmem:v26+s2+$0x0], $0xffff  }
0x21: {  	v27 =	vor.u32 s2, v1;
	_ =	sdelay $0x2  }
0x22: {  	s13 =	simm.s32 $0x4680  }
0x23: {  	[tilespmem:s13+$0xFFFFF980] =	vst v26  }
0x24: {  	v26 =	vld.idx.msk [tilespmem:v27+s2+$0x0], $0xffff;
	_ =	sdelay $0x1  }
0x25: {  	v27 =	vor.u32 s2, v2;
	_ =	sdelay $0x2  }
0x26: {  	v26 =	vadd.s32 $0x3E8, v26  }
0x27: {  	[tilespmem:s13+$0xFFFFFA00] =	vst v26  }
0x28: {  	v26 =	vld.idx.msk [tilespmem:v27+s2+$0x0], $0xffff;
	_ =	sdelay $0x1  }
0x29: {  	v27 =	vor.u32 s2, v3;
	_ =	sdelay $0x2  }
0x2a: {  	v26 =	vadd.s32 $0x7D0, v26  }
0x2b: {  	[tilespmem:s13+$0xFFFFFA80] =	vst v26  }
0x2c: {  	v26 =	vld.idx.msk [tilespmem:v27+s2+$0x0], $0xffff;
	_ =	sdelay $0x1  }
0x2d: {  	v27 =	vor.u32 s2, v4;
	_ =	sdelay $0x2  }
0x2e: {  	v26 =	vadd.s32 $0xBB8, v26  }
0x2f: {  	[tilespmem:s13+$0xFFFFFB00] =	vst v26  }
0x30: {  	v26 =	vld.idx.msk [tilespmem:v27+s2+$0x0], $0xffff;
	_ =	sdelay $0x1  }
0x31: {  	v27 =	vor.u32 s2, v5;
	_ =	sdelay $0x2  }
0x32: {  	v26 =	vadd.s32 $0xFA0, v26  }
0x33: {  	[tilespmem:s13+$0xFFFFFB80] =	vst v26  }
0x34: {  	v26 =	vld.idx.msk [tilespmem:v27+s2+$0x0], $0xffff;
	_ =	sdelay $0x1  }
0x35: {  	v27 =	vor.u32 s2, v6;
	_ =	sdelay $0x2  }
0x36: {  	v26 =	vadd.s32 $0x1388, v26  }
0x37: {  	[tilespmem:s13+$0xFFFFFC00] =	vst v26  }
0x38: {  	v26 =	vld.idx.msk [tilespmem:v27+s2+$0x0], $0xffff;
	_ =	sdelay $0x1  }
0x39: {  	v27 =	vor.u32 s2, v7;
	_ =	sdelay $0x2  }
0x3a: {  	v26 =	vadd.s32 $0x1770, v26  }
0x3b: {  	[tilespmem:s13+$0xFFFFFC80] =	vst v26  }
0x3c: {  	v26 =	vld.idx.msk [tilespmem:v27+s2+$0x0], $0xffff;
	_ =	sdelay $0x1  }
0x3d: {  	v27 =	vor.u32 s2, v8;
	_ =	sdelay $0x2  }
0x3e: {  	v26 =	vadd.s32 $0x1B58, v26  }
0x3f: {  	[tilespmem:s13+$0xFFFFFD00] =	vst v26  }
0x40: {  	v26 =	vld.idx.msk [tilespmem:v27+s2+$0x0], $0xffff;
	_ =	sdelay $0x1  }
0x41: {  	v27 =	vor.u32 s2, v9;
	_ =	sdelay $0x2  }
0x42: {  	v26 =	vadd.s32 $0x1F40, v26  }
0x43: {  	[tilespmem:s13+$0xFFFFFD80] =	vst v26  }
0x44: {  	v26 =	vld.idx.msk [tilespmem:v27+s2+$0x0], $0xffff;
	_ =	sdelay $0x1  }
0x45: {  	v27 =	vor.u32 s2, v10;
	_ =	sdelay $0x2  }
0x46: {  	v26 =	vadd.s32 $0x2328, v26  }
0x47: {  	[tilespmem:s13+$0xFFFFFE00] =	vst v26  }
0x48: {  	v26 =	vld.idx.msk [tilespmem:v27+s2+$0x0], $0xffff;
	_ =	sdelay $0x1  }
0x49: {  	v27 =	vor.u32 s2, v11;
	_ =	sdelay $0x2  }
0x4a: {  	v26 =	vadd.s32 $0x2710, v26  }
0x4b: {  	[tilespmem:s13+$0xFFFFFE80] =	vst v26  }
0x4c: {  	v26 =	vld.idx.msk [tilespmem:v27+s2+$0x0], $0xffff;
	_ =	sdelay $0x1  }
0x4d: {  	v27 =	vor.u32 s2, v12;
	_ =	sdelay $0x2  }
0x4e: {  	v26 =	vadd.s32 $0x2AF8, v26  }
0x4f: {  	[tilespmem:s13+$0xFFFFFF00] =	vst v26  }
0x50: {  	v26 =	vld.idx.msk [tilespmem:v27+s2+$0x0], $0xffff;
	_ =	sdelay $0x1  }
0x51: {  	v27 =	vor.u32 s2, v13;
	_ =	sdelay $0x2  }
0x52: {  	v26 =	vadd.s32 $0x2EE0, v26  }
0x53: {  	[tilespmem:s13+$0xFFFFFF80] =	vst v26  }
0x54: {  	v26 =	vld.idx.msk [tilespmem:v27+s2+$0x0], $0xffff;
	_ =	sdelay $0x1  }
0x55: {  	v27 =	vor.u32 s2, v14;
	_ =	sdelay $0x2  }
0x56: {  	v26 =	vadd.s32 $0x32C8, v26  }
0x57: {  	[tilespmem:s13+$0x0] =	vst v26  }
0x58: {  	v26 =	vld.idx.msk [tilespmem:v27+s2+$0x0], $0xffff;
	_ =	sdelay $0x1  }
0x59: {  	v27 =	vor.u32 s2, v15;
	_ =	sdelay $0x2  }
0x5a: {  	v26 =	vadd.s32 $0x36B0, v26  }
0x5b: {  	[tilespmem:s13+$0x80] =	vst v26  }
0x5c: {  	v26 =	vld.idx.msk [tilespmem:v27+s2+$0x0], $0xffff;
	_ =	sdelay $0x1  }
0x5d: {  	v27 =	vor.u32 s2, v16;
	_ =	sdelay $0x2  }
0x5e: {  	v26 =	vadd.s32 $0x3A98, v26  }
0x5f: {  	[tilespmem:s13+$0x100] =	vst v26  }
0x60: {  	v26 =	vld.idx.msk [tilespmem:v27+s2+$0x0], $0xffff;
	_ =	sdelay $0x1  }
0x61: {  	v27 =	vor.u32 s2, v17;
	_ =	sdelay $0x2  }
0x62: {  	v26 =	vadd.s32 $0x3E80, v26  }
0x63: {  	[tilespmem:s13+$0x180] =	vst v26  }
0x64: {  	v26 =	vld.idx.msk [tilespmem:v27+s2+$0x0], $0xffff;
	_ =	sdelay $0x1  }
0x65: {  	v27 =	vor.u32 s2, v18;
	_ =	sdelay $0x2  }
0x66: {  	v26 =	vadd.s32 $0x4268, v26  }
0x67: {  	[tilespmem:s13+$0x200] =	vst v26  }
0x68: {  	v26 =	vld.idx.msk [tilespmem:v27+s2+$0x0], $0xffff;
	_ =	sdelay $0x1  }
0x69: {  	v27 =	vor.u32 s2, v19;
	_ =	sdelay $0x2  }
0x6a: {  	v26 =	vadd.s32 $0x4650, v26  }
0x6b: {  	[tilespmem:s13+$0x280] =	vst v26  }
0x6c: {  	v26 =	vld.idx.msk [tilespmem:v27+s2+$0x0], $0xffff;
	_ =	sdelay $0x1  }
0x6d: {  	v27 =	vor.u32 s2, v20;
	_ =	sdelay $0x2  }
0x6e: {  	v26 =	vadd.s32 $0x4A38, v26  }
0x6f: {  	[tilespmem:s13+$0x300] =	vst v26  }
0x70: {  	v26 =	vld.idx.msk [tilespmem:v27+s2+$0x0], $0xffff;
	_ =	sdelay $0x1  }
0x71: {  	v27 =	vor.u32 s2, v21;
	_ =	sdelay $0x2  }
0x72: {  	v26 =	vadd.s32 $0x4E20, v26  }
0x73: {  	[tilespmem:s13+$0x380] =	vst v26  }
0x74: {  	v26 =	vld.idx.msk [tilespmem:v27+s2+$0x0], $0xffff;
	_ =	sdelay $0x1  }
0x75: {  	v27 =	vor.u32 s2, v22;
	_ =	sdelay $0x2  }
0x76: {  	v26 =	vadd.s32 $0x5208, v26  }
0x77: {  	[tilespmem:s13+$0x400] =	vst v26  }
0x78: {  	v26 =	vld.idx.msk [tilespmem:v27+s2+$0x0], $0xffff;
	_ =	sdelay $0x1  }
0x79: {  	v27 =	vor.u32 s2, v23;
	_ =	sdelay $0x2  }
0x7a: {  	v26 =	vadd.s32 $0x55F0, v26  }
0x7b: {  	[tilespmem:s13+$0x480] =	vst v26  }
0x7c: {  	v26 =	vld.idx.msk [tilespmem:v27+s2+$0x0], $0xffff;
	_ =	sdelay $0x1  }
0x7d: {  	v27 =	vor.u32 s2, v24;
	_ =	sdelay $0x2  }
0x7e: {  	v26 =	vadd.s32 $0x59D8, v26  }
0x7f: {  	[tilespmem:s13+$0x500] =	vst v26  }
0x80: {  	v26 =	vld.idx.msk [tilespmem:v27+s2+$0x0], $0xffff;
	_ =	sdelay $0x1  }
0x81: {  	v27 =	vor.u32 s2, v25;
	_ =	sdelay $0x2  }
0x82: {  	v26 =	vadd.s32 $0x5DC0, v26  }
0x83: {  	[tilespmem:s13+$0x580] =	vst v26  }
0x84: {  	v27 =	vld.idx.msk [tilespmem:v27+s2+$0x0], $0xffff  }
0x85: {  	s14 =	simm.s32 $0x800  }
0x86: {  	s15 =	simm.s32 $0x1000;
	v26 =	vor.u32 s14, v0  }
.LBB2_2:
0x87: {  	p0 =	sne.s32 s15, $0x3800;
	_ =	sdelay $0x1  }
0x88: {  	v27 =	vadd.s32 $0x61A8, v27  }
0x89: {  	[tilespmem:s13+$0x600] =	vst v27  }
0x8a: {  	v26 =	vld.idx.msk [tilespmem:v26+s2+$0x0], $0xffff;
	_ =	sdelay $0x1  }
0x8b: {  	v27 =	vor.u32 s14, v1;
	_ =	sdelay $0x2  }
0x8c: {  	s13 =	sadd.s32 $0x10, s13  }
0x8d: {  	[tilespmem:s13+$0xFFFFF980] =	vst v26  }
0x8e: {  	v26 =	vld.idx.msk [tilespmem:v27+s2+$0x0], $0xffff;
	_ =	sdelay $0x2  }
0x8f: {  	v27 =	vor.u32 s14, v2;
	_ =	sdelay $0x2  }
0x90: {  	v26 =	vadd.s32 $0x3E8, v26  }
0x91: {  	[tilespmem:s13+$0xFFFFFA00] =	vst v26  }
0x92: {  	v26 =	vld.idx.msk [tilespmem:v27+s2+$0x0], $0xffff;
	_ =	sdelay $0x2  }
0x93: {  	v27 =	vor.u32 s14, v3;
	_ =	sdelay $0x2  }
0x94: {  	v26 =	vadd.s32 $0x7D0, v26  }
0x95: {  	[tilespmem:s13+$0xFFFFFA80] =	vst v26  }
0x96: {  	v26 =	vld.idx.msk [tilespmem:v27+s2+$0x0], $0xffff;
	_ =	sdelay $0x2  }
0x97: {  	v27 =	vor.u32 s14, v4;
	_ =	sdelay $0x2  }
0x98: {  	v26 =	vadd.s32 $0xBB8, v26  }
0x99: {  	[tilespmem:s13+$0xFFFFFB00] =	vst v26  }
0x9a: {  	v26 =	vld.idx.msk [tilespmem:v27+s2+$0x0], $0xffff;
	_ =	sdelay $0x2  }
0x9b: {  	v27 =	vor.u32 s14, v5;
	_ =	sdelay $0x2  }
0x9c: {  	v26 =	vadd.s32 $0xFA0, v26  }
0x9d: {  	[tilespmem:s13+$0xFFFFFB80] =	vst v26  }
0x9e: {  	v26 =	vld.idx.msk [tilespmem:v27+s2+$0x0], $0xffff;
	_ =	sdelay $0x2  }
0x9f: {  	v27 =	vor.u32 s14, v6;
	_ =	sdelay $0x2  }
0xa0: {  	v26 =	vadd.s32 $0x1388, v26  }
0xa1: {  	[tilespmem:s13+$0xFFFFFC00] =	vst v26  }
0xa2: {  	v26 =	vld.idx.msk [tilespmem:v27+s2+$0x0], $0xffff;
	_ =	sdelay $0x2  }
0xa3: {  	v27 =	vor.u32 s14, v7;
	_ =	sdelay $0x2  }
0xa4: {  	v26 =	vadd.s32 $0x1770, v26  }
0xa5: {  	[tilespmem:s13+$0xFFFFFC80] =	vst v26  }
0xa6: {  	v26 =	vld.idx.msk [tilespmem:v27+s2+$0x0], $0xffff;
	_ =	sdelay $0x2  }
0xa7: {  	v27 =	vor.u32 s14, v8;
	_ =	sdelay $0x2  }
0xa8: {  	v26 =	vadd.s32 $0x1B58, v26  }
0xa9: {  	[tilespmem:s13+$0xFFFFFD00] =	vst v26  }
0xaa: {  	v26 =	vld.idx.msk [tilespmem:v27+s2+$0x0], $0xffff;
	_ =	sdelay $0x2  }
0xab: {  	v27 =	vor.u32 s14, v9;
	_ =	sdelay $0x2  }
0xac: {  	v26 =	vadd.s32 $0x1F40, v26  }
0xad: {  	[tilespmem:s13+$0xFFFFFD80] =	vst v26  }
0xae: {  	v26 =	vld.idx.msk [tilespmem:v27+s2+$0x0], $0xffff;
	_ =	sdelay $0x2  }
0xaf: {  	v27 =	vor.u32 s14, v10;
	_ =	sdelay $0x2  }
0xb0: {  	v26 =	vadd.s32 $0x2328, v26  }
0xb1: {  	[tilespmem:s13+$0xFFFFFE00] =	vst v26  }
0xb2: {  	v26 =	vld.idx.msk [tilespmem:v27+s2+$0x0], $0xffff;
	_ =	sdelay $0x2  }
0xb3: {  	v27 =	vor.u32 s14, v11;
	_ =	sdelay $0x2  }
0xb4: {  	v26 =	vadd.s32 $0x2710, v26  }
0xb5: {  	[tilespmem:s13+$0xFFFFFE80] =	vst v26  }
0xb6: {  	v26 =	vld.idx.msk [tilespmem:v27+s2+$0x0], $0xffff;
	_ =	sdelay $0x2  }
0xb7: {  	v27 =	vor.u32 s14, v12;
	_ =	sdelay $0x2  }
0xb8: {  	v26 =	vadd.s32 $0x2AF8, v26  }
0xb9: {  	[tilespmem:s13+$0xFFFFFF00] =	vst v26  }
0xba: {  	v26 =	vld.idx.msk [tilespmem:v27+s2+$0x0], $0xffff;
	_ =	sdelay $0x2  }
0xbb: {  	v27 =	vor.u32 s14, v13;
	_ =	sdelay $0x2  }
0xbc: {  	v26 =	vadd.s32 $0x2EE0, v26  }
0xbd: {  	[tilespmem:s13+$0xFFFFFF80] =	vst v26  }
0xbe: {  	v26 =	vld.idx.msk [tilespmem:v27+s2+$0x0], $0xffff;
	_ =	sdelay $0x2  }
0xbf: {  	v27 =	vor.u32 s14, v14;
	_ =	sdelay $0x2  }
0xc0: {  	v26 =	vadd.s32 $0x32C8, v26  }
0xc1: {  	[tilespmem:s13+$0x0] =	vst v26  }
0xc2: {  	v26 =	vld.idx.msk [tilespmem:v27+s2+$0x0], $0xffff;
	_ =	sdelay $0x2  }
0xc3: {  	v27 =	vor.u32 s14, v15;
	_ =	sdelay $0x2  }
0xc4: {  	v26 =	vadd.s32 $0x36B0, v26  }
0xc5: {  	[tilespmem:s13+$0x80] =	vst v26  }
0xc6: {  	v26 =	vld.idx.msk [tilespmem:v27+s2+$0x0], $0xffff;
	_ =	sdelay $0x2  }
0xc7: {  	v27 =	vor.u32 s14, v16;
	_ =	sdelay $0x2  }
0xc8: {  	v26 =	vadd.s32 $0x3A98, v26  }
0xc9: {  	[tilespmem:s13+$0x100] =	vst v26  }
0xca: {  	v26 =	vld.idx.msk [tilespmem:v27+s2+$0x0], $0xffff;
	_ =	sdelay $0x2  }
0xcb: {  	v27 =	vor.u32 s14, v17;
	_ =	sdelay $0x2  }
0xcc: {  	v26 =	vadd.s32 $0x3E80, v26  }
0xcd: {  	[tilespmem:s13+$0x180] =	vst v26  }
0xce: {  	v26 =	vld.idx.msk [tilespmem:v27+s2+$0x0], $0xffff;
	_ =	sdelay $0x2  }
0xcf: {  	v27 =	vor.u32 s14, v18;
	_ =	sdelay $0x2  }
0xd0: {  	v26 =	vadd.s32 $0x4268, v26  }
0xd1: {  	[tilespmem:s13+$0x200] =	vst v26  }
0xd2: {  	v26 =	vld.idx.msk [tilespmem:v27+s2+$0x0], $0xffff;
	_ =	sdelay $0x2  }
0xd3: {  	v27 =	vor.u32 s14, v19;
	_ =	sdelay $0x2  }
0xd4: {  	v26 =	vadd.s32 $0x4650, v26  }
0xd5: {  	[tilespmem:s13+$0x280] =	vst v26  }
0xd6: {  	v26 =	vld.idx.msk [tilespmem:v27+s2+$0x0], $0xffff;
	_ =	sdelay $0x2  }
0xd7: {  	v27 =	vor.u32 s14, v20;
	_ =	sdelay $0x2  }
0xd8: {  	v26 =	vadd.s32 $0x4A38, v26  }
0xd9: {  	[tilespmem:s13+$0x300] =	vst v26  }
0xda: {  	v26 =	vld.idx.msk [tilespmem:v27+s2+$0x0], $0xffff;
	_ =	sdelay $0x2  }
0xdb: {  	v27 =	vor.u32 s14, v21;
	_ =	sdelay $0x2  }
0xdc: {  	v26 =	vadd.s32 $0x4E20, v26  }
0xdd: {  	[tilespmem:s13+$0x380] =	vst v26  }
0xde: {  	v26 =	vld.idx.msk [tilespmem:v27+s2+$0x0], $0xffff;
	_ =	sdelay $0x2  }
0xdf: {  	v27 =	vor.u32 s14, v22;
	_ =	sdelay $0x2  }
0xe0: {  	v26 =	vadd.s32 $0x5208, v26  }
0xe1: {  	[tilespmem:s13+$0x400] =	vst v26  }
0xe2: {  	v26 =	vld.idx.msk [tilespmem:v27+s2+$0x0], $0xffff;
	_ =	sdelay $0x2  }
0xe3: {  	v27 =	vor.u32 s14, v23;
	_ =	sdelay $0x2  }
0xe4: {  	v26 =	vadd.s32 $0x55F0, v26  }
0xe5: {  	[tilespmem:s13+$0x480] =	vst v26  }
0xe6: {  	v26 =	vld.idx.msk [tilespmem:v27+s2+$0x0], $0xffff;
	_ =	sdelay $0x2  }
0xe7: {  	v27 =	vor.u32 s14, v24;
	_ =	sdelay $0x2  }
0xe8: {  	v26 =	vadd.s32 $0x59D8, v26  }
0xe9: {  	[tilespmem:s13+$0x500] =	vst v26  }
0xea: {  	v26 =	vld.idx.msk [tilespmem:v27+s2+$0x0], $0xffff;
	_ =	sdelay $0x2  }
0xeb: {  	v27 =	vor.u32 s14, v25;
	s14 =	smov.u32 s15;
	_ =	sdelay $0x2  }
0xec: {  	v26 =	vadd.s32 $0x5DC0, v26  }
.Ltmp0:
0xed: {  	[tilespmem:s13+$0x580] =	vst v26;
	(pc) =	sbr.rel @p0 .LBB2_2-.Ltmp0, $2  }
0xee: {  	v27 =	vld.idx.msk [tilespmem:v27+s2+$0x0], $0xffff;
	_ =	sdelay $0x2  }
0xef: {  	s15 =	sadd.s32 $0x800, s15;
	v26 =	vor.u32 s14, v0  }
0xf0: {  	_ =	sdelay $0x1  }
0xf1: {  	v27 =	vadd.s32 $0x61A8, v27  }
0xf2: {  	[tilespmem:s13+$0x600] =	vst v27  }
0xf3: {  	v26 =	vld.idx.msk [tilespmem:v26+s2+$0x0], $0xffff  }
0xf4: {  	v27 =	vor.u32 s14, v1;
	_ =	sdelay $0x2  }
0xf5: {  	s15 =	sadd.s32 $0x10, s13  }
0xf6: {  	[tilespmem:s15+$0xFFFFF980] =	vst v26  }
0xf7: {  	v26 =	vld.idx.msk [tilespmem:v27+s2+$0x0], $0xffff;
	_ =	sdelay $0x1  }
0xf8: {  	v27 =	vor.u32 s14, v2;
	_ =	sdelay $0x2  }
0xf9: {  	v26 =	vadd.s32 $0x3E8, v26  }
0xfa: {  	[tilespmem:s15+$0xFFFFFA00] =	vst v26  }
0xfb: {  	v26 =	vld.idx.msk [tilespmem:v27+s2+$0x0], $0xffff;
	_ =	sdelay $0x1  }
0xfc: {  	v27 =	vor.u32 s14, v3;
	_ =	sdelay $0x2  }
0xfd: {  	v26 =	vadd.s32 $0x7D0, v26  }
0xfe: {  	[tilespmem:s15+$0xFFFFFA80] =	vst v26  }
0xff: {  	v26 =	vld.idx.msk [tilespmem:v27+s2+$0x0], $0xffff;
	_ =	sdelay $0x1  }
0x100: {  	v27 =	vor.u32 s14, v4;
	_ =	sdelay $0x2  }
0x101: {  	v26 =	vadd.s32 $0xBB8, v26  }
0x102: {  	[tilespmem:s15+$0xFFFFFB00] =	vst v26  }
0x103: {  	v26 =	vld.idx.msk [tilespmem:v27+s2+$0x0], $0xffff;
	_ =	sdelay $0x1  }
0x104: {  	v27 =	vor.u32 s14, v5;
	_ =	sdelay $0x2  }
0x105: {  	v26 =	vadd.s32 $0xFA0, v26  }
0x106: {  	[tilespmem:s15+$0xFFFFFB80] =	vst v26  }
0x107: {  	v26 =	vld.idx.msk [tilespmem:v27+s2+$0x0], $0xffff;
	_ =	sdelay $0x1  }
0x108: {  	v27 =	vor.u32 s14, v6;
	_ =	sdelay $0x2  }
0x109: {  	v26 =	vadd.s32 $0x1388, v26  }
0x10a: {  	[tilespmem:s15+$0xFFFFFC00] =	vst v26  }
0x10b: {  	v26 =	vld.idx.msk [tilespmem:v27+s2+$0x0], $0xffff;
	_ =	sdelay $0x1  }
0x10c: {  	v27 =	vor.u32 s14, v7;
	_ =	sdelay $0x2  }
0x10d: {  	v26 =	vadd.s32 $0x1770, v26  }
0x10e: {  	[tilespmem:s15+$0xFFFFFC80] =	vst v26  }
0x10f: {  	v26 =	vld.idx.msk [tilespmem:v27+s2+$0x0], $0xffff;
	_ =	sdelay $0x1  }
0x110: {  	v27 =	vor.u32 s14, v8;
	_ =	sdelay $0x2  }
0x111: {  	v26 =	vadd.s32 $0x1B58, v26  }
0x112: {  	[tilespmem:s15+$0xFFFFFD00] =	vst v26  }
0x113: {  	v26 =	vld.idx.msk [tilespmem:v27+s2+$0x0], $0xffff;
	_ =	sdelay $0x1  }
0x114: {  	v27 =	vor.u32 s14, v9;
	_ =	sdelay $0x2  }
0x115: {  	v26 =	vadd.s32 $0x1F40, v26  }
0x116: {  	[tilespmem:s15+$0xFFFFFD80] =	vst v26  }
0x117: {  	v26 =	vld.idx.msk [tilespmem:v27+s2+$0x0], $0xffff;
	_ =	sdelay $0x1  }
0x118: {  	v27 =	vor.u32 s14, v10;
	_ =	sdelay $0x2  }
0x119: {  	v26 =	vadd.s32 $0x2328, v26  }
0x11a: {  	[tilespmem:s15+$0xFFFFFE00] =	vst v26  }
0x11b: {  	v26 =	vld.idx.msk [tilespmem:v27+s2+$0x0], $0xffff;
	_ =	sdelay $0x1  }
0x11c: {  	v27 =	vor.u32 s14, v11;
	_ =	sdelay $0x2  }
0x11d: {  	v26 =	vadd.s32 $0x2710, v26  }
0x11e: {  	[tilespmem:s15+$0xFFFFFE80] =	vst v26  }
0x11f: {  	v26 =	vld.idx.msk [tilespmem:v27+s2+$0x0], $0xffff;
	_ =	sdelay $0x1  }
0x120: {  	v27 =	vor.u32 s14, v12;
	_ =	sdelay $0x2  }
0x121: {  	v26 =	vadd.s32 $0x2AF8, v26  }
0x122: {  	[tilespmem:s15+$0xFFFFFF00] =	vst v26  }
0x123: {  	v26 =	vld.idx.msk [tilespmem:v27+s2+$0x0], $0xffff;
	_ =	sdelay $0x1  }
0x124: {  	v27 =	vor.u32 s14, v13;
	_ =	sdelay $0x2  }
0x125: {  	v26 =	vadd.s32 $0x2EE0, v26  }
0x126: {  	[tilespmem:s15+$0xFFFFFF80] =	vst v26  }
0x127: {  	v26 =	vld.idx.msk [tilespmem:v27+s2+$0x0], $0xffff;
	_ =	sdelay $0x1  }
0x128: {  	v27 =	vor.u32 s14, v14;
	_ =	sdelay $0x2  }
0x129: {  	v26 =	vadd.s32 $0x32C8, v26  }
0x12a: {  	[tilespmem:s15+$0x0] =	vst v26  }
0x12b: {  	v26 =	vld.idx.msk [tilespmem:v27+s2+$0x0], $0xffff;
	_ =	sdelay $0x1  }
0x12c: {  	v27 =	vor.u32 s14, v15;
	_ =	sdelay $0x2  }
0x12d: {  	v26 =	vadd.s32 $0x36B0, v26  }
0x12e: {  	[tilespmem:s15+$0x80] =	vst v26  }
0x12f: {  	v26 =	vld.idx.msk [tilespmem:v27+s2+$0x0], $0xffff;
	_ =	sdelay $0x1  }
0x130: {  	v27 =	vor.u32 s14, v16;
	_ =	sdelay $0x2  }
0x131: {  	v26 =	vadd.s32 $0x3A98, v26  }
0x132: {  	[tilespmem:s15+$0x100] =	vst v26  }
0x133: {  	v26 =	vld.idx.msk [tilespmem:v27+s2+$0x0], $0xffff;
	_ =	sdelay $0x1  }
0x134: {  	v27 =	vor.u32 s14, v17;
	_ =	sdelay $0x2  }
0x135: {  	v26 =	vadd.s32 $0x3E80, v26  }
0x136: {  	[tilespmem:s15+$0x180] =	vst v26  }
0x137: {  	v26 =	vld.idx.msk [tilespmem:v27+s2+$0x0], $0xffff;
	_ =	sdelay $0x1  }
0x138: {  	v27 =	vor.u32 s14, v18;
	_ =	sdelay $0x2  }
0x139: {  	v26 =	vadd.s32 $0x4268, v26  }
0x13a: {  	[tilespmem:s15+$0x200] =	vst v26  }
0x13b: {  	v26 =	vld.idx.msk [tilespmem:v27+s2+$0x0], $0xffff;
	_ =	sdelay $0x1  }
0x13c: {  	v27 =	vor.u32 s14, v19;
	_ =	sdelay $0x2  }
0x13d: {  	v26 =	vadd.s32 $0x4650, v26  }
0x13e: {  	[tilespmem:s15+$0x280] =	vst v26  }
0x13f: {  	v26 =	vld.idx.msk [tilespmem:v27+s2+$0x0], $0xffff;
	_ =	sdelay $0x1  }
0x140: {  	v27 =	vor.u32 s14, v20;
	_ =	sdelay $0x2  }
0x141: {  	v26 =	vadd.s32 $0x4A38, v26  }
0x142: {  	[tilespmem:s15+$0x300] =	vst v26  }
0x143: {  	v26 =	vld.idx.msk [tilespmem:v27+s2+$0x0], $0xffff;
	_ =	sdelay $0x1  }
0x144: {  	v27 =	vor.u32 s14, v21;
	_ =	sdelay $0x2  }
0x145: {  	v26 =	vadd.s32 $0x4E20, v26  }
0x146: {  	[tilespmem:s15+$0x380] =	vst v26  }
0x147: {  	v26 =	vld.idx.msk [tilespmem:v27+s2+$0x0], $0xffff;
	_ =	sdelay $0x1  }
0x148: {  	v27 =	vor.u32 s14, v22;
	_ =	sdelay $0x2  }
0x149: {  	v26 =	vadd.s32 $0x5208, v26  }
0x14a: {  	[tilespmem:s15+$0x400] =	vst v26  }
0x14b: {  	v26 =	vld.idx.msk [tilespmem:v27+s2+$0x0], $0xffff;
	_ =	sdelay $0x1  }
0x14c: {  	v27 =	vor.u32 s14, v23;
	_ =	sdelay $0x2  }
0x14d: {  	v26 =	vadd.s32 $0x55F0, v26  }
0x14e: {  	[tilespmem:s15+$0x480] =	vst v26  }
0x14f: {  	v26 =	vld.idx.msk [tilespmem:v27+s2+$0x0], $0xffff;
	_ =	sdelay $0x1  }
0x150: {  	v27 =	vor.u32 s14, v24;
	_ =	sdelay $0x2  }
0x151: {  	v26 =	vadd.s32 $0x59D8, v26  }
0x152: {  	[tilespmem:s15+$0x500] =	vst v26  }
0x153: {  	v26 =	vld.idx.msk [tilespmem:v27+s2+$0x0], $0xffff;
	_ =	sdelay $0x1  }
0x154: {  	v27 =	vor.u32 s14, v25;
	_ =	sdelay $0x2  }
0x155: {  	v26 =	vadd.s32 $0x5DC0, v26  }
0x156: {  	[tilespmem:s15+$0x580] =	vst v26  }
0x157: {  	v26 =	vld.idx.msk [tilespmem:v27+s2+$0x0], $0xffff;
	_ =	sdelay $0x4  }
0x158: {  	v26 =	vadd.s32 $0x61A8, v26  }
0x159: {  	s13 =	rddreg [dreg:$0x3];
	s14 =	simm.s32 $0xD00;
	[tilespmem:s15+$0x600] =	vst v26;
	s15 =	simm.s32 $0x4000  }
0x15a: {  	[tilespmem:s6], [sflag:$0x1] =	stream.indirect.gather [hbm4b:s13+s14], $0x10, s15, s14, $0xb8;
	[tilespmem:$0x18310] =	vst v63  }
0x15b: {  	_ =	swait.ge [sflag:s7], $0x6590  }
0x15c: {  	[sflag:s7] =	ssyncset.done $0x0  }
0x15d: {  	s13 =	simm.s32 $0x0;
	[sflag:s7] =	ssyncadd.s32 $0xFFFF9A70  }
0x15e: {  	v26 =	vld [tilespmem:s13+$0x4000];
	_ =	sdelay $0x1  }
0x15f: {  	v27 =	vld [tilespmem:s13+$0x4080];
	_ =	sdelay $0x1  }
0x160: {  	v28 =	vld [tilespmem:s13+$0x4100];
	_ =	sdelay $0x1  }
0x161: {  	v29 =	vld [tilespmem:s13+$0x4180]  }
0x162: {  	v30 =	vld [tilespmem:s13+$0x4200]  }
0x163: {  	v26 =	vld.idx.msk [tilespmem:v26+s4+$0x0], $0xffff  }
0x164: {  	v31 =	vld [tilespmem:s13+$0x4280]  }
0x165: {  	v27 =	vld.idx.msk [tilespmem:v27+s4+$0x0], $0xffff  }
0x166: {  	v32 =	vld [tilespmem:s13+$0x4300]  }
0x167: {  	v28 =	vld.idx.msk [tilespmem:v28+s4+$0x0], $0xffff  }
0x168: {  	v33 =	vld [tilespmem:s13+$0x4380];
	v26 =	vadd.f32 $0.0e+00, v26  }
0x169: {  	v29 =	vld.idx.msk [tilespmem:v29+s4+$0x0], $0xffff  }
0x16a: {  	v34 =	vld [tilespmem:s13+$0x4400];
	v26 =	vadd.f32 v27, v26  }
0x16b: {  	v27 =	vld.idx.msk [tilespmem:v30+s4+$0x0], $0xffff  }
0x16c: {  	v30 =	vld [tilespmem:s13+$0x4480];
	v26 =	vadd.f32 v28, v26  }
0x16d: {  	v28 =	vld.idx.msk [tilespmem:v31+s4+$0x0], $0xffff  }
0x16e: {  	v31 =	vld [tilespmem:s13+$0x4500];
	v26 =	vadd.f32 v29, v26  }
0x16f: {  	v29 =	vld.idx.msk [tilespmem:v32+s4+$0x0], $0xffff  }
0x170: {  	v54 =	vld [tilespmem:s13+$0x4580];
	v26 =	vadd.f32 v27, v26  }
0x171: {  	v27 =	vld.idx.msk [tilespmem:v33+s4+$0x0], $0xffff  }
0x172: {  	v55 =	vld [tilespmem:s13+$0x4600];
	v26 =	vadd.f32 v28, v26  }
0x173: {  	v28 =	vld.idx.msk [tilespmem:v34+s4+$0x0], $0xffff  }
0x174: {  	v56 =	vld [tilespmem:s13+$0x4680];
	v26 =	vadd.f32 v29, v26  }
0x175: {  	v29 =	vld.idx.msk [tilespmem:v30+s4+$0x0], $0xffff  }
0x176: {  	v30 =	vld [tilespmem:s13+$0x4700];
	v26 =	vadd.f32 v27, v26  }
0x177: {  	v27 =	vld.idx.msk [tilespmem:v31+s4+$0x0], $0xffff  }
0x178: {  	v31 =	vld [tilespmem:s13+$0x4780];
	v26 =	vadd.f32 v28, v26  }
0x179: {  	v28 =	vld.idx.msk [tilespmem:v54+s4+$0x0], $0xffff  }
0x17a: {  	v57 =	vld [tilespmem:s13+$0x4800];
	v26 =	vadd.f32 v29, v26  }
0x17b: {  	v29 =	vld.idx.msk [tilespmem:v55+s4+$0x0], $0xffff  }
0x17c: {  	v58 =	vld [tilespmem:s13+$0x4880];
	v26 =	vadd.f32 v27, v26  }
0x17d: {  	v27 =	vld.idx.msk [tilespmem:v56+s4+$0x0], $0xffff  }
0x17e: {  	v59 =	vld [tilespmem:s13+$0x4900];
	v26 =	vadd.f32 v28, v26  }
0x17f: {  	v28 =	vld.idx.msk [tilespmem:v30+s4+$0x0], $0xffff  }
0x180: {  	v30 =	vld [tilespmem:s13+$0x4980];
	v26 =	vadd.f32 v29, v26  }
0x181: {  	v29 =	vld.idx.msk [tilespmem:v31+s4+$0x0], $0xffff  }
0x182: {  	v31 =	vld [tilespmem:s13+$0x4A00];
	v26 =	vadd.f32 v27, v26  }
0x183: {  	v27 =	vld.idx.msk [tilespmem:v57+s4+$0x0], $0xffff  }
0x184: {  	v60 =	vld [tilespmem:s13+$0x4A80];
	v26 =	vadd.f32 v28, v26  }
0x185: {  	v28 =	vld.idx.msk [tilespmem:v58+s4+$0x0], $0xffff  }
0x186: {  	v61 =	vld [tilespmem:s13+$0x4B00];
	v26 =	vadd.f32 v29, v26  }
0x187: {  	v29 =	vld.idx.msk [tilespmem:v59+s4+$0x0], $0xffff  }
0x188: {  	v62 =	vld [tilespmem:s13+$0x4B80];
	v26 =	vadd.f32 v27, v26  }
0x189: {  	v27 =	vld.idx.msk [tilespmem:v30+s4+$0x0], $0xffff  }
0x18a: {  	v30 =	vld [tilespmem:s13+$0x4C00];
	v26 =	vadd.f32 v28, v26  }
0x18b: {  	v28 =	vld.idx.msk [tilespmem:v31+s4+$0x0], $0xffff  }
0x18c: {  	v31 =	vld [tilespmem:s13+$0x4C80];
	v26 =	vadd.f32 v29, v26  }
0x18d: {  	v29 =	vld.idx.msk [tilespmem:v60+s4+$0x0], $0xffff  }
0x18e: {  	v26 =	vadd.f32 v27, v26  }
0x18f: {  	v63 =	vld.idx.msk [tilespmem:v61+s4+$0x0], $0xffff  }
0x190: {  	v27 =	vadd.f32 v28, v26  }
0x191: {  	v26 =	vld.idx.msk [tilespmem:v62+s4+$0x0], $0xffff  }
0x192: {  	v28 =	vadd.f32 v29, v27  }
0x193: {  	v27 =	vld.idx.msk [tilespmem:v30+s4+$0x0], $0xffff  }
0x194: {  	s15 =	simm.s32 $0x10;
	s14 =	simm.s32 $0x80;
	v29 =	vadd.f32 v63, v28;
	v28 =	vld.idx.msk [tilespmem:v31+s4+$0x0], $0xffff  }
.LBB2_4:
0x195: {  	p0 =	sne.s32 s14, $0x1C0;
	v30 =	vld [tilespmem:s15+$0x4000]  }
0x196: {  	v26 =	vadd.f32 v26, v29  }
0x197: {  	v29 =	vld [tilespmem:s15+$0x4080]  }
0x198: {  	v26 =	vadd.f32 v27, v26  }
0x199: {  	v27 =	vld [tilespmem:s15+$0x4100]  }
0x19a: {  	v26 =	vadd.f32 v28, v26  }
0x19b: {  	v28 =	vld [tilespmem:s15+$0x4180]  }
0x19c: {  	v31 =	vld [tilespmem:s15+$0x4200];
	[tilespmem:s13+$0x11D00] =	vst v26;
	s13 =	smov.u32 s15  }
0x19d: {  	v26 =	vld.idx.msk [tilespmem:v30+s4+$0x0], $0xffff  }
0x19e: {  	v30 =	vld [tilespmem:s13+$0x4280]  }
0x19f: {  	v29 =	vld.idx.msk [tilespmem:v29+s4+$0x0], $0xffff  }
0x1a0: {  	v32 =	vld [tilespmem:s13+$0x4300]  }
0x1a1: {  	v27 =	vld.idx.msk [tilespmem:v27+s4+$0x0], $0xffff  }
0x1a2: {  	v33 =	vld [tilespmem:s13+$0x4380]  }
0x1a3: {  	v26 =	vadd.f32 $0.0e+00, v26;
	v28 =	vld.idx.msk [tilespmem:v28+s4+$0x0], $0xffff  }
0x1a4: {  	v34 =	vld [tilespmem:s13+$0x4400]  }
0x1a5: {  	v26 =	vadd.f32 v29, v26;
	v29 =	vld.idx.msk [tilespmem:v31+s4+$0x0], $0xffff  }
0x1a6: {  	v31 =	vld [tilespmem:s13+$0x4480]  }
0x1a7: {  	v26 =	vadd.f32 v27, v26;
	v27 =	vld.idx.msk [tilespmem:v30+s4+$0x0], $0xffff  }
0x1a8: {  	v30 =	vld [tilespmem:s13+$0x4500]  }
0x1a9: {  	v26 =	vadd.f32 v28, v26;
	v28 =	vld.idx.msk [tilespmem:v32+s4+$0x0], $0xffff  }
0x1aa: {  	v32 =	vld [tilespmem:s13+$0x4580]  }
0x1ab: {  	v26 =	vadd.f32 v29, v26;
	v29 =	vld.idx.msk [tilespmem:v33+s4+$0x0], $0xffff  }
0x1ac: {  	v33 =	vld [tilespmem:s13+$0x4600]  }
0x1ad: {  	v26 =	vadd.f32 v27, v26;
	v27 =	vld.idx.msk [tilespmem:v34+s4+$0x0], $0xffff  }
0x1ae: {  	v34 =	vld [tilespmem:s13+$0x4680]  }
0x1af: {  	v26 =	vadd.f32 v28, v26;
	v28 =	vld.idx.msk [tilespmem:v31+s4+$0x0], $0xffff  }
0x1b0: {  	v31 =	vld [tilespmem:s13+$0x4700]  }
0x1b1: {  	v26 =	vadd.f32 v29, v26;
	v29 =	vld.idx.msk [tilespmem:v30+s4+$0x0], $0xffff  }
0x1b2: {  	v30 =	vld [tilespmem:s13+$0x4780]  }
0x1b3: {  	v26 =	vadd.f32 v27, v26;
	v27 =	vld.idx.msk [tilespmem:v32+s4+$0x0], $0xffff  }
0x1b4: {  	v32 =	vld [tilespmem:s13+$0x4800]  }
0x1b5: {  	v26 =	vadd.f32 v28, v26;
	v28 =	vld.idx.msk [tilespmem:v33+s4+$0x0], $0xffff  }
0x1b6: {  	v33 =	vld [tilespmem:s13+$0x4880]  }
0x1b7: {  	v26 =	vadd.f32 v29, v26;
	v29 =	vld.idx.msk [tilespmem:v34+s4+$0x0], $0xffff  }
0x1b8: {  	v34 =	vld [tilespmem:s13+$0x4900]  }
0x1b9: {  	v26 =	vadd.f32 v27, v26;
	v27 =	vld.idx.msk [tilespmem:v31+s4+$0x0], $0xffff  }
0x1ba: {  	v31 =	vld [tilespmem:s13+$0x4980]  }
0x1bb: {  	v26 =	vadd.f32 v28, v26;
	v28 =	vld.idx.msk [tilespmem:v30+s4+$0x0], $0xffff  }
0x1bc: {  	v30 =	vld [tilespmem:s13+$0x4A00]  }
0x1bd: {  	v26 =	vadd.f32 v29, v26;
	v29 =	vld.idx.msk [tilespmem:v32+s4+$0x0], $0xffff  }
0x1be: {  	v32 =	vld [tilespmem:s13+$0x4A80]  }
0x1bf: {  	v26 =	vadd.f32 v27, v26;
	v27 =	vld.idx.msk [tilespmem:v33+s4+$0x0], $0xffff  }
0x1c0: {  	v33 =	vld [tilespmem:s13+$0x4B00]  }
0x1c1: {  	v26 =	vadd.f32 v28, v26;
	v28 =	vld.idx.msk [tilespmem:v34+s4+$0x0], $0xffff  }
0x1c2: {  	v34 =	vld [tilespmem:s13+$0x4B80]  }
0x1c3: {  	v26 =	vadd.f32 v29, v26;
	v29 =	vld.idx.msk [tilespmem:v31+s4+$0x0], $0xffff  }
0x1c4: {  	v31 =	vld [tilespmem:s13+$0x4C00]  }
0x1c5: {  	v26 =	vadd.f32 v27, v26;
	v27 =	vld.idx.msk [tilespmem:v30+s4+$0x0], $0xffff  }
0x1c6: {  	v30 =	vld [tilespmem:s13+$0x4C80]  }
0x1c7: {  	v26 =	vadd.f32 v28, v26;
	v28 =	vld.idx.msk [tilespmem:v32+s4+$0x0], $0xffff;
	_ =	sdelay $0x1  }
0x1c8: {  	v26 =	vadd.f32 v29, v26;
	v29 =	vld.idx.msk [tilespmem:v33+s4+$0x0], $0xffff;
	_ =	sdelay $0x1  }
.Ltmp1:
0x1c9: {  	v27 =	vadd.f32 v27, v26;
	v26 =	vld.idx.msk [tilespmem:v34+s4+$0x0], $0xffff;
	(pc) =	sbr.rel @p0 .LBB2_4-.Ltmp1, $3  }
0x1ca: {  	_ = 	snop  }
0x1cb: {  	v28 =	vadd.f32 v28, v27;
	v27 =	vld.idx.msk [tilespmem:v31+s4+$0x0], $0xffff;
	_ =	sdelay $0x1  }
0x1cc: {  	s15 =	sshra.s32 s14, $0x2;
	s14 =	sadd.s32 $0x40, s14;
	v29 =	vadd.f32 v29, v28;
	v28 =	vld.idx.msk [tilespmem:v30+s4+$0x0], $0xffff  }
0x1cd: {  	v30 =	vld [tilespmem:s15+$0x4000]  }
0x1ce: {  	v26 =	vadd.f32 v26, v29  }
0x1cf: {  	v57 =	vld [tilespmem:s15+$0x4080]  }
0x1d0: {  	v26 =	vadd.f32 v27, v26  }
0x1d1: {  	v27 =	vld [tilespmem:s15+$0x4100]  }
0x1d2: {  	v26 =	vadd.f32 v28, v26  }
0x1d3: {  	v58 =	vld [tilespmem:s15+$0x4180]  }
0x1d4: {  	v31 =	vld [tilespmem:s15+$0x4200];
	[tilespmem:s13+$0x11D00] =	vst v26  }
0x1d5: {  	v26 =	vld.idx.msk [tilespmem:v30+s4+$0x0], $0xffff  }
0x1d6: {  	v59 =	vld [tilespmem:s15+$0x4280]  }
0x1d7: {  	v29 =	vld.idx.msk [tilespmem:v57+s4+$0x0], $0xffff  }
0x1d8: {  	v32 =	vld [tilespmem:s15+$0x4300]  }
0x1d9: {  	v27 =	vld.idx.msk [tilespmem:v27+s4+$0x0], $0xffff  }
0x1da: {  	v33 =	vld [tilespmem:s15+$0x4380];
	v26 =	vadd.f32 $0.0e+00, v26  }
0x1db: {  	v28 =	vld.idx.msk [tilespmem:v58+s4+$0x0], $0xffff  }
0x1dc: {  	v34 =	vld [tilespmem:s15+$0x4400];
	v26 =	vadd.f32 v29, v26  }
0x1dd: {  	v60 =	vld.idx.msk [tilespmem:v31+s4+$0x0], $0xffff  }
0x1de: {  	v61 =	vld [tilespmem:s15+$0x4480];
	v26 =	vadd.f32 v27, v26  }
0x1df: {  	v27 =	vld.idx.msk [tilespmem:v59+s4+$0x0], $0xffff  }
0x1e0: {  	v62 =	vld [tilespmem:s15+$0x4500];
	v26 =	vadd.f32 v28, v26  }
0x1e1: {  	v63 =	vld.idx.msk [tilespmem:v32+s4+$0x0], $0xffff  }
0x1e2: {  	v36 =	vld [tilespmem:s15+$0x4580];
	v26 =	vadd.f32 v60, v26  }
0x1e3: {  	v37 =	vld.idx.msk [tilespmem:v33+s4+$0x0], $0xffff  }
0x1e4: {  	v38 =	vld [tilespmem:s15+$0x4600];
	v26 =	vadd.f32 v27, v26  }
0x1e5: {  	v27 =	vld.idx.msk [tilespmem:v34+s4+$0x0], $0xffff  }
0x1e6: {  	v39 =	vld [tilespmem:s15+$0x4680];
	v26 =	vadd.f32 v63, v26  }
0x1e7: {  	v40 =	vld.idx.msk [tilespmem:v61+s4+$0x0], $0xffff  }
0x1e8: {  	v41 =	vld [tilespmem:s15+$0x4700];
	v26 =	vadd.f32 v37, v26  }
0x1e9: {  	v42 =	vld.idx.msk [tilespmem:v62+s4+$0x0], $0xffff  }
0x1ea: {  	v43 =	vld [tilespmem:s15+$0x4780];
	v26 =	vadd.f32 v27, v26  }
0x1eb: {  	v27 =	vld.idx.msk [tilespmem:v36+s4+$0x0], $0xffff  }
0x1ec: {  	v44 =	vld [tilespmem:s15+$0x4800];
	v26 =	vadd.f32 v40, v26  }
0x1ed: {  	v45 =	vld.idx.msk [tilespmem:v38+s4+$0x0], $0xffff  }
0x1ee: {  	v46 =	vld [tilespmem:s15+$0x4880];
	v26 =	vadd.f32 v42, v26  }
0x1ef: {  	v47 =	vld.idx.msk [tilespmem:v39+s4+$0x0], $0xffff  }
0x1f0: {  	v48 =	vld [tilespmem:s15+$0x4900];
	v26 =	vadd.f32 v27, v26  }
0x1f1: {  	v27 =	vld.idx.msk [tilespmem:v41+s4+$0x0], $0xffff  }
0x1f2: {  	v49 =	vld [tilespmem:s15+$0x4980];
	v26 =	vadd.f32 v45, v26  }
0x1f3: {  	v50 =	vld.idx.msk [tilespmem:v43+s4+$0x0], $0xffff  }
0x1f4: {  	v51 =	vld [tilespmem:s15+$0x4A00];
	v26 =	vadd.f32 v47, v26  }
0x1f5: {  	v52 =	vld.idx.msk [tilespmem:v44+s4+$0x0], $0xffff  }
0x1f6: {  	v53 =	vld [tilespmem:s15+$0x4A80];
	v26 =	vadd.f32 v27, v26  }
0x1f7: {  	v27 =	vld.idx.msk [tilespmem:v46+s4+$0x0], $0xffff  }
0x1f8: {  	v54 =	vld [tilespmem:s15+$0x4B00];
	v26 =	vadd.f32 v50, v26  }
0x1f9: {  	v55 =	vld.idx.msk [tilespmem:v48+s4+$0x0], $0xffff  }
0x1fa: {  	v56 =	vld [tilespmem:s15+$0x4B80];
	v26 =	vadd.f32 v52, v26  }
0x1fb: {  	v57 =	vld.idx.msk [tilespmem:v49+s4+$0x0], $0xffff  }
0x1fc: {  	v58 =	vld [tilespmem:s15+$0x4C00];
	v26 =	vadd.f32 v27, v26  }
0x1fd: {  	v27 =	vld.idx.msk [tilespmem:v51+s4+$0x0], $0xffff  }
0x1fe: {  	v59 =	vld [tilespmem:s15+$0x4C80];
	v26 =	vadd.f32 v55, v26  }
0x1ff: {  	v60 =	vld.idx.msk [tilespmem:v53+s4+$0x0], $0xffff  }
0x200: {  	v26 =	vadd.f32 v57, v26  }
0x201: {  	v61 =	vld.idx.msk [tilespmem:v54+s4+$0x0], $0xffff  }
0x202: {  	v26 =	vadd.f32 v27, v26  }
0x203: {  	v27 =	vld.idx.msk [tilespmem:v56+s4+$0x0], $0xffff  }
0x204: {  	v26 =	vadd.f32 v60, v26  }
0x205: {  	v62 =	vld.idx.msk [tilespmem:v58+s4+$0x0], $0xffff  }
0x206: {  	v26 =	vadd.f32 v61, v26  }
0x207: {  	v63 =	vld.idx.msk [tilespmem:v59+s4+$0x0], $0xffff  }
0x208: {  	v26 =	vadd.f32 v27, v26;
	_ =	sdelay $0x1  }
0x209: {  	v26 =	vadd.f32 v62, v26;
	_ =	sdelay $0x1  }
0x20a: {  	v26 =	vadd.f32 v63, v26;
	_ =	sdelay $0x1  }
0x20b: {  	[tilespmem:s15+$0x11D00] =	vst v26  }
0x20c: {  	_ =	swait.ge [sflag:s8], $0xD000  }
0x20d: {  	[sflag:s8] =	ssyncset.done $0x0  }
0x20e: {  	s14 =	rddreg [dreg:$0x6];
	[sflag:s8] =	ssyncadd.s32 $0xFFFF3000  }
0x20f: {  	[hbm4b:s14+s9] =	stream.strided.scatter [tilespmem:s6], [sflag:$0x2], $0x800, s10, s9, $0x38;
	[tilespmem:$0x18310] =	vst v63  }
0x210: {  	s15 =	rddreg [dreg:$0x7];
	s14 =	simm.s32 $0x5500  }
0x211: {  	[hbm4b:s15+s9] =	stream.strided.scatter [tilespmem:s14], [sflag:$0x2], $0x800, s10, s9, $0x38;
	[tilespmem:$0x18310] =	vst v63  }
0x212: {  	s14 =	rddreg [dreg:$0x8];
	s15 =	simm.s32 $0x5D00  }
0x213: {  	[hbm4b:s14+s9] =	stream.strided.scatter [tilespmem:s15], [sflag:$0x2], $0x800, s10, s9, $0x38;
	[tilespmem:$0x18310] =	vst v63  }
0x214: {  	s14 =	rddreg [dreg:$0x9];
	s15 =	simm.s32 $0x6500  }
0x215: {  	[hbm4b:s14+s9] =	stream.strided.scatter [tilespmem:s15], [sflag:$0x2], $0x800, s10, s9, $0x38;
	[tilespmem:$0x18310] =	vst v63  }
0x216: {  	s14 =	rddreg [dreg:$0xa];
	s15 =	simm.s32 $0x6D00  }
0x217: {  	[hbm4b:s14+s9] =	stream.strided.scatter [tilespmem:s15], [sflag:$0x2], $0x800, s10, s9, $0x38;
	[tilespmem:$0x18310] =	vst v63  }
0x218: {  	s14 =	rddreg [dreg:$0xb];
	s15 =	simm.s32 $0x7500  }
0x219: {  	[hbm4b:s14+s9] =	stream.strided.scatter [tilespmem:s15], [sflag:$0x2], $0x800, s10, s9, $0x38;
	[tilespmem:$0x18310] =	vst v63  }
0x21a: {  	s14 =	rddreg [dreg:$0xc];
	s15 =	simm.s32 $0x7D00  }
0x21b: {  	[hbm4b:s14+s9] =	stream.strided.scatter [tilespmem:s15], [sflag:$0x2], $0x800, s10, s9, $0x38;
	[tilespmem:$0x18310] =	vst v63  }
0x21c: {  	s14 =	rddreg [dreg:$0xd];
	s15 =	simm.s32 $0x8500  }
0x21d: {  	[hbm4b:s14+s9] =	stream.strided.scatter [tilespmem:s15], [sflag:$0x2], $0x800, s10, s9, $0x38;
	[tilespmem:$0x18310] =	vst v63  }
0x21e: {  	s14 =	rddreg [dreg:$0xe];
	s15 =	simm.s32 $0x8D00  }
0x21f: {  	[hbm4b:s14+s9] =	stream.strided.scatter [tilespmem:s15], [sflag:$0x2], $0x800, s10, s9, $0x38;
	[tilespmem:$0x18310] =	vst v63  }
0x220: {  	s14 =	rddreg [dreg:$0xf];
	s15 =	simm.s32 $0x9500  }
0x221: {  	[hbm4b:s14+s9] =	stream.strided.scatter [tilespmem:s15], [sflag:$0x2], $0x800, s10, s9, $0x38;
	[tilespmem:$0x18310] =	vst v63  }
0x222: {  	s15 =	simm.s32 $0x9D00  }
0x223: {  	[hbm4b:s16+s9] =	stream.strided.scatter [tilespmem:s15], [sflag:$0x2], $0x800, s10, s9, $0x38;
	[tilespmem:$0x18310] =	vst v63  }
0x224: {  	s14 =	simm.s32 $0xA500  }
0x225: {  	[hbm4b:s17+s9] =	stream.strided.scatter [tilespmem:s14], [sflag:$0x2], $0x800, s10, s9, $0x38;
	[tilespmem:$0x18310] =	vst v63  }
0x226: {  	s15 =	simm.s32 $0xAD00  }
0x227: {  	[hbm4b:s18+s9] =	stream.strided.scatter [tilespmem:s15], [sflag:$0x2], $0x800, s10, s9, $0x38;
	[tilespmem:$0x18310] =	vst v63  }
0x228: {  	s14 =	simm.s32 $0xB500  }
0x229: {  	[hbm4b:s19+s9] =	stream.strided.scatter [tilespmem:s14], [sflag:$0x2], $0x800, s10, s9, $0x38;
	[tilespmem:$0x18310] =	vst v63  }
0x22a: {  	s15 =	simm.s32 $0xBD00  }
0x22b: {  	[hbm4b:s20+s9] =	stream.strided.scatter [tilespmem:s15], [sflag:$0x2], $0x800, s10, s9, $0x38;
	[tilespmem:$0x18310] =	vst v63  }
0x22c: {  	s14 =	simm.s32 $0xC500  }
0x22d: {  	[hbm4b:s21+s9] =	stream.strided.scatter [tilespmem:s14], [sflag:$0x2], $0x800, s10, s9, $0x38;
	[tilespmem:$0x18310] =	vst v63  }
0x22e: {  	s15 =	simm.s32 $0xCD00  }
0x22f: {  	[hbm4b:s23+s9] =	stream.strided.scatter [tilespmem:s15], [sflag:$0x2], $0x800, s10, s9, $0x38;
	[tilespmem:$0x18310] =	vst v63  }
0x230: {  	s14 =	simm.s32 $0xD500  }
0x231: {  	[hbm4b:s24+s9] =	stream.strided.scatter [tilespmem:s14], [sflag:$0x2], $0x800, s10, s9, $0x38;
	[tilespmem:$0x18310] =	vst v63  }
0x232: {  	s15 =	simm.s32 $0xDD00  }
0x233: {  	[hbm4b:s25+s9] =	stream.strided.scatter [tilespmem:s15], [sflag:$0x2], $0x800, s10, s9, $0x38;
	[tilespmem:$0x18310] =	vst v63  }
0x234: {  	s14 =	simm.s32 $0xE500  }
0x235: {  	[hbm4b:s26+s9] =	stream.strided.scatter [tilespmem:s14], [sflag:$0x2], $0x800, s10, s9, $0x38;
	[tilespmem:$0x18310] =	vst v63  }
0x236: {  	s15 =	simm.s32 $0xED00  }
0x237: {  	[hbm4b:s28+s9] =	stream.strided.scatter [tilespmem:s15], [sflag:$0x2], $0x800, s10, s9, $0x38;
	[tilespmem:$0x18310] =	vst v63  }
0x238: {  	s14 =	simm.s32 $0xF500  }
0x239: {  	[hbm4b:s29+s9] =	stream.strided.scatter [tilespmem:s14], [sflag:$0x2], $0x800, s10, s9, $0x38;
	[tilespmem:$0x18310] =	vst v63  }
0x23a: {  	s15 =	simm.s32 $0xFD00  }
0x23b: {  	[hbm4b:s30+s9] =	stream.strided.scatter [tilespmem:s15], [sflag:$0x2], $0x800, s10, s9, $0x38;
	[tilespmem:$0x18310] =	vst v63  }
0x23c: {  	s14 =	simm.s32 $0x10500  }
0x23d: {  	[hbm4b:s31+s9] =	stream.strided.scatter [tilespmem:s14], [sflag:$0x2], $0x800, s10, s9, $0x38;
	[tilespmem:$0x18310] =	vst v63  }
0x23e: {  	s15 =	simm.s32 $0x10D00  }
0x23f: {  	[hbm4b:s0+s9] =	stream.strided.scatter [tilespmem:s15], [sflag:$0x2], $0x800, s10, s9, $0x38;
	[tilespmem:$0x18310] =	vst v63  }
0x240: {  	s14 =	simm.s32 $0x11500  }
0x241: {  	[hbm4b:s1+s9] =	stream.strided.scatter [tilespmem:s14], [sflag:$0x2], $0x800, s10, s9, $0x38;
	[tilespmem:$0x18310] =	vst v63  }
0x242: {  	_ =	swait.ge [sflag:s11], $0x800  }
0x243: {  	[sflag:s11] =	ssyncset.done $0x0  }
0x244: {  	[sflag:s11] =	ssyncadd.s32 $0xFFFFF800  }
0x245: {  	_ =	swait.ge [sflag:s11], $0x800  }
0x246: {  	[sflag:s11] =	ssyncset.done $0x0  }
0x247: {  	[sflag:s11] =	ssyncadd.s32 $0xFFFFF800  }
0x248: {  	_ =	swait.ge [sflag:s11], $0x800  }
0x249: {  	[sflag:s11] =	ssyncset.done $0x0  }
0x24a: {  	[sflag:s11] =	ssyncadd.s32 $0xFFFFF800  }
0x24b: {  	_ =	swait.ge [sflag:s11], $0x800  }
0x24c: {  	[sflag:s11] =	ssyncset.done $0x0  }
0x24d: {  	[sflag:s11] =	ssyncadd.s32 $0xFFFFF800  }
0x24e: {  	_ =	swait.ge [sflag:s11], $0x800  }
0x24f: {  	[sflag:s11] =	ssyncset.done $0x0  }
0x250: {  	[sflag:s11] =	ssyncadd.s32 $0xFFFFF800  }
0x251: {  	_ =	swait.ge [sflag:s11], $0x800  }
0x252: {  	[sflag:s11] =	ssyncset.done $0x0  }
0x253: {  	[sflag:s11] =	ssyncadd.s32 $0xFFFFF800  }
0x254: {  	_ =	swait.ge [sflag:s11], $0x800  }
0x255: {  	[sflag:s11] =	ssyncset.done $0x0  }
0x256: {  	[sflag:s11] =	ssyncadd.s32 $0xFFFFF800  }
0x257: {  	_ =	swait.ge [sflag:s11], $0x800  }
0x258: {  	[sflag:s11] =	ssyncset.done $0x0  }
0x259: {  	[sflag:s11] =	ssyncadd.s32 $0xFFFFF800  }
0x25a: {  	_ =	swait.ge [sflag:s11], $0x800  }
0x25b: {  	[sflag:s11] =	ssyncset.done $0x0  }
0x25c: {  	[sflag:s11] =	ssyncadd.s32 $0xFFFFF800  }
0x25d: {  	_ =	swait.ge [sflag:s11], $0x800  }
0x25e: {  	[sflag:s11] =	ssyncset.done $0x0  }
0x25f: {  	[sflag:s11] =	ssyncadd.s32 $0xFFFFF800  }
0x260: {  	_ =	swait.ge [sflag:s11], $0x800  }
0x261: {  	[sflag:s11] =	ssyncset.done $0x0  }
0x262: {  	[sflag:s11] =	ssyncadd.s32 $0xFFFFF800  }
0x263: {  	_ =	swait.ge [sflag:s11], $0x800  }
0x264: {  	[sflag:s11] =	ssyncset.done $0x0  }
0x265: {  	[sflag:s11] =	ssyncadd.s32 $0xFFFFF800  }
0x266: {  	_ =	swait.ge [sflag:s11], $0x800  }
0x267: {  	[sflag:s11] =	ssyncset.done $0x0  }
0x268: {  	[sflag:s11] =	ssyncadd.s32 $0xFFFFF800  }
0x269: {  	_ =	swait.ge [sflag:s11], $0x800  }
0x26a: {  	[sflag:s11] =	ssyncset.done $0x0  }
0x26b: {  	[sflag:s11] =	ssyncadd.s32 $0xFFFFF800  }
0x26c: {  	_ =	swait.ge [sflag:s11], $0x800  }
0x26d: {  	[sflag:s11] =	ssyncset.done $0x0  }
0x26e: {  	[sflag:s11] =	ssyncadd.s32 $0xFFFFF800  }
0x26f: {  	_ =	swait.ge [sflag:s11], $0x800  }
0x270: {  	[sflag:s11] =	ssyncset.done $0x0  }
0x271: {  	[sflag:s11] =	ssyncadd.s32 $0xFFFFF800  }
0x272: {  	_ =	swait.ge [sflag:s11], $0x800  }
0x273: {  	[sflag:s11] =	ssyncset.done $0x0  }
0x274: {  	[sflag:s11] =	ssyncadd.s32 $0xFFFFF800  }
0x275: {  	_ =	swait.ge [sflag:s11], $0x800  }
0x276: {  	[sflag:s11] =	ssyncset.done $0x0  }
0x277: {  	[sflag:s11] =	ssyncadd.s32 $0xFFFFF800  }
0x278: {  	_ =	swait.ge [sflag:s11], $0x800  }
0x279: {  	[sflag:s11] =	ssyncset.done $0x0  }
0x27a: {  	[sflag:s11] =	ssyncadd.s32 $0xFFFFF800  }
0x27b: {  	_ =	swait.ge [sflag:s11], $0x800  }
0x27c: {  	[sflag:s11] =	ssyncset.done $0x0  }
0x27d: {  	[sflag:s11] =	ssyncadd.s32 $0xFFFFF800  }
0x27e: {  	_ =	swait.ge [sflag:s11], $0x800  }
0x27f: {  	[sflag:s11] =	ssyncset.done $0x0  }
0x280: {  	[sflag:s11] =	ssyncadd.s32 $0xFFFFF800  }
0x281: {  	_ =	swait.ge [sflag:s11], $0x800  }
0x282: {  	[sflag:s11] =	ssyncset.done $0x0  }
0x283: {  	[sflag:s11] =	ssyncadd.s32 $0xFFFFF800  }
0x284: {  	_ =	swait.ge [sflag:s11], $0x800  }
0x285: {  	[sflag:s11] =	ssyncset.done $0x0  }
0x286: {  	[sflag:s11] =	ssyncadd.s32 $0xFFFFF800  }
0x287: {  	_ =	swait.ge [sflag:s11], $0x800  }
0x288: {  	[sflag:s11] =	ssyncset.done $0x0  }
0x289: {  	[sflag:s11] =	ssyncadd.s32 $0xFFFFF800  }
0x28a: {  	_ =	swait.ge [sflag:s11], $0x800  }
0x28b: {  	[sflag:s11] =	ssyncset.done $0x0  }
0x28c: {  	[sflag:s11] =	ssyncadd.s32 $0xFFFFF800  }
0x28d: {  	s12 =	sadd.s32 $0x1, s12;
	_ =	swait.ge [sflag:s11], $0x800  }
0x28e: {  	p0 =	sne.s32 s12, s3;
	[sflag:s11] =	ssyncset.done $0x0  }
.Ltmp2:
0x28f: {  	s15 =	simm.s32 $0x11D00;
	[sflag:s11] =	ssyncadd.s32 $0xFFFFF800;
	(pc) =	sbr.rel @p0 .LBB2_1-.Ltmp2, $4  }
0x290: {  	[hbm4b:s22+s2] =	stream.linear.scatter [tilespmem:s15], [sflag:$0x4], $0x80, $0x38;
	[tilespmem:$0x18310] =	vst v63  }
0x291: {  	_ =	swait.ge [sflag:s5], $0x80  }
0x292: {  	[sflag:s5] =	ssyncset.done $0x0  }
0x293: {  	[sflag:s5] =	ssyncadd.s32 $0xFFFFFF80  }
0x294: {  	_ =	sfence.sel $0x180000  }
0x295: {  	[bflag:$0x0] =	sbarrier.arrive $0xFFFF  }
0x296: {  	_ =	strace $0x90000047  }
0x297: {  	s0 =	stileid.u32;
	[bflag:$0x2] =	sbarrier.arrive $0xFFFF  }
0x298: {  	p0 =	sne.s32 s0, $0x0;
	s0 =	rddreg [dreg:$0x2]  }
0x299: {  	s0 =	sadd.s32 @!p0 $0x100000, s0  }
0x29a: {  	[sflag:s0] =	ssyncadd.tile.s32 @!p0 $0x1;
	_ =	shalt  }
.Lfunc_end2:
_tile_overlayer_lowered:
.L_overlay_start_2:
0x29b: {  	(tag) =	ssettag $0x2  }
0x29c: {  	s0 =	rddreg [dreg:$0x0];
	s2 =	stileid.u32  }
0x29d: {  	s1 =	rddreg [dreg:$0x1];
	p0 =	sne.s32 s2, $0x0  }
0x29e: {  	s3 =	rddreg [dreg:$0x2];
	[bflag:$0x3] =	sbarrier.arrive $0xFFFF;
	s2 =	simm.s32 @!p0 $0x1C04  }
0x29f: {  	[timem:s3], [sflag:s2] =	dma.local @!p0 [hbm:s0], s1  }
0x2a0: {  	s0 =	simm.s32 @!p0 $0x4  }
0x2a1: {  	_ =	swait.ge @!p0 [sflag:s0], s1  }
0x2a2: {  	s1 =	ssub.s32 @!p0 $0x0, s1;
	[sflag:s0] =	ssyncset.done @!p0 $0x0  }
0x2a3: {  	[sflag:s0] =	ssyncadd.s32 @!p0 s1  }
0x2a4: {  	[bflag:$0x3] =	sbarrier.arrive $0xFFFF  }
0x2a5: {  	_ =	shalt  }

</sc_bundles>
